<compile_context>
chip_gen: v7x
topology: tpu7x:2x2x1
jax: 0.10.2.dev20260603
libtpu: 0.0.44.dev20260713+nightly
codegen_flags: <defaults>
</compile_context>

<pallas_src>
import functools

import jax
import jax.numpy as jnp
from jax import lax
from jax.experimental import pallas as pl
from jax.experimental.pallas import tpu as pltpu
from jax.experimental.pallas import tpu_sc as plsc

N = 10000
E = 80000
P = 2
B = 16
HID = 64
GDIM = 50

NPAD = 10240
TILES = 16
NCHUNK = E // 128
KSUB = 40
LAST = NCHUNK - 15 * KSUB
ROWS_PT = NPAD // TILES
BLK = 2048


def _conv(x, w, b, stride=(1, 1), padding=((0, 0), (0, 0))):
    y = lax.conv_general_dilated(x, w, window_strides=stride, padding=padding,
                                 dimension_numbers=('NCHW', 'OIHW', 'NCHW'))
    return y + b[None, :, None, None]


def _stack(t, c1w, c1b, c2w, c2b, c3w, c3b, lw, lb):
    h = _conv(t, c1w, c1b, padding=((P, P), (0, 0)))
    h = _conv(h, c2w, c2b)
    h = _conv(h, c3w, c3b, stride=(1, B // 16))
    return h.reshape(h.shape[0], -1) @ lw.T + lb


def _affine_of_stack(cin, params):
    dim = cin * P * B
    basis = jnp.concatenate(
        [jnp.eye(dim, dtype=jnp.float32), jnp.zeros((1, dim), jnp.float32)], 0
    ).reshape(dim + 1, cin, P, B)
    out = _stack(basis, *params)
    return out[:dim] - out[dim][None], out[dim]


def _sc_body(x32, epf, eaf, z32, z1, oxx, osc,
             jv, iv, eav, rows, acc_ea, acc_deg, red_in, red_out,
             acc_x, stage_s, sem, sem2, sem3):
    c = lax.axis_index("c")
    s = lax.axis_index("s")
    r0 = s * ROWS_PT
    pltpu.sync_copy(z32, acc_x.at[pl.ds(r0, ROWS_PT)])
    pltpu.sync_copy(z1, acc_ea)
    pltpu.sync_copy(z1, acc_deg)
    nb = jnp.where(s < 14, 5, 4)
    base = jnp.where(s < 14, s * 5120, 71680 + (s - 14) * 4096)

    def stg(i, carry):
        pltpu.async_copy(epf.at[c, pl.ds(base + i * 1024, 1024)], jv.at[i], sem3)
        pltpu.async_copy(epf.at[1 - c, pl.ds(base + i * 1024, 1024)], iv.at[i],
                         sem3)
        pltpu.async_copy(eaf.at[pl.ds(base + i * 1024, 1024)], eav.at[i], sem3)
        return carry

    lax.fori_loop(0, nb, stg, 0)

    @pl.when(s == 15)
    def _():
        pltpu.async_copy(epf.at[c, pl.ds(79872, 128)],
                         jv.at[4, pl.ds(0, 128)], sem3)
        pltpu.async_copy(epf.at[1 - c, pl.ds(79872, 128)],
                         iv.at[4, pl.ds(0, 128)], sem3)
        pltpu.async_copy(eaf.at[pl.ds(79872, 128)],
                         eav.at[4, pl.ds(0, 128)], sem3)

    def stg_drain(i, carry):
        pltpu.make_async_copy(epf.at[c, pl.ds(base + i * 1024, 1024)], jv.at[i],
                              sem3).wait()
        pltpu.make_async_copy(epf.at[1 - c, pl.ds(base + i * 1024, 1024)],
                              iv.at[i], sem3).wait()
        pltpu.make_async_copy(eaf.at[pl.ds(base + i * 1024, 1024)], eav.at[i],
                              sem3).wait()
        return carry

    lax.fori_loop(0, nb, stg_drain, 0)

    @pl.when(s == 15)
    def _():
        pltpu.make_async_copy(epf.at[c, pl.ds(79872, 128)],
                              jv.at[4, pl.ds(0, 128)], sem3).wait()
        pltpu.make_async_copy(epf.at[1 - c, pl.ds(79872, 128)],
                              iv.at[4, pl.ds(0, 128)], sem3).wait()
        pltpu.make_async_copy(eaf.at[pl.ds(79872, 128)],
                              eav.at[4, pl.ds(0, 128)], sem3).wait()

    plsc.subcore_barrier()

    for b in range(2):
        pltpu.async_copy(x32.at[jv.at[b]], rows.at[b], sem)

    ones16 = jnp.ones((16,), jnp.float32)

    def step(k, carry):
        b = lax.rem(k, 2)
        pltpu.make_async_copy(x32.at[jv.at[k]], rows.at[b], sem).wait()
        pltpu.async_copy(rows.at[b], acc_x.at[iv.at[k]], sem2, add=True)
        for m in range(64):
            idxv = iv[k, pl.ds(m * 16, 16)]
            vals = eav[k, pl.ds(m * 16, 16)]
            plsc.addupdate_scatter(acc_ea, [idxv], vals)
            plsc.addupdate_scatter(acc_deg, [idxv], ones16)
        pltpu.make_async_copy(rows.at[b], acc_x.at[iv.at[k]], sem2).wait()

        @pl.when(k + 2 < nb)
        def _():
            pltpu.async_copy(x32.at[jv.at[k + 2]],
                             rows.at[lax.rem(k + 2, 2)], sem)

        return carry

    lax.fori_loop(0, nb, step, 0)

    @pl.when(s == 15)
    def _():
        pltpu.async_copy(x32.at[jv.at[4, pl.ds(0, 128)]],
                         rows.at[0, pl.ds(0, 128)], sem).wait()
        pltpu.sync_copy(rows.at[0, pl.ds(0, 128)],
                        acc_x.at[iv.at[4, pl.ds(0, 128)]], add=True)
        for m in range(8):
            idxv = iv[4, pl.ds(m * 16, 16)]
            vals = eav[4, pl.ds(m * 16, 16)]
            plsc.addupdate_scatter(acc_ea, [idxv], vals)
            plsc.addupdate_scatter(acc_deg, [idxv], ones16)

    pltpu.sync_copy(acc_ea, stage_s.at[s, 0])
    pltpu.sync_copy(acc_deg, stage_s.at[s, 1])
    plsc.subcore_barrier()
    pltpu.sync_copy(stage_s.at[:, :, pl.ds(r0, ROWS_PT)], red_in)

    def red(g, carry):
        for r in range(2):
            acc = jnp.zeros((16,), jnp.float32)
            for t in range(TILES):
                acc = acc + red_in[t, r, pl.ds(g * 16, 16)]
            red_out[r, pl.ds(g * 16, 16)] = acc
        return carry

    lax.fori_loop(0, ROWS_PT // 16, red, 0)
    pltpu.sync_copy(red_out, osc.at[c, :, pl.ds(r0, ROWS_PT)])

    pltpu.sync_copy(acc_x.at[pl.ds(r0, ROWS_PT)],
                    oxx.at[c, pl.ds(r0, ROWS_PT)])


@functools.lru_cache(maxsize=1)
def _sc_segment():
    return pl.kernel(
        _sc_body,
        out_type=[
            jax.ShapeDtypeStruct((2, NPAD, 32), jnp.bfloat16),
            jax.ShapeDtypeStruct((2, 2, NPAD), jnp.float32),
        ],
        mesh=plsc.VectorSubcoreMesh(core_axis_name="c", subcore_axis_name="s"),
        compiler_params=pltpu.CompilerParams(use_tc_tiling_on_sc=False,
                                             needs_layout_passes=False),
        scratch_types=[
            pltpu.VMEM((5, 1024), jnp.int32),
            pltpu.VMEM((5, 1024), jnp.int32),
            pltpu.VMEM((5, 1024), jnp.float32),
            pltpu.VMEM((2, 1024, 32), jnp.bfloat16),
            pltpu.VMEM((NPAD,), jnp.float32),
            pltpu.VMEM((NPAD,), jnp.float32),
            pltpu.VMEM((TILES, 2, ROWS_PT), jnp.float32),
            pltpu.VMEM((2, ROWS_PT), jnp.float32),
            pltpu.VMEM_SHARED((NPAD, 32), jnp.bfloat16),
            pltpu.VMEM_SHARED((TILES, 2, NPAD), jnp.float32),
            pltpu.SemaphoreType.DMA,
            pltpu.SemaphoreType.DMA,
            pltpu.SemaphoreType.DMA,
        ],
    )


def _tc_body(xs, fxr, bxr, osc, W, Ws, bg, GM, gmb, FM, fmb, out_ref):
    pid = pl.program_id(0)
    x = xs[...].astype(jnp.float32)
    eaf = osc[0, 0, :]
    degf = osc[0, 1, :]
    eab = osc[1, 0, :]
    degb = osc[1, 1, :]
    Wv = W[...]
    S = jnp.stack([eaf, degf, eab, degb], axis=1)
    h = (jnp.dot(x * degf[:, None], Wv[0:32], preferred_element_type=jnp.float32)
         + jnp.dot(x * degb[:, None], Wv[32:64], preferred_element_type=jnp.float32)
         + jnp.dot(fxr[0].astype(jnp.float32), Wv[64:96], preferred_element_type=jnp.float32)
         + jnp.dot(bxr[0].astype(jnp.float32), Wv[96:128], preferred_element_type=jnp.float32)
         + jnp.dot(S, Ws[...], preferred_element_type=jnp.float32) + bg[...])
    g = jax.nn.sigmoid(jnp.dot(h, GM[...], preferred_element_type=jnp.float32)
                       + gmb[...])
    hv = jnp.dot(h, FM[...], preferred_element_type=jnp.float32) + fmb[...]
    rid = pid * BLK + lax.broadcasted_iota(jnp.int32, (BLK, 1), 0)
    part = jnp.sum(jnp.where(rid < N, g * hv, 0.0), axis=0, keepdims=True)

    @pl.when(pid == 0)
    def _():
        out_ref[...] = jnp.zeros_like(out_ref)

    out_ref[...] += part


def _tc_reduce(xs, oxx, osc, W, Ws, bg, GM, gmb, FM, fmb):
    return pl.pallas_call(
        _tc_body,
        grid=(NPAD // BLK,),
        in_specs=[
            pl.BlockSpec((BLK, 32), lambda i: (i, 0)),
            pl.BlockSpec((1, BLK, 32), lambda i: (0, i, 0)),
            pl.BlockSpec((1, BLK, 32), lambda i: (1, i, 0)),
            pl.BlockSpec((2, 2, BLK), lambda i: (0, 0, i)),
            pl.BlockSpec((128, 64), lambda i: (0, 0)),
            pl.BlockSpec((4, 64), lambda i: (0, 0)),
            pl.BlockSpec((1, 64), lambda i: (0, 0)),
            pl.BlockSpec((64, 64), lambda i: (0, 0)),
            pl.BlockSpec((1, 64), lambda i: (0, 0)),
            pl.BlockSpec((64, 64), lambda i: (0, 0)),
            pl.BlockSpec((1, 64), lambda i: (0, 0)),
        ],
        out_specs=pl.BlockSpec((1, 64), lambda i: (0, 0)),
        out_shape=jax.ShapeDtypeStruct((1, 64), jnp.float32),
    )(xs, oxx, oxx, osc, W, Ws, bg, GM, gmb, FM, fmb)


def _direction_mats(stack_params, nd_w, nd_b, Ag):
    A, b = _affine_of_stack(2, stack_params)
    Wnd = nd_w.reshape(P * B, HID + 1).T
    M = A @ Wnd[:HID]
    w_ea = Wnd[HID]
    cst = b @ Wnd[:HID] + nd_b.reshape(P * B)
    return M[:32] @ Ag, M[32:] @ Ag, w_ea @ Ag, cst @ Ag


def kernel(x, edge_attr, edge_index,
           fwd_c1_w, fwd_c1_b, fwd_c2_w, fwd_c2_b, fwd_c3_w, fwd_c3_b,
           fwd_lin_w, fwd_lin_b, fwd_nd_w, fwd_nd_b,
           bwd_c1_w, bwd_c1_b, bwd_c2_w, bwd_c2_b, bwd_c3_w, bwd_c3_b,
           bwd_lin_w, bwd_lin_b, bwd_nd_w, bwd_nd_b,
           g_c1_w, g_c1_b, g_c2_w, g_c2_b, g_c3_w, g_c3_b,
           g_lin_w, g_lin_b, gm_w, gm_b, fm_w, fm_b):
    f32 = jnp.float32
    Ag, bg = _affine_of_stack(1, (g_c1_w, g_c1_b, g_c2_w, g_c2_b,
                                  g_c3_w, g_c3_b, g_lin_w, g_lin_b))
    Mfi, Mfj, wf, cf = _direction_mats(
        (fwd_c1_w, fwd_c1_b, fwd_c2_w, fwd_c2_b, fwd_c3_w, fwd_c3_b,
         fwd_lin_w, fwd_lin_b), fwd_nd_w, fwd_nd_b, Ag)
    Mbi, Mbj, wb, cb = _direction_mats(
        (bwd_c1_w, bwd_c1_b, bwd_c2_w, bwd_c2_b, bwd_c3_w, bwd_c3_b,
         bwd_lin_w, bwd_lin_b), bwd_nd_w, bwd_nd_b, Ag)
    W_all = jnp.concatenate([Mfi, Mbi, Mfj, Mbj], axis=0)
    Ws = jnp.stack([wf, cf, wb, cb], axis=0)
    GM = jnp.zeros((HID, 64), f32).at[:, :GDIM].set(gm_w.T)
    gmb = jnp.zeros((1, 64), f32).at[0, :GDIM].set(gm_b)
    FM = jnp.zeros((HID, 64), f32).at[:, :GDIM].set(fm_w.T)
    fmb = jnp.zeros((1, 64), f32).at[0, :GDIM].set(fm_b)

    x32p = jnp.pad(x.reshape(N, P * B), ((0, NPAD - N), (0, 0))
                   ).astype(jnp.bfloat16)
    z32 = jnp.zeros((ROWS_PT, 32), jnp.bfloat16)
    z1 = jnp.zeros((NPAD,), f32)

    oxx, osc = _sc_segment()(x32p, edge_index, edge_attr, z32, z1)

    out = _tc_reduce(x32p, oxx, osc, W_all, Ws,
                     bg.reshape(1, HID), GM, gmb, FM, fmb)
    return out[0, :GDIM]

# --- scband reference (transcript-rebuilt; emitter-appended) ---
"""Pipeline reference for scband-graph-representation-63110249447920 (READ-ONLY COPY).

The authoritative reference and input builder live on the scoring server;
editing this copy changes nothing except your own understanding.
"""

import jax, jax.numpy as jnp
import numpy as np

N = 10000
E = 80000
P = 2
B = 16
HID = 64
GDIM = 50
PROP = 1

def _conv2d(x, w, b, stride=(1, 1), padding=((0, 0), (0, 0))):
    y = jax.lax.conv_general_dilated(x, w, window_strides=stride, padding=padding, dimension_numbers=('NCHW', 'OIHW', 'NCHW'))
    return y + b[None, :, None, None]

def _reduce_stack(t, c1w, c1b, c2w, c2b, c3w, c3b, lw, lb):
    h = _conv2d(t, c1w, c1b, padding=((P, P), (0, 0)))
    h = _conv2d(h, c2w, c2b)
    h = _conv2d(h, c3w, c3b, stride=(1, B // 16))
    h = h.reshape(h.shape[0], -1)
    return h @ lw.T + lb

def _mpnn(x, edge_attr, edge_index, pr, mode):
    # PyG flow semantics: source_to_target -> x_i = x[dst], x_j = x[src], aggregate at dst
    #                     target_to_source -> x_i = x[src], x_j = x[dst], aggregate at src
    if mode == 'forward':
        xi = x[edge_index[1]]
        xj = x[edge_index[0]]
        agg = edge_index[1]
    else:
        xi = x[edge_index[0]]
        xj = x[edge_index[1]]
        agg = edge_index[0]
    t = jnp.concatenate([xi[:, None], xj[:, None]], axis=1)  # [E, 2, P, B]
    h = _reduce_stack(t, *pr[:8])                            # [E, HID]
    h = jnp.concatenate([h, edge_attr[:, None]], axis=1)     # [E, HID+1]
    msg = jnp.einsum('ec,pbc->epb', h, pr[8]) + pr[9][None]  # [E, P, B]
    return jnp.zeros_like(x).at[agg].add(msg)                # scatter-add aggregation

PARAM_SHAPES = []
for pre, cin in (('fwd', 2), ('bwd', 2), ('g', 1)):
    PARAM_SHAPES += [
        (pre + '_c1_w', (10, cin, P, 1)), (pre + '_c1_b', (10,)),
        (pre + '_c2_w', (50, 10, P, B // 2 + 1)), (pre + '_c2_b', (50,)),
        (pre + '_c3_w', (5, 50, P, B // 4)), (pre + '_c3_b', (5,)),
        (pre + '_lin_w', (HID, 5 * 3 * 5)), (pre + '_lin_b', (HID,)),
    ]
    if pre != 'g':
        PARAM_SHAPES += [(pre + '_nd_w', (P, B, HID + 1)), (pre + '_nd_b', (P, B))]
PARAM_SHAPES += [('gm_w', (GDIM, HID)), ('gm_b', (GDIM,)), ('fm_w', (GDIM, HID)), ('fm_b', (GDIM,))]
PARAM_NAMES = [n for n, _ in PARAM_SHAPES]

def setup_inputs(seed: int = 0):
    key = jax.random.key(seed)
    inp = {}
    inp['x'] = jax.random.normal(jax.random.fold_in(key, 0), (N, P, B), dtype=jnp.float32)
    inp['edge_attr'] = jax.random.normal(jax.random.fold_in(key, 1), (E,), dtype=jnp.float32)
    inp['edge_index'] = jax.random.randint(jax.random.fold_in(key, 2), (2, E), 0, N, dtype=jnp.int32)
    for i, (name, shape) in enumerate(PARAM_SHAPES):
        inp[name] = jax.random.normal(jax.random.fold_in(key, 100 + i), shape, dtype=jnp.float32) * 0.05
    return inp

def _forward(x, edge_attr, edge_index, params):
    fp = params[0:10]
    bp = params[10:20]
    gp = params[20:28]
    gm_w, gm_b, fm_w, fm_b = params[28:32]
    for _ in range(PROP):
        x = _mpnn(x, edge_attr, edge_index, fp, 'forward') + _mpnn(x, edge_attr, edge_index, bp, 'backward')
    h = _reduce_stack(x[:, None], *gp)             # [N, HID]
    g = jax.nn.sigmoid(h @ gm_w.T + gm_b)          # [N, GDIM]
    hv = h @ fm_w.T + fm_b                         # [N, GDIM]
    return jnp.sum(g * hv, axis=0)                 # [GDIM]

def reference(x, edge_attr, edge_index,
              fwd_c1_w, fwd_c1_b, fwd_c2_w, fwd_c2_b, fwd_c3_w, fwd_c3_b,
              fwd_lin_w, fwd_lin_b, fwd_nd_w, fwd_nd_b,
              bwd_c1_w, bwd_c1_b, bwd_c2_w, bwd_c2_b, bwd_c3_w, bwd_c3_b,
              bwd_lin_w, bwd_lin_b, bwd_nd_w, bwd_nd_b,
              g_c1_w, g_c1_b, g_c2_w, g_c2_b, g_c3_w, g_c3_b,
              g_lin_w, g_lin_b,
              gm_w, gm_b, fm_w, fm_b):
    local_vals = locals()
    params = tuple(local_vals[n] for n in PARAM_NAMES)
    return _forward(x, edge_attr, edge_index, params)

if __name__ == "__main__":
    import jax
    _d = setup_inputs()
    print(jax.jit(kernel)(*tuple(_d.values())))

</pallas_src>

<mosaic_0001>
#map = affine_map<(d0, d1) -> (0, 0)>
#map1 = affine_map<(d0, d1) -> (0)>
#map2 = affine_map<(d0, d1) -> (0, 0, 0)>
module attributes {stable_mosaic.version = 14 : i64} {
  func.func @_sc_body(%arg0: i32, %arg1: i32, %arg2: memref<10240x32xbf16, #tpu.memory_space<hbm>>, %arg3: memref<2x80000xi32, #tpu.memory_space<hbm>>, %arg4: memref<80000xf32, #tpu.memory_space<hbm>>, %arg5: memref<640x32xbf16, #tpu.memory_space<hbm>>, %arg6: memref<10240xf32, #tpu.memory_space<hbm>>, %arg7: memref<2x10240x32xbf16, #tpu.memory_space<hbm>>, %arg8: memref<2x2x10240xf32, #tpu.memory_space<hbm>>, %arg9: memref<5x1024xi32, #tpu.memory_space<vmem>>, %arg10: memref<5x1024xi32, #tpu.memory_space<vmem>>, %arg11: memref<5x1024xf32, #tpu.memory_space<vmem>>, %arg12: memref<2x1024x32xbf16, #tpu.memory_space<vmem>>, %arg13: memref<10240xf32, #tpu.memory_space<vmem>>, %arg14: memref<10240xf32, #tpu.memory_space<vmem>>, %arg15: memref<16x2x640xf32, #tpu.memory_space<vmem>>, %arg16: memref<2x640xf32, #tpu.memory_space<vmem>>, %arg17: memref<10240x32xbf16, #tpu.memory_space<vmem_shared>>, %arg18: memref<16x2x10240xf32, #tpu.memory_space<vmem_shared>>, %arg19: memref<!tpu.dma_semaphore, #tpu.memory_space<semaphore_mem>>, %arg20: memref<!tpu.dma_semaphore, #tpu.memory_space<semaphore_mem>>, %arg21: memref<!tpu.dma_semaphore, #tpu.memory_space<semaphore_mem>>) attributes {dimension_semantics = [#tpu.dimension_semantics<core_parallel>, #tpu.dimension_semantics<subcore_parallel>], iteration_bounds = array<i64: 2, 16>, scalar_prefetch = 0 : i64, scratch_operands = 13 : i64, tpu.core_type = #tpu.core_type<sc_vector_subcore>, window_params = [{transform_indices = #map}, {transform_indices = #map}, {transform_indices = #map1}, {transform_indices = #map}, {transform_indices = #map1}, {transform_indices = #map2}, {transform_indices = #map2}]} {
    %mul3A = arith.constant 640 : i32
    %mul3A_0 = arith.muli %arg1, %mul3A : i32
    "tpu.region"() ({
      %run_scoped3A_84 = tpu.sem_alloc : memref<!tpu.dma_semaphore, #tpu.memory_space<semaphore_mem>>
      %dma_start3A_85 = arith.constant 0 : i32
      %dma_start3A_86 = tpu.memref_slice %arg17[%mul3A_0, %dma_start3A_85] : memref<10240x32xbf16, #tpu.memory_space<vmem_shared>> -> memref<640x32xbf16, #tpu.memory_space<vmem_shared>>
      tpu.enqueue_dma source(%arg5 : memref<640x32xbf16, #tpu.memory_space<hbm>>) target(%dma_start3A_86 : memref<640x32xbf16, #tpu.memory_space<vmem_shared>>) target_semaphore(%run_scoped3A_84 : memref<!tpu.dma_semaphore, #tpu.memory_space<semaphore_mem>>)
      %dma_wait3A = arith.constant 0 : i32
      %dma_wait3A_87 = tpu.memref_slice %arg17[%mul3A_0, %dma_wait3A] : memref<10240x32xbf16, #tpu.memory_space<vmem_shared>> -> memref<640x32xbf16, #tpu.memory_space<vmem_shared>>
      tpu.wait_dma2 semaphore(%run_scoped3A_84 : memref<!tpu.dma_semaphore, #tpu.memory_space<semaphore_mem>>) src(%arg5 : memref<640x32xbf16, #tpu.memory_space<hbm>>) dst(%dma_wait3A_87 : memref<640x32xbf16, #tpu.memory_space<vmem_shared>>)
      tpu.yield
    }) : () -> ()
    "tpu.region"() ({
      %run_scoped3A_84 = tpu.sem_alloc : memref<!tpu.dma_semaphore, #tpu.memory_space<semaphore_mem>>
      tpu.enqueue_dma source(%arg6 : memref<10240xf32, #tpu.memory_space<hbm>>) target(%arg13 : memref<10240xf32, #tpu.memory_space<vmem>>) target_semaphore(%run_scoped3A_84 : memref<!tpu.dma_semaphore, #tpu.memory_space<semaphore_mem>>)
      tpu.wait_dma2 semaphore(%run_scoped3A_84 : memref<!tpu.dma_semaphore, #tpu.memory_space<semaphore_mem>>) src(%arg6 : memref<10240xf32, #tpu.memory_space<hbm>>) dst(%arg13 : memref<10240xf32, #tpu.memory_space<vmem>>)
      tpu.yield
    }) : () -> ()
    "tpu.region"() ({
      %run_scoped3A_84 = tpu.sem_alloc : memref<!tpu.dma_semaphore, #tpu.memory_space<semaphore_mem>>
      tpu.enqueue_dma source(%arg6 : memref<10240xf32, #tpu.memory_space<hbm>>) target(%arg14 : memref<10240xf32, #tpu.memory_space<vmem>>) target_semaphore(%run_scoped3A_84 : memref<!tpu.dma_semaphore, #tpu.memory_space<semaphore_mem>>)
      tpu.wait_dma2 semaphore(%run_scoped3A_84 : memref<!tpu.dma_semaphore, #tpu.memory_space<semaphore_mem>>) src(%arg6 : memref<10240xf32, #tpu.memory_space<hbm>>) dst(%arg14 : memref<10240xf32, #tpu.memory_space<vmem>>)
      tpu.yield
    }) : () -> ()
    %lt3A = arith.constant 14 : i32
    %lt3A_1 = arith.cmpi slt, %arg1, %lt3A : i32
    %jit3A = arith.constant 5 : i32
    %jit3A_2 = arith.constant 4 : i32
    %select_n3A = arith.select %lt3A_1, %jit3A, %jit3A_2 : i32
    %lt3A_3 = arith.constant 14 : i32
    %lt3A_4 = arith.cmpi slt, %arg1, %lt3A_3 : i32
    %mul3A_5 = arith.constant 5120 : i32
    %mul3A_6 = arith.muli %arg1, %mul3A_5 : i32
    %sub3A = arith.constant 14 : i32
    %sub3A_7 = arith.subi %arg1, %sub3A : i32
    %mul3A_8 = arith.constant 4096 : i32
    %mul3A_9 = arith.muli %sub3A_7, %mul3A_8 : i32
    %add3A = arith.constant 71680 : i32
    %add3A_10 = arith.addi %add3A, %mul3A_9 : i32
    %select_n3A_11 = arith.select %lt3A_4, %mul3A_6, %add3A_10 : i32
    %while3A = arith.constant 0 : i32
    %while3A_12 = arith.constant 0 : i32
    %while3A_13 = arith.subi %select_n3A, %while3A_12 : i32
    %while3A_14 = arith.addi %while3A_12, %while3A_13 : i32
    %while3A_15 = arith.constant 1 : i32
    %while3A_16 = arith.divsi %while3A_13, %while3A_15 : i32
    %while3A_17 = arith.muli %while3A_16, %while3A_15 : i32
    %while3A_18 = arith.addi %while3A_12, %while3A_17 : i32
    %while3A_19 = arith.constant 1 : i32
    scf.for %while3A_84 = %while3A_12 to %while3A_18 step %while3A_19  : i32 {
      %mul3A_85 = arith.constant 1024 : i32
      %mul3A_86 = arith.muli %while3A_84, %mul3A_85 : i32
      %add3A_87 = arith.addi %select_n3A_11, %mul3A_86 : i32
      %dma_start3A_88 = arith.constant 0 : i32
      %dma_start3A_89 = tpu.memref_slice %arg9[%while3A_84, %dma_start3A_88] : memref<5x1024xi32, #tpu.memory_space<vmem>> -> memref<1x1024xi32, #tpu.memory_space<vmem>>
      %dma_start3A_90 = tpu.memref_squeeze %dma_start3A_89 : memref<1x1024xi32, #tpu.memory_space<vmem>> -> memref<1024xi32, #tpu.memory_space<vmem>>
      %dma_start3A_91 = tpu.memref_slice %arg3[%arg0, %add3A_87] : memref<2x80000xi32, #tpu.memory_space<hbm>> -> memref<1x1024xi32, #tpu.memory_space<hbm>>
      %dma_start3A_92 = tpu.memref_squeeze %dma_start3A_91 : memref<1x1024xi32, #tpu.memory_space<hbm>> -> memref<1024xi32, #tpu.memory_space<hbm>>
      %dma_start3A_93 = arith.constant 0 : i32
      %dma_start3A_94 = tpu.memref_slice %arg9[%while3A_84, %dma_start3A_93] : memref<5x1024xi32, #tpu.memory_space<vmem>> -> memref<1x1024xi32, #tpu.memory_space<vmem>>
      %dma_start3A_95 = tpu.memref_squeeze %dma_start3A_94 : memref<1x1024xi32, #tpu.memory_space<vmem>> -> memref<1024xi32, #tpu.memory_space<vmem>>
      %dma_start3A_96 = tpu.memref_slice %arg3[%arg0, %add3A_87] : memref<2x80000xi32, #tpu.memory_space<hbm>> -> memref<1x1024xi32, #tpu.memory_space<hbm>>
      %dma_start3A_97 = tpu.memref_squeeze %dma_start3A_96 : memref<1x1024xi32, #tpu.memory_space<hbm>> -> memref<1024xi32, #tpu.memory_space<hbm>>
      tpu.enqueue_dma source(%dma_start3A_97 : memref<1024xi32, #tpu.memory_space<hbm>>) target(%dma_start3A_95 : memref<1024xi32, #tpu.memory_space<vmem>>) target_semaphore(%arg21 : memref<!tpu.dma_semaphore, #tpu.memory_space<semaphore_mem>>)
      %sub3A_98 = arith.constant 1 : i32
      %sub3A_99 = arith.subi %sub3A_98, %arg0 : i32
      %mul3A_100 = arith.constant 1024 : i32
      %mul3A_101 = arith.muli %while3A_84, %mul3A_100 : i32
      %add3A_102 = arith.addi %select_n3A_11, %mul3A_101 : i32
      %dma_start3A_103 = arith.constant 0 : i32
      %dma_start3A_104 = tpu.memref_slice %arg10[%while3A_84, %dma_start3A_103] : memref<5x1024xi32, #tpu.memory_space<vmem>> -> memref<1x1024xi32, #tpu.memory_space<vmem>>
      %dma_start3A_105 = tpu.memref_squeeze %dma_start3A_104 : memref<1x1024xi32, #tpu.memory_space<vmem>> -> memref<1024xi32, #tpu.memory_space<vmem>>
      %dma_start3A_106 = tpu.memref_slice %arg3[%sub3A_99, %add3A_102] : memref<2x80000xi32, #tpu.memory_space<hbm>> -> memref<1x1024xi32, #tpu.memory_space<hbm>>
      %dma_start3A_107 = tpu.memref_squeeze %dma_start3A_106 : memref<1x1024xi32, #tpu.memory_space<hbm>> -> memref<1024xi32, #tpu.memory_space<hbm>>
      %dma_start3A_108 = arith.constant 0 : i32
      %dma_start3A_109 = tpu.memref_slice %arg10[%while3A_84, %dma_start3A_108] : memref<5x1024xi32, #tpu.memory_space<vmem>> -> memref<1x1024xi32, #tpu.memory_space<vmem>>
      %dma_start3A_110 = tpu.memref_squeeze %dma_start3A_109 : memref<1x1024xi32, #tpu.memory_space<vmem>> -> memref<1024xi32, #tpu.memory_space<vmem>>
      %dma_start3A_111 = tpu.memref_slice %arg3[%sub3A_99, %add3A_102] : memref<2x80000xi32, #tpu.memory_space<hbm>> -> memref<1x1024xi32, #tpu.memory_space<hbm>>
      %dma_start3A_112 = tpu.memref_squeeze %dma_start3A_111 : memref<1x1024xi32, #tpu.memory_space<hbm>> -> memref<1024xi32, #tpu.memory_space<hbm>>
      tpu.enqueue_dma source(%dma_start3A_112 : memref<1024xi32, #tpu.memory_space<hbm>>) target(%dma_start3A_110 : memref<1024xi32, #tpu.memory_space<vmem>>) target_semaphore(%arg21 : memref<!tpu.dma_semaphore, #tpu.memory_space<semaphore_mem>>)
      %mul3A_113 = arith.constant 1024 : i32
      %mul3A_114 = arith.muli %while3A_84, %mul3A_113 : i32
      %add3A_115 = arith.addi %select_n3A_11, %mul3A_114 : i32
      %dma_start3A_116 = arith.constant 0 : i32
      %dma_start3A_117 = tpu.memref_slice %arg11[%while3A_84, %dma_start3A_116] : memref<5x1024xf32, #tpu.memory_space<vmem>> -> memref<1x1024xf32, #tpu.memory_space<vmem>>
      %dma_start3A_118 = tpu.memref_squeeze %dma_start3A_117 : memref<1x1024xf32, #tpu.memory_space<vmem>> -> memref<1024xf32, #tpu.memory_space<vmem>>
      %dma_start3A_119 = tpu.memref_slice %arg4[%add3A_115] : memref<80000xf32, #tpu.memory_space<hbm>> -> memref<1024xf32, #tpu.memory_space<hbm>>
      %dma_start3A_120 = arith.constant 0 : i32
      %dma_start3A_121 = tpu.memref_slice %arg11[%while3A_84, %dma_start3A_120] : memref<5x1024xf32, #tpu.memory_space<vmem>> -> memref<1x1024xf32, #tpu.memory_space<vmem>>
      %dma_start3A_122 = tpu.memref_squeeze %dma_start3A_121 : memref<1x1024xf32, #tpu.memory_space<vmem>> -> memref<1024xf32, #tpu.memory_space<vmem>>
      %dma_start3A_123 = tpu.memref_slice %arg4[%add3A_115] : memref<80000xf32, #tpu.memory_space<hbm>> -> memref<1024xf32, #tpu.memory_space<hbm>>
      tpu.enqueue_dma source(%dma_start3A_123 : memref<1024xf32, #tpu.memory_space<hbm>>) target(%dma_start3A_122 : memref<1024xf32, #tpu.memory_space<vmem>>) target_semaphore(%arg21 : memref<!tpu.dma_semaphore, #tpu.memory_space<semaphore_mem>>)
    }
    %while3A_20 = arith.constant 1 : i32
    scf.for %while3A_84 = %while3A_18 to %while3A_14 step %while3A_20  : i32 {
      %mul3A_85 = arith.constant 1024 : i32
      %mul3A_86 = arith.muli %while3A_84, %mul3A_85 : i32
      %add3A_87 = arith.addi %select_n3A_11, %mul3A_86 : i32
      %dma_start3A_88 = arith.constant 0 : i32
      %dma_start3A_89 = tpu.memref_slice %arg9[%while3A_84, %dma_start3A_88] : memref<5x1024xi32, #tpu.memory_space<vmem>> -> memref<1x1024xi32, #tpu.memory_space<vmem>>
      %dma_start3A_90 = tpu.memref_squeeze %dma_start3A_89 : memref<1x1024xi32, #tpu.memory_space<vmem>> -> memref<1024xi32, #tpu.memory_space<vmem>>
      %dma_start3A_91 = tpu.memref_slice %arg3[%arg0, %add3A_87] : memref<2x80000xi32, #tpu.memory_space<hbm>> -> memref<1x1024xi32, #tpu.memory_space<hbm>>
      %dma_start3A_92 = tpu.memref_squeeze %dma_start3A_91 : memref<1x1024xi32, #tpu.memory_space<hbm>> -> memref<1024xi32, #tpu.memory_space<hbm>>
      %dma_start3A_93 = arith.constant 0 : i32
      %dma_start3A_94 = tpu.memref_slice %arg9[%while3A_84, %dma_start3A_93] : memref<5x1024xi32, #tpu.memory_space<vmem>> -> memref<1x1024xi32, #tpu.memory_space<vmem>>
      %dma_start3A_95 = tpu.memref_squeeze %dma_start3A_94 : memref<1x1024xi32, #tpu.memory_space<vmem>> -> memref<1024xi32, #tpu.memory_space<vmem>>
      %dma_start3A_96 = tpu.memref_slice %arg3[%arg0, %add3A_87] : memref<2x80000xi32, #tpu.memory_space<hbm>> -> memref<1x1024xi32, #tpu.memory_space<hbm>>
      %dma_start3A_97 = tpu.memref_squeeze %dma_start3A_96 : memref<1x1024xi32, #tpu.memory_space<hbm>> -> memref<1024xi32, #tpu.memory_space<hbm>>
      tpu.enqueue_dma source(%dma_start3A_97 : memref<1024xi32, #tpu.memory_space<hbm>>) target(%dma_start3A_95 : memref<1024xi32, #tpu.memory_space<vmem>>) target_semaphore(%arg21 : memref<!tpu.dma_semaphore, #tpu.memory_space<semaphore_mem>>)
      %sub3A_98 = arith.constant 1 : i32
      %sub3A_99 = arith.subi %sub3A_98, %arg0 : i32
      %mul3A_100 = arith.constant 1024 : i32
      %mul3A_101 = arith.muli %while3A_84, %mul3A_100 : i32
      %add3A_102 = arith.addi %select_n3A_11, %mul3A_101 : i32
      %dma_start3A_103 = arith.constant 0 : i32
      %dma_start3A_104 = tpu.memref_slice %arg10[%while3A_84, %dma_start3A_103] : memref<5x1024xi32, #tpu.memory_space<vmem>> -> memref<1x1024xi32, #tpu.memory_space<vmem>>
      %dma_start3A_105 = tpu.memref_squeeze %dma_start3A_104 : memref<1x1024xi32, #tpu.memory_space<vmem>> -> memref<1024xi32, #tpu.memory_space<vmem>>
      %dma_start3A_106 = tpu.memref_slice %arg3[%sub3A_99, %add3A_102] : memref<2x80000xi32, #tpu.memory_space<hbm>> -> memref<1x1024xi32, #tpu.memory_space<hbm>>
      %dma_start3A_107 = tpu.memref_squeeze %dma_start3A_106 : memref<1x1024xi32, #tpu.memory_space<hbm>> -> memref<1024xi32, #tpu.memory_space<hbm>>
      %dma_start3A_108 = arith.constant 0 : i32
      %dma_start3A_109 = tpu.memref_slice %arg10[%while3A_84, %dma_start3A_108] : memref<5x1024xi32, #tpu.memory_space<vmem>> -> memref<1x1024xi32, #tpu.memory_space<vmem>>
      %dma_start3A_110 = tpu.memref_squeeze %dma_start3A_109 : memref<1x1024xi32, #tpu.memory_space<vmem>> -> memref<1024xi32, #tpu.memory_space<vmem>>
      %dma_start3A_111 = tpu.memref_slice %arg3[%sub3A_99, %add3A_102] : memref<2x80000xi32, #tpu.memory_space<hbm>> -> memref<1x1024xi32, #tpu.memory_space<hbm>>
      %dma_start3A_112 = tpu.memref_squeeze %dma_start3A_111 : memref<1x1024xi32, #tpu.memory_space<hbm>> -> memref<1024xi32, #tpu.memory_space<hbm>>
      tpu.enqueue_dma source(%dma_start3A_112 : memref<1024xi32, #tpu.memory_space<hbm>>) target(%dma_start3A_110 : memref<1024xi32, #tpu.memory_space<vmem>>) target_semaphore(%arg21 : memref<!tpu.dma_semaphore, #tpu.memory_space<semaphore_mem>>)
      %mul3A_113 = arith.constant 1024 : i32
      %mul3A_114 = arith.muli %while3A_84, %mul3A_113 : i32
      %add3A_115 = arith.addi %select_n3A_11, %mul3A_114 : i32
      %dma_start3A_116 = arith.constant 0 : i32
      %dma_start3A_117 = tpu.memref_slice %arg11[%while3A_84, %dma_start3A_116] : memref<5x1024xf32, #tpu.memory_space<vmem>> -> memref<1x1024xf32, #tpu.memory_space<vmem>>
      %dma_start3A_118 = tpu.memref_squeeze %dma_start3A_117 : memref<1x1024xf32, #tpu.memory_space<vmem>> -> memref<1024xf32, #tpu.memory_space<vmem>>
      %dma_start3A_119 = tpu.memref_slice %arg4[%add3A_115] : memref<80000xf32, #tpu.memory_space<hbm>> -> memref<1024xf32, #tpu.memory_space<hbm>>
      %dma_start3A_120 = arith.constant 0 : i32
      %dma_start3A_121 = tpu.memref_slice %arg11[%while3A_84, %dma_start3A_120] : memref<5x1024xf32, #tpu.memory_space<vmem>> -> memref<1x1024xf32, #tpu.memory_space<vmem>>
      %dma_start3A_122 = tpu.memref_squeeze %dma_start3A_121 : memref<1x1024xf32, #tpu.memory_space<vmem>> -> memref<1024xf32, #tpu.memory_space<vmem>>
      %dma_start3A_123 = tpu.memref_slice %arg4[%add3A_115] : memref<80000xf32, #tpu.memory_space<hbm>> -> memref<1024xf32, #tpu.memory_space<hbm>>
      tpu.enqueue_dma source(%dma_start3A_123 : memref<1024xf32, #tpu.memory_space<hbm>>) target(%dma_start3A_122 : memref<1024xf32, #tpu.memory_space<vmem>>) target_semaphore(%arg21 : memref<!tpu.dma_semaphore, #tpu.memory_space<semaphore_mem>>)
    }
    %eq3A = arith.constant 15 : i32
    %eq3A_21 = arith.cmpi eq, %arg1, %eq3A : i32
    %convert_element_type3A = arith.extui %eq3A_21 : i1 to i32
    %cond3A = arith.constant 0 : i32
    %cond3A_22 = arith.cmpi ne, %convert_element_type3A, %cond3A : i32
    scf.if %cond3A_22 {
      %dma_start3A_84 = arith.constant 4 : i32
      %dma_start3A_85 = arith.constant 0 : i32
      %dma_start3A_86 = tpu.memref_slice %arg9[%dma_start3A_84, %dma_start3A_85] : memref<5x1024xi32, #tpu.memory_space<vmem>> -> memref<1x128xi32, #tpu.memory_space<vmem>>
      %dma_start3A_87 = tpu.memref_squeeze %dma_start3A_86 : memref<1x128xi32, #tpu.memory_space<vmem>> -> memref<128xi32, #tpu.memory_space<vmem>>
      %dma_start3A_88 = arith.constant 79872 : i32
      %dma_start3A_89 = tpu.memref_slice %arg3[%arg0, %dma_start3A_88] : memref<2x80000xi32, #tpu.memory_space<hbm>> -> memref<1x128xi32, #tpu.memory_space<hbm>>
      %dma_start3A_90 = tpu.memref_squeeze %dma_start3A_89 : memref<1x128xi32, #tpu.memory_space<hbm>> -> memref<128xi32, #tpu.memory_space<hbm>>
      %dma_start3A_91 = arith.constant 0 : i32
      %dma_start3A_92 = tpu.memref_slice %arg9[%dma_start3A_84, %dma_start3A_91] : memref<5x1024xi32, #tpu.memory_space<vmem>> -> memref<1x128xi32, #tpu.memory_space<vmem>>
      %dma_start3A_93 = tpu.memref_squeeze %dma_start3A_92 : memref<1x128xi32, #tpu.memory_space<vmem>> -> memref<128xi32, #tpu.memory_space<vmem>>
      %dma_start3A_94 = arith.constant 79872 : i32
      %dma_start3A_95 = tpu.memref_slice %arg3[%arg0, %dma_start3A_94] : memref<2x80000xi32, #tpu.memory_space<hbm>> -> memref<1x128xi32, #tpu.memory_space<hbm>>
      %dma_start3A_96 = tpu.memref_squeeze %dma_start3A_95 : memref<1x128xi32, #tpu.memory_space<hbm>> -> memref<128xi32, #tpu.memory_space<hbm>>
      tpu.enqueue_dma source(%dma_start3A_96 : memref<128xi32, #tpu.memory_space<hbm>>) target(%dma_start3A_93 : memref<128xi32, #tpu.memory_space<vmem>>) target_semaphore(%arg21 : memref<!tpu.dma_semaphore, #tpu.memory_space<semaphore_mem>>)
      %sub3A_97 = arith.constant 1 : i32
      %sub3A_98 = arith.subi %sub3A_97, %arg0 : i32
      %dma_start3A_99 = arith.constant 4 : i32
      %dma_start3A_100 = arith.constant 0 : i32
      %dma_start3A_101 = tpu.memref_slice %arg10[%dma_start3A_99, %dma_start3A_100] : memref<5x1024xi32, #tpu.memory_space<vmem>> -> memref<1x128xi32, #tpu.memory_space<vmem>>
      %dma_start3A_102 = tpu.memref_squeeze %dma_start3A_101 : memref<1x128xi32, #tpu.memory_space<vmem>> -> memref<128xi32, #tpu.memory_space<vmem>>
      %dma_start3A_103 = arith.constant 79872 : i32
      %dma_start3A_104 = tpu.memref_slice %arg3[%sub3A_98, %dma_start3A_103] : memref<2x80000xi32, #tpu.memory_space<hbm>> -> memref<1x128xi32, #tpu.memory_space<hbm>>
      %dma_start3A_105 = tpu.memref_squeeze %dma_start3A_104 : memref<1x128xi32, #tpu.memory_space<hbm>> -> memref<128xi32, #tpu.memory_space<hbm>>
      %dma_start3A_106 = arith.constant 0 : i32
      %dma_start3A_107 = tpu.memref_slice %arg10[%dma_start3A_99, %dma_start3A_106] : memref<5x1024xi32, #tpu.memory_space<vmem>> -> memref<1x128xi32, #tpu.memory_space<vmem>>
      %dma_start3A_108 = tpu.memref_squeeze %dma_start3A_107 : memref<1x128xi32, #tpu.memory_space<vmem>> -> memref<128xi32, #tpu.memory_space<vmem>>
      %dma_start3A_109 = arith.constant 79872 : i32
      %dma_start3A_110 = tpu.memref_slice %arg3[%sub3A_98, %dma_start3A_109] : memref<2x80000xi32, #tpu.memory_space<hbm>> -> memref<1x128xi32, #tpu.memory_space<hbm>>
      %dma_start3A_111 = tpu.memref_squeeze %dma_start3A_110 : memref<1x128xi32, #tpu.memory_space<hbm>> -> memref<128xi32, #tpu.memory_space<hbm>>
      tpu.enqueue_dma source(%dma_start3A_111 : memref<128xi32, #tpu.memory_space<hbm>>) target(%dma_start3A_108 : memref<128xi32, #tpu.memory_space<vmem>>) target_semaphore(%arg21 : memref<!tpu.dma_semaphore, #tpu.memory_space<semaphore_mem>>)
      %dma_start3A_112 = arith.constant 4 : i32
      %dma_start3A_113 = arith.constant 0 : i32
      %dma_start3A_114 = tpu.memref_slice %arg11[%dma_start3A_112, %dma_start3A_113] : memref<5x1024xf32, #tpu.memory_space<vmem>> -> memref<1x128xf32, #tpu.memory_space<vmem>>
      %dma_start3A_115 = tpu.memref_squeeze %dma_start3A_114 : memref<1x128xf32, #tpu.memory_space<vmem>> -> memref<128xf32, #tpu.memory_space<vmem>>
      %dma_start3A_116 = arith.constant 79872 : i32
      %dma_start3A_117 = tpu.memref_slice %arg4[%dma_start3A_116] : memref<80000xf32, #tpu.memory_space<hbm>> -> memref<128xf32, #tpu.memory_space<hbm>>
      %dma_start3A_118 = arith.constant 0 : i32
      %dma_start3A_119 = tpu.memref_slice %arg11[%dma_start3A_112, %dma_start3A_118] : memref<5x1024xf32, #tpu.memory_space<vmem>> -> memref<1x128xf32, #tpu.memory_space<vmem>>
      %dma_start3A_120 = tpu.memref_squeeze %dma_start3A_119 : memref<1x128xf32, #tpu.memory_space<vmem>> -> memref<128xf32, #tpu.memory_space<vmem>>
      %dma_start3A_121 = arith.constant 79872 : i32
      %dma_start3A_122 = tpu.memref_slice %arg4[%dma_start3A_121] : memref<80000xf32, #tpu.memory_space<hbm>> -> memref<128xf32, #tpu.memory_space<hbm>>
      tpu.enqueue_dma source(%dma_start3A_122 : memref<128xf32, #tpu.memory_space<hbm>>) target(%dma_start3A_120 : memref<128xf32, #tpu.memory_space<vmem>>) target_semaphore(%arg21 : memref<!tpu.dma_semaphore, #tpu.memory_space<semaphore_mem>>)
    } else {
    }
    %while3A_23 = arith.constant 0 : i32
    %while3A_24 = arith.constant 0 : i32
    %while3A_25 = arith.subi %select_n3A, %while3A_24 : i32
    %while3A_26 = arith.addi %while3A_24, %while3A_25 : i32
    %while3A_27 = arith.constant 1 : i32
    %while3A_28 = arith.divsi %while3A_25, %while3A_27 : i32
    %while3A_29 = arith.muli %while3A_28, %while3A_27 : i32
    %while3A_30 = arith.addi %while3A_24, %while3A_29 : i32
    %while3A_31 = arith.constant 1 : i32
    scf.for %while3A_84 = %while3A_24 to %while3A_30 step %while3A_31  : i32 {
      %mul3A_85 = arith.constant 1024 : i32
      %mul3A_86 = arith.muli %while3A_84, %mul3A_85 : i32
      %add3A_87 = arith.addi %select_n3A_11, %mul3A_86 : i32
      %dma_wait3A = arith.constant 0 : i32
      %dma_wait3A_88 = tpu.memref_slice %arg9[%while3A_84, %dma_wait3A] : memref<5x1024xi32, #tpu.memory_space<vmem>> -> memref<1x1024xi32, #tpu.memory_space<vmem>>
      %dma_wait3A_89 = tpu.memref_squeeze %dma_wait3A_88 : memref<1x1024xi32, #tpu.memory_space<vmem>> -> memref<1024xi32, #tpu.memory_space<vmem>>
      %dma_wait3A_90 = tpu.memref_slice %arg3[%arg0, %add3A_87] : memref<2x80000xi32, #tpu.memory_space<hbm>> -> memref<1x1024xi32, #tpu.memory_space<hbm>>
      %dma_wait3A_91 = tpu.memref_squeeze %dma_wait3A_90 : memref<1x1024xi32, #tpu.memory_space<hbm>> -> memref<1024xi32, #tpu.memory_space<hbm>>
      %dma_wait3A_92 = arith.constant 0 : i32
      %dma_wait3A_93 = tpu.memref_slice %arg9[%while3A_84, %dma_wait3A_92] : memref<5x1024xi32, #tpu.memory_space<vmem>> -> memref<1x1024xi32, #tpu.memory_space<vmem>>
      %dma_wait3A_94 = tpu.memref_squeeze %dma_wait3A_93 : memref<1x1024xi32, #tpu.memory_space<vmem>> -> memref<1024xi32, #tpu.memory_space<vmem>>
      %dma_wait3A_95 = tpu.memref_slice %arg3[%arg0, %add3A_87] : memref<2x80000xi32, #tpu.memory_space<hbm>> -> memref<1x1024xi32, #tpu.memory_space<hbm>>
      %dma_wait3A_96 = tpu.memref_squeeze %dma_wait3A_95 : memref<1x1024xi32, #tpu.memory_space<hbm>> -> memref<1024xi32, #tpu.memory_space<hbm>>
      tpu.wait_dma2 semaphore(%arg21 : memref<!tpu.dma_semaphore, #tpu.memory_space<semaphore_mem>>) src(%dma_wait3A_96 : memref<1024xi32, #tpu.memory_space<hbm>>) dst(%dma_wait3A_94 : memref<1024xi32, #tpu.memory_space<vmem>>)
      %sub3A_97 = arith.constant 1 : i32
      %sub3A_98 = arith.subi %sub3A_97, %arg0 : i32
      %mul3A_99 = arith.constant 1024 : i32
      %mul3A_100 = arith.muli %while3A_84, %mul3A_99 : i32
      %add3A_101 = arith.addi %select_n3A_11, %mul3A_100 : i32
      %dma_wait3A_102 = arith.constant 0 : i32
      %dma_wait3A_103 = tpu.memref_slice %arg10[%while3A_84, %dma_wait3A_102] : memref<5x1024xi32, #tpu.memory_space<vmem>> -> memref<1x1024xi32, #tpu.memory_space<vmem>>
      %dma_wait3A_104 = tpu.memref_squeeze %dma_wait3A_103 : memref<1x1024xi32, #tpu.memory_space<vmem>> -> memref<1024xi32, #tpu.memory_space<vmem>>
      %dma_wait3A_105 = tpu.memref_slice %arg3[%sub3A_98, %add3A_101] : memref<2x80000xi32, #tpu.memory_space<hbm>> -> memref<1x1024xi32, #tpu.memory_space<hbm>>
      %dma_wait3A_106 = tpu.memref_squeeze %dma_wait3A_105 : memref<1x1024xi32, #tpu.memory_space<hbm>> -> memref<1024xi32, #tpu.memory_space<hbm>>
      %dma_wait3A_107 = arith.constant 0 : i32
      %dma_wait3A_108 = tpu.memref_slice %arg10[%while3A_84, %dma_wait3A_107] : memref<5x1024xi32, #tpu.memory_space<vmem>> -> memref<1x1024xi32, #tpu.memory_space<vmem>>
      %dma_wait3A_109 = tpu.memref_squeeze %dma_wait3A_108 : memref<1x1024xi32, #tpu.memory_space<vmem>> -> memref<1024xi32, #tpu.memory_space<vmem>>
      %dma_wait3A_110 = tpu.memref_slice %arg3[%sub3A_98, %add3A_101] : memref<2x80000xi32, #tpu.memory_space<hbm>> -> memref<1x1024xi32, #tpu.memory_space<hbm>>
      %dma_wait3A_111 = tpu.memref_squeeze %dma_wait3A_110 : memref<1x1024xi32, #tpu.memory_space<hbm>> -> memref<1024xi32, #tpu.memory_space<hbm>>
      tpu.wait_dma2 semaphore(%arg21 : memref<!tpu.dma_semaphore, #tpu.memory_space<semaphore_mem>>) src(%dma_wait3A_111 : memref<1024xi32, #tpu.memory_space<hbm>>) dst(%dma_wait3A_109 : memref<1024xi32, #tpu.memory_space<vmem>>)
      %mul3A_112 = arith.constant 1024 : i32
      %mul3A_113 = arith.muli %while3A_84, %mul3A_112 : i32
      %add3A_114 = arith.addi %select_n3A_11, %mul3A_113 : i32
      %dma_wait3A_115 = arith.constant 0 : i32
      %dma_wait3A_116 = tpu.memref_slice %arg11[%while3A_84, %dma_wait3A_115] : memref<5x1024xf32, #tpu.memory_space<vmem>> -> memref<1x1024xf32, #tpu.memory_space<vmem>>
      %dma_wait3A_117 = tpu.memref_squeeze %dma_wait3A_116 : memref<1x1024xf32, #tpu.memory_space<vmem>> -> memref<1024xf32, #tpu.memory_space<vmem>>
      %dma_wait3A_118 = tpu.memref_slice %arg4[%add3A_114] : memref<80000xf32, #tpu.memory_space<hbm>> -> memref<1024xf32, #tpu.memory_space<hbm>>
      %dma_wait3A_119 = arith.constant 0 : i32
      %dma_wait3A_120 = tpu.memref_slice %arg11[%while3A_84, %dma_wait3A_119] : memref<5x1024xf32, #tpu.memory_space<vmem>> -> memref<1x1024xf32, #tpu.memory_space<vmem>>
      %dma_wait3A_121 = tpu.memref_squeeze %dma_wait3A_120 : memref<1x1024xf32, #tpu.memory_space<vmem>> -> memref<1024xf32, #tpu.memory_space<vmem>>
      %dma_wait3A_122 = tpu.memref_slice %arg4[%add3A_114] : memref<80000xf32, #tpu.memory_space<hbm>> -> memref<1024xf32, #tpu.memory_space<hbm>>
      tpu.wait_dma2 semaphore(%arg21 : memref<!tpu.dma_semaphore, #tpu.memory_space<semaphore_mem>>) src(%dma_wait3A_122 : memref<1024xf32, #tpu.memory_space<hbm>>) dst(%dma_wait3A_121 : memref<1024xf32, #tpu.memory_space<vmem>>)
    }
    %while3A_32 = arith.constant 1 : i32
    scf.for %while3A_84 = %while3A_30 to %while3A_26 step %while3A_32  : i32 {
      %mul3A_85 = arith.constant 1024 : i32
      %mul3A_86 = arith.muli %while3A_84, %mul3A_85 : i32
      %add3A_87 = arith.addi %select_n3A_11, %mul3A_86 : i32
      %dma_wait3A = arith.constant 0 : i32
      %dma_wait3A_88 = tpu.memref_slice %arg9[%while3A_84, %dma_wait3A] : memref<5x1024xi32, #tpu.memory_space<vmem>> -> memref<1x1024xi32, #tpu.memory_space<vmem>>
      %dma_wait3A_89 = tpu.memref_squeeze %dma_wait3A_88 : memref<1x1024xi32, #tpu.memory_space<vmem>> -> memref<1024xi32, #tpu.memory_space<vmem>>
      %dma_wait3A_90 = tpu.memref_slice %arg3[%arg0, %add3A_87] : memref<2x80000xi32, #tpu.memory_space<hbm>> -> memref<1x1024xi32, #tpu.memory_space<hbm>>
      %dma_wait3A_91 = tpu.memref_squeeze %dma_wait3A_90 : memref<1x1024xi32, #tpu.memory_space<hbm>> -> memref<1024xi32, #tpu.memory_space<hbm>>
      %dma_wait3A_92 = arith.constant 0 : i32
      %dma_wait3A_93 = tpu.memref_slice %arg9[%while3A_84, %dma_wait3A_92] : memref<5x1024xi32, #tpu.memory_space<vmem>> -> memref<1x1024xi32, #tpu.memory_space<vmem>>
      %dma_wait3A_94 = tpu.memref_squeeze %dma_wait3A_93 : memref<1x1024xi32, #tpu.memory_space<vmem>> -> memref<1024xi32, #tpu.memory_space<vmem>>
      %dma_wait3A_95 = tpu.memref_slice %arg3[%arg0, %add3A_87] : memref<2x80000xi32, #tpu.memory_space<hbm>> -> memref<1x1024xi32, #tpu.memory_space<hbm>>
      %dma_wait3A_96 = tpu.memref_squeeze %dma_wait3A_95 : memref<1x1024xi32, #tpu.memory_space<hbm>> -> memref<1024xi32, #tpu.memory_space<hbm>>
      tpu.wait_dma2 semaphore(%arg21 : memref<!tpu.dma_semaphore, #tpu.memory_space<semaphore_mem>>) src(%dma_wait3A_96 : memref<1024xi32, #tpu.memory_space<hbm>>) dst(%dma_wait3A_94 : memref<1024xi32, #tpu.memory_space<vmem>>)
      %sub3A_97 = arith.constant 1 : i32
      %sub3A_98 = arith.subi %sub3A_97, %arg0 : i32
      %mul3A_99 = arith.constant 1024 : i32
      %mul3A_100 = arith.muli %while3A_84, %mul3A_99 : i32
      %add3A_101 = arith.addi %select_n3A_11, %mul3A_100 : i32
      %dma_wait3A_102 = arith.constant 0 : i32
      %dma_wait3A_103 = tpu.memref_slice %arg10[%while3A_84, %dma_wait3A_102] : memref<5x1024xi32, #tpu.memory_space<vmem>> -> memref<1x1024xi32, #tpu.memory_space<vmem>>
      %dma_wait3A_104 = tpu.memref_squeeze %dma_wait3A_103 : memref<1x1024xi32, #tpu.memory_space<vmem>> -> memref<1024xi32, #tpu.memory_space<vmem>>
      %dma_wait3A_105 = tpu.memref_slice %arg3[%sub3A_98, %add3A_101] : memref<2x80000xi32, #tpu.memory_space<hbm>> -> memref<1x1024xi32, #tpu.memory_space<hbm>>
      %dma_wait3A_106 = tpu.memref_squeeze %dma_wait3A_105 : memref<1x1024xi32, #tpu.memory_space<hbm>> -> memref<1024xi32, #tpu.memory_space<hbm>>
      %dma_wait3A_107 = arith.constant 0 : i32
      %dma_wait3A_108 = tpu.memref_slice %arg10[%while3A_84, %dma_wait3A_107] : memref<5x1024xi32, #tpu.memory_space<vmem>> -> memref<1x1024xi32, #tpu.memory_space<vmem>>
      %dma_wait3A_109 = tpu.memref_squeeze %dma_wait3A_108 : memref<1x1024xi32, #tpu.memory_space<vmem>> -> memref<1024xi32, #tpu.memory_space<vmem>>
      %dma_wait3A_110 = tpu.memref_slice %arg3[%sub3A_98, %add3A_101] : memref<2x80000xi32, #tpu.memory_space<hbm>> -> memref<1x1024xi32, #tpu.memory_space<hbm>>
      %dma_wait3A_111 = tpu.memref_squeeze %dma_wait3A_110 : memref<1x1024xi32, #tpu.memory_space<hbm>> -> memref<1024xi32, #tpu.memory_space<hbm>>
      tpu.wait_dma2 semaphore(%arg21 : memref<!tpu.dma_semaphore, #tpu.memory_space<semaphore_mem>>) src(%dma_wait3A_111 : memref<1024xi32, #tpu.memory_space<hbm>>) dst(%dma_wait3A_109 : memref<1024xi32, #tpu.memory_space<vmem>>)
      %mul3A_112 = arith.constant 1024 : i32
      %mul3A_113 = arith.muli %while3A_84, %mul3A_112 : i32
      %add3A_114 = arith.addi %select_n3A_11, %mul3A_113 : i32
      %dma_wait3A_115 = arith.constant 0 : i32
      %dma_wait3A_116 = tpu.memref_slice %arg11[%while3A_84, %dma_wait3A_115] : memref<5x1024xf32, #tpu.memory_space<vmem>> -> memref<1x1024xf32, #tpu.memory_space<vmem>>
      %dma_wait3A_117 = tpu.memref_squeeze %dma_wait3A_116 : memref<1x1024xf32, #tpu.memory_space<vmem>> -> memref<1024xf32, #tpu.memory_space<vmem>>
      %dma_wait3A_118 = tpu.memref_slice %arg4[%add3A_114] : memref<80000xf32, #tpu.memory_space<hbm>> -> memref<1024xf32, #tpu.memory_space<hbm>>
      %dma_wait3A_119 = arith.constant 0 : i32
      %dma_wait3A_120 = tpu.memref_slice %arg11[%while3A_84, %dma_wait3A_119] : memref<5x1024xf32, #tpu.memory_space<vmem>> -> memref<1x1024xf32, #tpu.memory_space<vmem>>
      %dma_wait3A_121 = tpu.memref_squeeze %dma_wait3A_120 : memref<1x1024xf32, #tpu.memory_space<vmem>> -> memref<1024xf32, #tpu.memory_space<vmem>>
      %dma_wait3A_122 = tpu.memref_slice %arg4[%add3A_114] : memref<80000xf32, #tpu.memory_space<hbm>> -> memref<1024xf32, #tpu.memory_space<hbm>>
      tpu.wait_dma2 semaphore(%arg21 : memref<!tpu.dma_semaphore, #tpu.memory_space<semaphore_mem>>) src(%dma_wait3A_122 : memref<1024xf32, #tpu.memory_space<hbm>>) dst(%dma_wait3A_121 : memref<1024xf32, #tpu.memory_space<vmem>>)
    }
    %eq3A_33 = arith.constant 15 : i32
    %eq3A_34 = arith.cmpi eq, %arg1, %eq3A_33 : i32
    %convert_element_type3A_35 = arith.extui %eq3A_34 : i1 to i32
    %cond3A_36 = arith.constant 0 : i32
    %cond3A_37 = arith.cmpi ne, %convert_element_type3A_35, %cond3A_36 : i32
    scf.if %cond3A_37 {
      %dma_wait3A = arith.constant 4 : i32
      %dma_wait3A_84 = arith.constant 0 : i32
      %dma_wait3A_85 = tpu.memref_slice %arg9[%dma_wait3A, %dma_wait3A_84] : memref<5x1024xi32, #tpu.memory_space<vmem>> -> memref<1x128xi32, #tpu.memory_space<vmem>>
      %dma_wait3A_86 = tpu.memref_squeeze %dma_wait3A_85 : memref<1x128xi32, #tpu.memory_space<vmem>> -> memref<128xi32, #tpu.memory_space<vmem>>
      %dma_wait3A_87 = arith.constant 79872 : i32
      %dma_wait3A_88 = tpu.memref_slice %arg3[%arg0, %dma_wait3A_87] : memref<2x80000xi32, #tpu.memory_space<hbm>> -> memref<1x128xi32, #tpu.memory_space<hbm>>
      %dma_wait3A_89 = tpu.memref_squeeze %dma_wait3A_88 : memref<1x128xi32, #tpu.memory_space<hbm>> -> memref<128xi32, #tpu.memory_space<hbm>>
      %dma_wait3A_90 = arith.constant 0 : i32
      %dma_wait3A_91 = tpu.memref_slice %arg9[%dma_wait3A, %dma_wait3A_90] : memref<5x1024xi32, #tpu.memory_space<vmem>> -> memref<1x128xi32, #tpu.memory_space<vmem>>
      %dma_wait3A_92 = tpu.memref_squeeze %dma_wait3A_91 : memref<1x128xi32, #tpu.memory_space<vmem>> -> memref<128xi32, #tpu.memory_space<vmem>>
      %dma_wait3A_93 = arith.constant 79872 : i32
      %dma_wait3A_94 = tpu.memref_slice %arg3[%arg0, %dma_wait3A_93] : memref<2x80000xi32, #tpu.memory_space<hbm>> -> memref<1x128xi32, #tpu.memory_space<hbm>>
      %dma_wait3A_95 = tpu.memref_squeeze %dma_wait3A_94 : memref<1x128xi32, #tpu.memory_space<hbm>> -> memref<128xi32, #tpu.memory_space<hbm>>
      tpu.wait_dma2 semaphore(%arg21 : memref<!tpu.dma_semaphore, #tpu.memory_space<semaphore_mem>>) src(%dma_wait3A_95 : memref<128xi32, #tpu.memory_space<hbm>>) dst(%dma_wait3A_92 : memref<128xi32, #tpu.memory_space<vmem>>)
      %sub3A_96 = arith.constant 1 : i32
      %sub3A_97 = arith.subi %sub3A_96, %arg0 : i32
      %dma_wait3A_98 = arith.constant 4 : i32
      %dma_wait3A_99 = arith.constant 0 : i32
      %dma_wait3A_100 = tpu.memref_slice %arg10[%dma_wait3A_98, %dma_wait3A_99] : memref<5x1024xi32, #tpu.memory_space<vmem>> -> memref<1x128xi32, #tpu.memory_space<vmem>>
      %dma_wait3A_101 = tpu.memref_squeeze %dma_wait3A_100 : memref<1x128xi32, #tpu.memory_space<vmem>> -> memref<128xi32, #tpu.memory_space<vmem>>
      %dma_wait3A_102 = arith.constant 79872 : i32
      %dma_wait3A_103 = tpu.memref_slice %arg3[%sub3A_97, %dma_wait3A_102] : memref<2x80000xi32, #tpu.memory_space<hbm>> -> memref<1x128xi32, #tpu.memory_space<hbm>>
      %dma_wait3A_104 = tpu.memref_squeeze %dma_wait3A_103 : memref<1x128xi32, #tpu.memory_space<hbm>> -> memref<128xi32, #tpu.memory_space<hbm>>
      %dma_wait3A_105 = arith.constant 0 : i32
      %dma_wait3A_106 = tpu.memref_slice %arg10[%dma_wait3A_98, %dma_wait3A_105] : memref<5x1024xi32, #tpu.memory_space<vmem>> -> memref<1x128xi32, #tpu.memory_space<vmem>>
      %dma_wait3A_107 = tpu.memref_squeeze %dma_wait3A_106 : memref<1x128xi32, #tpu.memory_space<vmem>> -> memref<128xi32, #tpu.memory_space<vmem>>
      %dma_wait3A_108 = arith.constant 79872 : i32
      %dma_wait3A_109 = tpu.memref_slice %arg3[%sub3A_97, %dma_wait3A_108] : memref<2x80000xi32, #tpu.memory_space<hbm>> -> memref<1x128xi32, #tpu.memory_space<hbm>>
      %dma_wait3A_110 = tpu.memref_squeeze %dma_wait3A_109 : memref<1x128xi32, #tpu.memory_space<hbm>> -> memref<128xi32, #tpu.memory_space<hbm>>
      tpu.wait_dma2 semaphore(%arg21 : memref<!tpu.dma_semaphore, #tpu.memory_space<semaphore_mem>>) src(%dma_wait3A_110 : memref<128xi32, #tpu.memory_space<hbm>>) dst(%dma_wait3A_107 : memref<128xi32, #tpu.memory_space<vmem>>)
      %dma_wait3A_111 = arith.constant 4 : i32
      %dma_wait3A_112 = arith.constant 0 : i32
      %dma_wait3A_113 = tpu.memref_slice %arg11[%dma_wait3A_111, %dma_wait3A_112] : memref<5x1024xf32, #tpu.memory_space<vmem>> -> memref<1x128xf32, #tpu.memory_space<vmem>>
      %dma_wait3A_114 = tpu.memref_squeeze %dma_wait3A_113 : memref<1x128xf32, #tpu.memory_space<vmem>> -> memref<128xf32, #tpu.memory_space<vmem>>
      %dma_wait3A_115 = arith.constant 79872 : i32
      %dma_wait3A_116 = tpu.memref_slice %arg4[%dma_wait3A_115] : memref<80000xf32, #tpu.memory_space<hbm>> -> memref<128xf32, #tpu.memory_space<hbm>>
      %dma_wait3A_117 = arith.constant 0 : i32
      %dma_wait3A_118 = tpu.memref_slice %arg11[%dma_wait3A_111, %dma_wait3A_117] : memref<5x1024xf32, #tpu.memory_space<vmem>> -> memref<1x128xf32, #tpu.memory_space<vmem>>
      %dma_wait3A_119 = tpu.memref_squeeze %dma_wait3A_118 : memref<1x128xf32, #tpu.memory_space<vmem>> -> memref<128xf32, #tpu.memory_space<vmem>>
      %dma_wait3A_120 = arith.constant 79872 : i32
      %dma_wait3A_121 = tpu.memref_slice %arg4[%dma_wait3A_120] : memref<80000xf32, #tpu.memory_space<hbm>> -> memref<128xf32, #tpu.memory_space<hbm>>
      tpu.wait_dma2 semaphore(%arg21 : memref<!tpu.dma_semaphore, #tpu.memory_space<semaphore_mem>>) src(%dma_wait3A_121 : memref<128xf32, #tpu.memory_space<hbm>>) dst(%dma_wait3A_119 : memref<128xf32, #tpu.memory_space<vmem>>)
    } else {
    }
    %barrier3A = arith.constant 0 : index
    tpu.barrier barrier_id(%barrier3A)
    %dma_start3A = arith.constant 0 : i32
    %dma_start3A_38 = arith.constant 0 : i32
    %dma_start3A_39 = arith.constant 0 : i32
    %dma_start3A_40 = arith.constant 0 : i32
    %dma_start3A_41 = tpu.memref_slice %arg12[%dma_start3A_38, %dma_start3A_39, %dma_start3A_40] : memref<2x1024x32xbf16, #tpu.memory_space<vmem>> -> memref<1x1024x32xbf16, #tpu.memory_space<vmem>>
    %dma_start3A_42 = tpu.memref_squeeze %dma_start3A_41 : memref<1x1024x32xbf16, #tpu.memory_space<vmem>> -> memref<1024x32xbf16, #tpu.memory_space<vmem>>
    %dma_start3A_43 = arith.constant 0 : i32
    %dma_start3A_44 = tpu.memref_slice %arg9[%dma_start3A, %dma_start3A_43] : memref<5x1024xi32, #tpu.memory_space<vmem>> -> memref<1x1024xi32, #tpu.memory_space<vmem>>
    %dma_start3A_45 = tpu.memref_squeeze %dma_start3A_44 : memref<1x1024xi32, #tpu.memory_space<vmem>> -> memref<1024xi32, #tpu.memory_space<vmem>>
    %dma_start3A_46 = arith.constant 0 : i32
    %dma_start3A_47 = arith.constant 0 : i32
    %dma_start3A_48 = tpu.memref_slice %arg2[%dma_start3A_46, %dma_start3A_47] : memref<10240x32xbf16, #tpu.memory_space<hbm>> -> memref<10240x32xbf16, #tpu.memory_space<hbm>>
    tpu.enqueue_indirect_dma source(%dma_start3A_48 : memref<10240x32xbf16, #tpu.memory_space<hbm>>) target(%dma_start3A_42 : memref<1024x32xbf16, #tpu.memory_space<vmem>>) offsets(%dma_start3A_45 : memref<1024xi32, #tpu.memory_space<vmem>>) semaphore(%arg19 : memref<!tpu.dma_semaphore, #tpu.memory_space<semaphore_mem>>)
    %dma_start3A_49 = arith.constant 1 : i32
    %dma_start3A_50 = arith.constant 1 : i32
    %dma_start3A_51 = arith.constant 0 : i32
    %dma_start3A_52 = arith.constant 0 : i32
    %dma_start3A_53 = tpu.memref_slice %arg12[%dma_start3A_50, %dma_start3A_51, %dma_start3A_52] : memref<2x1024x32xbf16, #tpu.memory_space<vmem>> -> memref<1x1024x32xbf16, #tpu.memory_space<vmem>>
    %dma_start3A_54 = tpu.memref_squeeze %dma_start3A_53 : memref<1x1024x32xbf16, #tpu.memory_space<vmem>> -> memref<1024x32xbf16, #tpu.memory_space<vmem>>
    %dma_start3A_55 = arith.constant 0 : i32
    %dma_start3A_56 = tpu.memref_slice %arg9[%dma_start3A_49, %dma_start3A_55] : memref<5x1024xi32, #tpu.memory_space<vmem>> -> memref<1x1024xi32, #tpu.memory_space<vmem>>
    %dma_start3A_57 = tpu.memref_squeeze %dma_start3A_56 : memref<1x1024xi32, #tpu.memory_space<vmem>> -> memref<1024xi32, #tpu.memory_space<vmem>>
    %dma_start3A_58 = arith.constant 0 : i32
    %dma_start3A_59 = arith.constant 0 : i32
    %dma_start3A_60 = tpu.memref_slice %arg2[%dma_start3A_58, %dma_start3A_59] : memref<10240x32xbf16, #tpu.memory_space<hbm>> -> memref<10240x32xbf16, #tpu.memory_space<hbm>>
    tpu.enqueue_indirect_dma source(%dma_start3A_60 : memref<10240x32xbf16, #tpu.memory_space<hbm>>) target(%dma_start3A_54 : memref<1024x32xbf16, #tpu.memory_space<vmem>>) offsets(%dma_start3A_57 : memref<1024xi32, #tpu.memory_space<vmem>>) semaphore(%arg19 : memref<!tpu.dma_semaphore, #tpu.memory_space<semaphore_mem>>)
    %broadcast_in_dim3A = arith.constant 1.000000e+00 : f32
    %broadcast_in_dim3A_61 = vector.broadcast %broadcast_in_dim3A : f32 to vector<16xf32>
    %while3A_62 = arith.constant 0 : i32
    %while3A_63 = arith.constant 0 : i32
    %while3A_64 = arith.subi %select_n3A, %while3A_63 : i32
    %while3A_65 = arith.addi %while3A_63, %while3A_64 : i32
    %while3A_66 = arith.constant 1 : i32
    %while3A_67 = arith.divsi %while3A_64, %while3A_66 : i32
    %while3A_68 = arith.muli %while3A_67, %while3A_66 : i32
    %while3A_69 = arith.addi %while3A_63, %while3A_68 : i32
    %while3A_70 = arith.constant 1 : i32
    scf.for %while3A_84 = %while3A_63 to %while3A_69 step %while3A_70  : i32 {
      %rem3A = arith.constant 2 : i32
      %rem3A_85 = arith.remsi %while3A_84, %rem3A : i32
      %dma_wait3A = arith.constant 0 : i32
      %dma_wait3A_86 = arith.constant 0 : i32
      %dma_wait3A_87 = tpu.memref_slice %arg12[%rem3A_85, %dma_wait3A, %dma_wait3A_86] : memref<2x1024x32xbf16, #tpu.memory_space<vmem>> -> memref<1x1024x32xbf16, #tpu.memory_space<vmem>>
      %dma_wait3A_88 = tpu.memref_squeeze %dma_wait3A_87 : memref<1x1024x32xbf16, #tpu.memory_space<vmem>> -> memref<1024x32xbf16, #tpu.memory_space<vmem>>
      %dma_wait3A_89 = arith.constant 0 : i32
      %dma_wait3A_90 = tpu.memref_slice %arg9[%while3A_84, %dma_wait3A_89] : memref<5x1024xi32, #tpu.memory_space<vmem>> -> memref<1x1024xi32, #tpu.memory_space<vmem>>
      %dma_wait3A_91 = tpu.memref_squeeze %dma_wait3A_90 : memref<1x1024xi32, #tpu.memory_space<vmem>> -> memref<1024xi32, #tpu.memory_space<vmem>>
      %dma_wait3A_92 = arith.constant 0 : i32
      %dma_wait3A_93 = arith.constant 0 : i32
      %dma_wait3A_94 = tpu.memref_slice %arg2[%dma_wait3A_92, %dma_wait3A_93] : memref<10240x32xbf16, #tpu.memory_space<hbm>> -> memref<10240x32xbf16, #tpu.memory_space<hbm>>
      tpu.wait_indirect_dma semaphore(%arg19 : memref<!tpu.dma_semaphore, #tpu.memory_space<semaphore_mem>>) src(%dma_wait3A_94 : memref<10240x32xbf16, #tpu.memory_space<hbm>>) dst(%dma_wait3A_88 : memref<1024x32xbf16, #tpu.memory_space<vmem>>)
      %dma_start3A_95 = arith.constant 0 : i32
      %dma_start3A_96 = arith.constant 0 : i32
      %dma_start3A_97 = tpu.memref_slice %arg12[%rem3A_85, %dma_start3A_95, %dma_start3A_96] : memref<2x1024x32xbf16, #tpu.memory_space<vmem>> -> memref<1x1024x32xbf16, #tpu.memory_space<vmem>>
      %dma_start3A_98 = tpu.memref_squeeze %dma_start3A_97 : memref<1x1024x32xbf16, #tpu.memory_space<vmem>> -> memref<1024x32xbf16, #tpu.memory_space<vmem>>
      %dma_start3A_99 = arith.constant 0 : i32
      %dma_start3A_100 = tpu.memref_slice %arg10[%while3A_84, %dma_start3A_99] : memref<5x1024xi32, #tpu.memory_space<vmem>> -> memref<1x1024xi32, #tpu.memory_space<vmem>>
      %dma_start3A_101 = tpu.memref_squeeze %dma_start3A_100 : memref<1x1024xi32, #tpu.memory_space<vmem>> -> memref<1024xi32, #tpu.memory_space<vmem>>
      %dma_start3A_102 = arith.constant 0 : i32
      %dma_start3A_103 = arith.constant 0 : i32
      %dma_start3A_104 = tpu.memref_slice %arg17[%dma_start3A_102, %dma_start3A_103] : memref<10240x32xbf16, #tpu.memory_space<vmem_shared>> -> memref<10240x32xbf16, #tpu.memory_space<vmem_shared>>
      tpu.enqueue_indirect_dma source(%dma_start3A_98 : memref<1024x32xbf16, #tpu.memory_space<vmem>>) target(%dma_start3A_104 : memref<10240x32xbf16, #tpu.memory_space<vmem_shared>>) offsets(%dma_start3A_101 : memref<1024xi32, #tpu.memory_space<vmem>>) semaphore(%arg20 : memref<!tpu.dma_semaphore, #tpu.memory_space<semaphore_mem>>) {add = true}
      %get3A = arith.index_cast %while3A_84 : i32 to index
      %get3A_105 = arith.constant 0 : index
      %get3A_106 = tpu.vector_load %arg10[%get3A, %get3A_105] {strides = array<i32>} : memref<5x1024xi32, #tpu.memory_space<vmem>>, vector<16xi32>,
      %get3A_107 = arith.index_cast %while3A_84 : i32 to index
      %get3A_108 = arith.constant 0 : index
      %get3A_109 = tpu.vector_load %arg11[%get3A_107, %get3A_108] {strides = array<i32>} : memref<5x1024xf32, #tpu.memory_space<vmem>>, vector<16xf32>,
      tpu.vector_store_idx %arg13[%get3A_106], %get3A_109 {add = true} : memref<10240xf32, #tpu.memory_space<vmem>>[vector<16xi32>], vector<16xf32>,
      tpu.vector_store_idx %arg14[%get3A_106], %broadcast_in_dim3A_61 {add = true} : memref<10240xf32, #tpu.memory_space<vmem>>[vector<16xi32>], vector<16xf32>,
      %get3A_110 = arith.index_cast %while3A_84 : i32 to index
      %get3A_111 = arith.constant 16 : index
      %get3A_112 = tpu.vector_load %arg10[%get3A_110, %get3A_111] {strides = array<i32>} : memref<5x1024xi32, #tpu.memory_space<vmem>>, vector<16xi32>,
      %get3A_113 = arith.index_cast %while3A_84 : i32 to index
      %get3A_114 = arith.constant 16 : index
      %get3A_115 = tpu.vector_load %arg11[%get3A_113, %get3A_114] {strides = array<i32>} : memref<5x1024xf32, #tpu.memory_space<vmem>>, vector<16xf32>,
      tpu.vector_store_idx %arg13[%get3A_112], %get3A_115 {add = true} : memref<10240xf32, #tpu.memory_space<vmem>>[vector<16xi32>], vector<16xf32>,
      tpu.vector_store_idx %arg14[%get3A_112], %broadcast_in_dim3A_61 {add = true} : memref<10240xf32, #tpu.memory_space<vmem>>[vector<16xi32>], vector<16xf32>,
      %get3A_116 = arith.index_cast %while3A_84 : i32 to index
      %get3A_117 = arith.constant 32 : index
      %get3A_118 = tpu.vector_load %arg10[%get3A_116, %get3A_117] {strides = array<i32>} : memref<5x1024xi32, #tpu.memory_space<vmem>>, vector<16xi32>,
      %get3A_119 = arith.index_cast %while3A_84 : i32 to index
      %get3A_120 = arith.constant 32 : index
      %get3A_121 = tpu.vector_load %arg11[%get3A_119, %get3A_120] {strides = array<i32>} : memref<5x1024xf32, #tpu.memory_space<vmem>>, vector<16xf32>,
      tpu.vector_store_idx %arg13[%get3A_118], %get3A_121 {add = true} : memref<10240xf32, #tpu.memory_space<vmem>>[vector<16xi32>], vector<16xf32>,
      tpu.vector_store_idx %arg14[%get3A_118], %broadcast_in_dim3A_61 {add = true} : memref<10240xf32, #tpu.memory_space<vmem>>[vector<16xi32>], vector<16xf32>,
      %get3A_122 = arith.index_cast %while3A_84 : i32 to index
      %get3A_123 = arith.constant 48 : index
      %get3A_124 = tpu.vector_load %arg10[%get3A_122, %get3A_123] {strides = array<i32>} : memref<5x1024xi32, #tpu.memory_space<vmem>>, vector<16xi32>,
      %get3A_125 = arith.index_cast %while3A_84 : i32 to index
      %get3A_126 = arith.constant 48 : index
      %get3A_127 = tpu.vector_load %arg11[%get3A_125, %get3A_126] {strides = array<i32>} : memref<5x1024xf32, #tpu.memory_space<vmem>>, vector<16xf32>,
      tpu.vector_store_idx %arg13[%get3A_124], %get3A_127 {add = true} : memref<10240xf32, #tpu.memory_space<vmem>>[vector<16xi32>], vector<16xf32>,
      tpu.vector_store_idx %arg14[%get3A_124], %broadcast_in_dim3A_61 {add = true} : memref<10240xf32, #tpu.memory_space<vmem>>[vector<16xi32>], vector<16xf32>,
      %get3A_128 = arith.index_cast %while3A_84 : i32 to index
      %get3A_129 = arith.constant 64 : index
      %get3A_130 = tpu.vector_load %arg10[%get3A_128, %get3A_129] {strides = array<i32>} : memref<5x1024xi32, #tpu.memory_space<vmem>>, vector<16xi32>,
      %get3A_131 = arith.index_cast %while3A_84 : i32 to index
      %get3A_132 = arith.constant 64 : index
      %get3A_133 = tpu.vector_load %arg11[%get3A_131, %get3A_132] {strides = array<i32>} : memref<5x1024xf32, #tpu.memory_space<vmem>>, vector<16xf32>,
      tpu.vector_store_idx %arg13[%get3A_130], %get3A_133 {add = true} : memref<10240xf32, #tpu.memory_space<vmem>>[vector<16xi32>], vector<16xf32>,
      tpu.vector_store_idx %arg14[%get3A_130], %broadcast_in_dim3A_61 {add = true} : memref<10240xf32, #tpu.memory_space<vmem>>[vector<16xi32>], vector<16xf32>,
      %get3A_134 = arith.index_cast %while3A_84 : i32 to index
      %get3A_135 = arith.constant 80 : index
      %get3A_136 = tpu.vector_load %arg10[%get3A_134, %get3A_135] {strides = array<i32>} : memref<5x1024xi32, #tpu.memory_space<vmem>>, vector<16xi32>,
      %get3A_137 = arith.index_cast %while3A_84 : i32 to index
      %get3A_138 = arith.constant 80 : index
      %get3A_139 = tpu.vector_load %arg11[%get3A_137, %get3A_138] {strides = array<i32>} : memref<5x1024xf32, #tpu.memory_space<vmem>>, vector<16xf32>,
      tpu.vector_store_idx %arg13[%get3A_136], %get3A_139 {add = true} : memref<10240xf32, #tpu.memory_space<vmem>>[vector<16xi32>], vector<16xf32>,
      tpu.vector_store_idx %arg14[%get3A_136], %broadcast_in_dim3A_61 {add = true} : memref<10240xf32, #tpu.memory_space<vmem>>[vector<16xi32>], vector<16xf32>,
      %get3A_140 = arith.index_cast %while3A_84 : i32 to index
      %get3A_141 = arith.constant 96 : index
      %get3A_142 = tpu.vector_load %arg10[%get3A_140, %get3A_141] {strides = array<i32>} : memref<5x1024xi32, #tpu.memory_space<vmem>>, vector<16xi32>,
      %get3A_143 = arith.index_cast %while3A_84 : i32 to index
      %get3A_144 = arith.constant 96 : index
      %get3A_145 = tpu.vector_load %arg11[%get3A_143, %get3A_144] {strides = array<i32>} : memref<5x1024xf32, #tpu.memory_space<vmem>>, vector<16xf32>,
      tpu.vector_store_idx %arg13[%get3A_142], %get3A_145 {add = true} : memref<10240xf32, #tpu.memory_space<vmem>>[vector<16xi32>], vector<16xf32>,
      tpu.vector_store_idx %arg14[%get3A_142], %broadcast_in_dim3A_61 {add = true} : memref<10240xf32, #tpu.memory_space<vmem>>[vector<16xi32>], vector<16xf32>,
      %get3A_146 = arith.index_cast %while3A_84 : i32 to index
      %get3A_147 = arith.constant 112 : index
      %get3A_148 = tpu.vector_load %arg10[%get3A_146, %get3A_147] {strides = array<i32>} : memref<5x1024xi32, #tpu.memory_space<vmem>>, vector<16xi32>,
      %get3A_149 = arith.index_cast %while3A_84 : i32 to index
      %get3A_150 = arith.constant 112 : index
      %get3A_151 = tpu.vector_load %arg11[%get3A_149, %get3A_150] {strides = array<i32>} : memref<5x1024xf32, #tpu.memory_space<vmem>>, vector<16xf32>,
      tpu.vector_store_idx %arg13[%get3A_148], %get3A_151 {add = true} : memref<10240xf32, #tpu.memory_space<vmem>>[vector<16xi32>], vector<16xf32>,
      tpu.vector_store_idx %arg14[%get3A_148], %broadcast_in_dim3A_61 {add = true} : memref<10240xf32, #tpu.memory_space<vmem>>[vector<16xi32>], vector<16xf32>,
      %get3A_152 = arith.index_cast %while3A_84 : i32 to index
      %get3A_153 = arith.constant 128 : index
      %get3A_154 = tpu.vector_load %arg10[%get3A_152, %get3A_153] {strides = array<i32>} : memref<5x1024xi32, #tpu.memory_space<vmem>>, vector<16xi32>,
      %get3A_155 = arith.index_cast %while3A_84 : i32 to index
      %get3A_156 = arith.constant 128 : index
      %get3A_157 = tpu.vector_load %arg11[%get3A_155, %get3A_156] {strides = array<i32>} : memref<5x1024xf32, #tpu.memory_space<vmem>>, vector<16xf32>,
      tpu.vector_store_idx %arg13[%get3A_154], %get3A_157 {add = true} : memref<10240xf32, #tpu.memory_space<vmem>>[vector<16xi32>], vector<16xf32>,
      tpu.vector_store_idx %arg14[%get3A_154], %broadcast_in_dim3A_61 {add = true} : memref<10240xf32, #tpu.memory_space<vmem>>[vector<16xi32>], vector<16xf32>,
      %get3A_158 = arith.index_cast %while3A_84 : i32 to index
      %get3A_159 = arith.constant 144 : index
      %get3A_160 = tpu.vector_load %arg10[%get3A_158, %get3A_159] {strides = array<i32>} : memref<5x1024xi32, #tpu.memory_space<vmem>>, vector<16xi32>,
      %get3A_161 = arith.index_cast %while3A_84 : i32 to index
      %get3A_162 = arith.constant 144 : index
      %get3A_163 = tpu.vector_load %arg11[%get3A_161, %get3A_162] {strides = array<i32>} : memref<5x1024xf32, #tpu.memory_space<vmem>>, vector<16xf32>,
      tpu.vector_store_idx %arg13[%get3A_160], %get3A_163 {add = true} : memref<10240xf32, #tpu.memory_space<vmem>>[vector<16xi32>], vector<16xf32>,
      tpu.vector_store_idx %arg14[%get3A_160], %broadcast_in_dim3A_61 {add = true} : memref<10240xf32, #tpu.memory_space<vmem>>[vector<16xi32>], vector<16xf32>,
      %get3A_164 = arith.index_cast %while3A_84 : i32 to index
      %get3A_165 = arith.constant 160 : index
      %get3A_166 = tpu.vector_load %arg10[%get3A_164, %get3A_165] {strides = array<i32>} : memref<5x1024xi32, #tpu.memory_space<vmem>>, vector<16xi32>,
      %get3A_167 = arith.index_cast %while3A_84 : i32 to index
      %get3A_168 = arith.constant 160 : index
      %get3A_169 = tpu.vector_load %arg11[%get3A_167, %get3A_168] {strides = array<i32>} : memref<5x1024xf32, #tpu.memory_space<vmem>>, vector<16xf32>,
      tpu.vector_store_idx %arg13[%get3A_166], %get3A_169 {add = true} : memref<10240xf32, #tpu.memory_space<vmem>>[vector<16xi32>], vector<16xf32>,
      tpu.vector_store_idx %arg14[%get3A_166], %broadcast_in_dim3A_61 {add = true} : memref<10240xf32, #tpu.memory_space<vmem>>[vector<16xi32>], vector<16xf32>,
      %get3A_170 = arith.index_cast %while3A_84 : i32 to index
      %get3A_171 = arith.constant 176 : index
      %get3A_172 = tpu.vector_load %arg10[%get3A_170, %get3A_171] {strides = array<i32>} : memref<5x1024xi32, #tpu.memory_space<vmem>>, vector<16xi32>,
      %get3A_173 = arith.index_cast %while3A_84 : i32 to index
      %get3A_174 = arith.constant 176 : index
      %get3A_175 = tpu.vector_load %arg11[%get3A_173, %get3A_174] {strides = array<i32>} : memref<5x1024xf32, #tpu.memory_space<vmem>>, vector<16xf32>,
      tpu.vector_store_idx %arg13[%get3A_172], %get3A_175 {add = true} : memref<10240xf32, #tpu.memory_space<vmem>>[vector<16xi32>], vector<16xf32>,
      tpu.vector_store_idx %arg14[%get3A_172], %broadcast_in_dim3A_61 {add = true} : memref<10240xf32, #tpu.memory_space<vmem>>[vector<16xi32>], vector<16xf32>,
      %get3A_176 = arith.index_cast %while3A_84 : i32 to index
      %get3A_177 = arith.constant 192 : index
      %get3A_178 = tpu.vector_load %arg10[%get3A_176, %get3A_177] {strides = array<i32>} : memref<5x1024xi32, #tpu.memory_space<vmem>>, vector<16xi32>,
      %get3A_179 = arith.index_cast %while3A_84 : i32 to index
      %get3A_180 = arith.constant 192 : index
      %get3A_181 = tpu.vector_load %arg11[%get3A_179, %get3A_180] {strides = array<i32>} : memref<5x1024xf32, #tpu.memory_space<vmem>>, vector<16xf32>,
      tpu.vector_store_idx %arg13[%get3A_178], %get3A_181 {add = true} : memref<10240xf32, #tpu.memory_space<vmem>>[vector<16xi32>], vector<16xf32>,
      tpu.vector_store_idx %arg14[%get3A_178], %broadcast_in_dim3A_61 {add = true} : memref<10240xf32, #tpu.memory_space<vmem>>[vector<16xi32>], vector<16xf32>,
      %get3A_182 = arith.index_cast %while3A_84 : i32 to index
      %get3A_183 = arith.constant 208 : index
      %get3A_184 = tpu.vector_load %arg10[%get3A_182, %get3A_183] {strides = array<i32>} : memref<5x1024xi32, #tpu.memory_space<vmem>>, vector<16xi32>,
      %get3A_185 = arith.index_cast %while3A_84 : i32 to index
      %get3A_186 = arith.constant 208 : index
      %get3A_187 = tpu.vector_load %arg11[%get3A_185, %get3A_186] {strides = array<i32>} : memref<5x1024xf32, #tpu.memory_space<vmem>>, vector<16xf32>,
      tpu.vector_store_idx %arg13[%get3A_184], %get3A_187 {add = true} : memref<10240xf32, #tpu.memory_space<vmem>>[vector<16xi32>], vector<16xf32>,
      tpu.vector_store_idx %arg14[%get3A_184], %broadcast_in_dim3A_61 {add = true} : memref<10240xf32, #tpu.memory_space<vmem>>[vector<16xi32>], vector<16xf32>,
      %get3A_188 = arith.index_cast %while3A_84 : i32 to index
      %get3A_189 = arith.constant 224 : index
      %get3A_190 = tpu.vector_load %arg10[%get3A_188, %get3A_189] {strides = array<i32>} : memref<5x1024xi32, #tpu.memory_space<vmem>>, vector<16xi32>,
      %get3A_191 = arith.index_cast %while3A_84 : i32 to index
      %get3A_192 = arith.constant 224 : index
      %get3A_193 = tpu.vector_load %arg11[%get3A_191, %get3A_192] {strides = array<i32>} : memref<5x1024xf32, #tpu.memory_space<vmem>>, vector<16xf32>,
      tpu.vector_store_idx %arg13[%get3A_190], %get3A_193 {add = true} : memref<10240xf32, #tpu.memory_space<vmem>>[vector<16xi32>], vector<16xf32>,
      tpu.vector_store_idx %arg14[%get3A_190], %broadcast_in_dim3A_61 {add = true} : memref<10240xf32, #tpu.memory_space<vmem>>[vector<16xi32>], vector<16xf32>,
      %get3A_194 = arith.index_cast %while3A_84 : i32 to index
      %get3A_195 = arith.constant 240 : index
      %get3A_196 = tpu.vector_load %arg10[%get3A_194, %get3A_195] {strides = array<i32>} : memref<5x1024xi32, #tpu.memory_space<vmem>>, vector<16xi32>,
      %get3A_197 = arith.index_cast %while3A_84 : i32 to index
      %get3A_198 = arith.constant 240 : index
      %get3A_199 = tpu.vector_load %arg11[%get3A_197, %get3A_198] {strides = array<i32>} : memref<5x1024xf32, #tpu.memory_space<vmem>>, vector<16xf32>,
      tpu.vector_store_idx %arg13[%get3A_196], %get3A_199 {add = true} : memref<10240xf32, #tpu.memory_space<vmem>>[vector<16xi32>], vector<16xf32>,
      tpu.vector_store_idx %arg14[%get3A_196], %broadcast_in_dim3A_61 {add = true} : memref<10240xf32, #tpu.memory_space<vmem>>[vector<16xi32>], vector<16xf32>,
      %get3A_200 = arith.index_cast %while3A_84 : i32 to index
      %get3A_201 = arith.constant 256 : index
      %get3A_202 = tpu.vector_load %arg10[%get3A_200, %get3A_201] {strides = array<i32>} : memref<5x1024xi32, #tpu.memory_space<vmem>>, vector<16xi32>,
      %get3A_203 = arith.index_cast %while3A_84 : i32 to index
      %get3A_204 = arith.constant 256 : index
      %get3A_205 = tpu.vector_load %arg11[%get3A_203, %get3A_204] {strides = array<i32>} : memref<5x1024xf32, #tpu.memory_space<vmem>>, vector<16xf32>,
      tpu.vector_store_idx %arg13[%get3A_202], %get3A_205 {add = true} : memref<10240xf32, #tpu.memory_space<vmem>>[vector<16xi32>], vector<16xf32>,
      tpu.vector_store_idx %arg14[%get3A_202], %broadcast_in_dim3A_61 {add = true} : memref<10240xf32, #tpu.memory_space<vmem>>[vector<16xi32>], vector<16xf32>,
      %get3A_206 = arith.index_cast %while3A_84 : i32 to index
      %get3A_207 = arith.constant 272 : index
      %get3A_208 = tpu.vector_load %arg10[%get3A_206, %get3A_207] {strides = array<i32>} : memref<5x1024xi32, #tpu.memory_space<vmem>>, vector<16xi32>,
      %get3A_209 = arith.index_cast %while3A_84 : i32 to index
      %get3A_210 = arith.constant 272 : index
      %get3A_211 = tpu.vector_load %arg11[%get3A_209, %get3A_210] {strides = array<i32>} : memref<5x1024xf32, #tpu.memory_space<vmem>>, vector<16xf32>,
      tpu.vector_store_idx %arg13[%get3A_208], %get3A_211 {add = true} : memref<10240xf32, #tpu.memory_space<vmem>>[vector<16xi32>], vector<16xf32>,
      tpu.vector_store_idx %arg14[%get3A_208], %broadcast_in_dim3A_61 {add = true} : memref<10240xf32, #tpu.memory_space<vmem>>[vector<16xi32>], vector<16xf32>,
      %get3A_212 = arith.index_cast %while3A_84 : i32 to index
      %get3A_213 = arith.constant 288 : index
      %get3A_214 = tpu.vector_load %arg10[%get3A_212, %get3A_213] {strides = array<i32>} : memref<5x1024xi32, #tpu.memory_space<vmem>>, vector<16xi32>,
      %get3A_215 = arith.index_cast %while3A_84 : i32 to index
      %get3A_216 = arith.constant 288 : index
      %get3A_217 = tpu.vector_load %arg11[%get3A_215, %get3A_216] {strides = array<i32>} : memref<5x1024xf32, #tpu.memory_space<vmem>>, vector<16xf32>,
      tpu.vector_store_idx %arg13[%get3A_214], %get3A_217 {add = true} : memref<10240xf32, #tpu.memory_space<vmem>>[vector<16xi32>], vector<16xf32>,
      tpu.vector_store_idx %arg14[%get3A_214], %broadcast_in_dim3A_61 {add = true} : memref<10240xf32, #tpu.memory_space<vmem>>[vector<16xi32>], vector<16xf32>,
      %get3A_218 = arith.index_cast %while3A_84 : i32 to index
      %get3A_219 = arith.constant 304 : index
      %get3A_220 = tpu.vector_load %arg10[%get3A_218, %get3A_219] {strides = array<i32>} : memref<5x1024xi32, #tpu.memory_space<vmem>>, vector<16xi32>,
      %get3A_221 = arith.index_cast %while3A_84 : i32 to index
      %get3A_222 = arith.constant 304 : index
      %get3A_223 = tpu.vector_load %arg11[%get3A_221, %get3A_222] {strides = array<i32>} : memref<5x1024xf32, #tpu.memory_space<vmem>>, vector<16xf32>,
      tpu.vector_store_idx %arg13[%get3A_220], %get3A_223 {add = true} : memref<10240xf32, #tpu.memory_space<vmem>>[vector<16xi32>], vector<16xf32>,
      tpu.vector_store_idx %arg14[%get3A_220], %broadcast_in_dim3A_61 {add = true} : memref<10240xf32, #tpu.memory_space<vmem>>[vector<16xi32>], vector<16xf32>,
      %get3A_224 = arith.index_cast %while3A_84 : i32 to index
      %get3A_225 = arith.constant 320 : index
      %get3A_226 = tpu.vector_load %arg10[%get3A_224, %get3A_225] {strides = array<i32>} : memref<5x1024xi32, #tpu.memory_space<vmem>>, vector<16xi32>,
      %get3A_227 = arith.index_cast %while3A_84 : i32 to index
      %get3A_228 = arith.constant 320 : index
      %get3A_229 = tpu.vector_load %arg11[%get3A_227, %get3A_228] {strides = array<i32>} : memref<5x1024xf32, #tpu.memory_space<vmem>>, vector<16xf32>,
      tpu.vector_store_idx %arg13[%get3A_226], %get3A_229 {add = true} : memref<10240xf32, #tpu.memory_space<vmem>>[vector<16xi32>], vector<16xf32>,
      tpu.vector_store_idx %arg14[%get3A_226], %broadcast_in_dim3A_61 {add = true} : memref<10240xf32, #tpu.memory_space<vmem>>[vector<16xi32>], vector<16xf32>,
      %get3A_230 = arith.index_cast %while3A_84 : i32 to index
      %get3A_231 = arith.constant 336 : index
      %get3A_232 = tpu.vector_load %arg10[%get3A_230, %get3A_231] {strides = array<i32>} : memref<5x1024xi32, #tpu.memory_space<vmem>>, vector<16xi32>,
      %get3A_233 = arith.index_cast %while3A_84 : i32 to index
      %get3A_234 = arith.constant 336 : index
      %get3A_235 = tpu.vector_load %arg11[%get3A_233, %get3A_234] {strides = array<i32>} : memref<5x1024xf32, #tpu.memory_space<vmem>>, vector<16xf32>,
      tpu.vector_store_idx %arg13[%get3A_232], %get3A_235 {add = true} : memref<10240xf32, #tpu.memory_space<vmem>>[vector<16xi32>], vector<16xf32>,
      tpu.vector_store_idx %arg14[%get3A_232], %broadcast_in_dim3A_61 {add = true} : memref<10240xf32, #tpu.memory_space<vmem>>[vector<16xi32>], vector<16xf32>,
      %get3A_236 = arith.index_cast %while3A_84 : i32 to index
      %get3A_237 = arith.constant 352 : index
      %get3A_238 = tpu.vector_load %arg10[%get3A_236, %get3A_237] {strides = array<i32>} : memref<5x1024xi32, #tpu.memory_space<vmem>>, vector<16xi32>,
      %get3A_239 = arith.index_cast %while3A_84 : i32 to index
      %get3A_240 = arith.constant 352 : index
      %get3A_241 = tpu.vector_load %arg11[%get3A_239, %get3A_240] {strides = array<i32>} : memref<5x1024xf32, #tpu.memory_space<vmem>>, vector<16xf32>,
      tpu.vector_store_idx %arg13[%get3A_238], %get3A_241 {add = true} : memref<10240xf32, #tpu.memory_space<vmem>>[vector<16xi32>], vector<16xf32>,
      tpu.vector_store_idx %arg14[%get3A_238], %broadcast_in_dim3A_61 {add = true} : memref<10240xf32, #tpu.memory_space<vmem>>[vector<16xi32>], vector<16xf32>,
      %get3A_242 = arith.index_cast %while3A_84 : i32 to index
      %get3A_243 = arith.constant 368 : index
      %get3A_244 = tpu.vector_load %arg10[%get3A_242, %get3A_243] {strides = array<i32>} : memref<5x1024xi32, #tpu.memory_space<vmem>>, vector<16xi32>,
      %get3A_245 = arith.index_cast %while3A_84 : i32 to index
      %get3A_246 = arith.constant 368 : index
      %get3A_247 = tpu.vector_load %arg11[%get3A_245, %get3A_246] {strides = array<i32>} : memref<5x1024xf32, #tpu.memory_space<vmem>>, vector<16xf32>,
      tpu.vector_store_idx %arg13[%get3A_244], %get3A_247 {add = true} : memref<10240xf32, #tpu.memory_space<vmem>>[vector<16xi32>], vector<16xf32>,
      tpu.vector_store_idx %arg14[%get3A_244], %broadcast_in_dim3A_61 {add = true} : memref<10240xf32, #tpu.memory_space<vmem>>[vector<16xi32>], vector<16xf32>,
      %get3A_248 = arith.index_cast %while3A_84 : i32 to index
      %get3A_249 = arith.constant 384 : index
      %get3A_250 = tpu.vector_load %arg10[%get3A_248, %get3A_249] {strides = array<i32>} : memref<5x1024xi32, #tpu.memory_space<vmem>>, vector<16xi32>,
      %get3A_251 = arith.index_cast %while3A_84 : i32 to index
      %get3A_252 = arith.constant 384 : index
      %get3A_253 = tpu.vector_load %arg11[%get3A_251, %get3A_252] {strides = array<i32>} : memref<5x1024xf32, #tpu.memory_space<vmem>>, vector<16xf32>,
      tpu.vector_store_idx %arg13[%get3A_250], %get3A_253 {add = true} : memref<10240xf32, #tpu.memory_space<vmem>>[vector<16xi32>], vector<16xf32>,
      tpu.vector_store_idx %arg14[%get3A_250], %broadcast_in_dim3A_61 {add = true} : memref<10240xf32, #tpu.memory_space<vmem>>[vector<16xi32>], vector<16xf32>,
      %get3A_254 = arith.index_cast %while3A_84 : i32 to index
      %get3A_255 = arith.constant 400 : index
      %get3A_256 = tpu.vector_load %arg10[%get3A_254, %get3A_255] {strides = array<i32>} : memref<5x1024xi32, #tpu.memory_space<vmem>>, vector<16xi32>,
      %get3A_257 = arith.index_cast %while3A_84 : i32 to index
      %get3A_258 = arith.constant 400 : index
      %get3A_259 = tpu.vector_load %arg11[%get3A_257, %get3A_258] {strides = array<i32>} : memref<5x1024xf32, #tpu.memory_space<vmem>>, vector<16xf32>,
      tpu.vector_store_idx %arg13[%get3A_256], %get3A_259 {add = true} : memref<10240xf32, #tpu.memory_space<vmem>>[vector<16xi32>], vector<16xf32>,
      tpu.vector_store_idx %arg14[%get3A_256], %broadcast_in_dim3A_61 {add = true} : memref<10240xf32, #tpu.memory_space<vmem>>[vector<16xi32>], vector<16xf32>,
      %get3A_260 = arith.index_cast %while3A_84 : i32 to index
      %get3A_261 = arith.constant 416 : index
      %get3A_262 = tpu.vector_load %arg10[%get3A_260, %get3A_261] {strides = array<i32>} : memref<5x1024xi32, #tpu.memory_space<vmem>>, vector<16xi32>,
      %get3A_263 = arith.index_cast %while3A_84 : i32 to index
      %get3A_264 = arith.constant 416 : index
      %get3A_265 = tpu.vector_load %arg11[%get3A_263, %get3A_264] {strides = array<i32>} : memref<5x1024xf32, #tpu.memory_space<vmem>>, vector<16xf32>,
      tpu.vector_store_idx %arg13[%get3A_262], %get3A_265 {add = true} : memref<10240xf32, #tpu.memory_space<vmem>>[vector<16xi32>], vector<16xf32>,
      tpu.vector_store_idx %arg14[%get3A_262], %broadcast_in_dim3A_61 {add = true} : memref<10240xf32, #tpu.memory_space<vmem>>[vector<16xi32>], vector<16xf32>,
      %get3A_266 = arith.index_cast %while3A_84 : i32 to index
      %get3A_267 = arith.constant 432 : index
      %get3A_268 = tpu.vector_load %arg10[%get3A_266, %get3A_267] {strides = array<i32>} : memref<5x1024xi32, #tpu.memory_space<vmem>>, vector<16xi32>,
      %get3A_269 = arith.index_cast %while3A_84 : i32 to index
      %get3A_270 = arith.constant 432 : index
      %get3A_271 = tpu.vector_load %arg11[%get3A_269, %get3A_270] {strides = array<i32>} : memref<5x1024xf32, #tpu.memory_space<vmem>>, vector<16xf32>,
      tpu.vector_store_idx %arg13[%get3A_268], %get3A_271 {add = true} : memref<10240xf32, #tpu.memory_space<vmem>>[vector<16xi32>], vector<16xf32>,
      tpu.vector_store_idx %arg14[%get3A_268], %broadcast_in_dim3A_61 {add = true} : memref<10240xf32, #tpu.memory_space<vmem>>[vector<16xi32>], vector<16xf32>,
      %get3A_272 = arith.index_cast %while3A_84 : i32 to index
      %get3A_273 = arith.constant 448 : index
      %get3A_274 = tpu.vector_load %arg10[%get3A_272, %get3A_273] {strides = array<i32>} : memref<5x1024xi32, #tpu.memory_space<vmem>>, vector<16xi32>,
      %get3A_275 = arith.index_cast %while3A_84 : i32 to index
      %get3A_276 = arith.constant 448 : index
      %get3A_277 = tpu.vector_load %arg11[%get3A_275, %get3A_276] {strides = array<i32>} : memref<5x1024xf32, #tpu.memory_space<vmem>>, vector<16xf32>,
      tpu.vector_store_idx %arg13[%get3A_274], %get3A_277 {add = true} : memref<10240xf32, #tpu.memory_space<vmem>>[vector<16xi32>], vector<16xf32>,
      tpu.vector_store_idx %arg14[%get3A_274], %broadcast_in_dim3A_61 {add = true} : memref<10240xf32, #tpu.memory_space<vmem>>[vector<16xi32>], vector<16xf32>,
      %get3A_278 = arith.index_cast %while3A_84 : i32 to index
      %get3A_279 = arith.constant 464 : index
      %get3A_280 = tpu.vector_load %arg10[%get3A_278, %get3A_279] {strides = array<i32>} : memref<5x1024xi32, #tpu.memory_space<vmem>>, vector<16xi32>,
      %get3A_281 = arith.index_cast %while3A_84 : i32 to index
      %get3A_282 = arith.constant 464 : index
      %get3A_283 = tpu.vector_load %arg11[%get3A_281, %get3A_282] {strides = array<i32>} : memref<5x1024xf32, #tpu.memory_space<vmem>>, vector<16xf32>,
      tpu.vector_store_idx %arg13[%get3A_280], %get3A_283 {add = true} : memref<10240xf32, #tpu.memory_space<vmem>>[vector<16xi32>], vector<16xf32>,
      tpu.vector_store_idx %arg14[%get3A_280], %broadcast_in_dim3A_61 {add = true} : memref<10240xf32, #tpu.memory_space<vmem>>[vector<16xi32>], vector<16xf32>,
      %get3A_284 = arith.index_cast %while3A_84 : i32 to index
      %get3A_285 = arith.constant 480 : index
      %get3A_286 = tpu.vector_load %arg10[%get3A_284, %get3A_285] {strides = array<i32>} : memref<5x1024xi32, #tpu.memory_space<vmem>>, vector<16xi32>,
      %get3A_287 = arith.index_cast %while3A_84 : i32 to index
      %get3A_288 = arith.constant 480 : index
      %get3A_289 = tpu.vector_load %arg11[%get3A_287, %get3A_288] {strides = array<i32>} : memref<5x1024xf32, #tpu.memory_space<vmem>>, vector<16xf32>,
      tpu.vector_store_idx %arg13[%get3A_286], %get3A_289 {add = true} : memref<10240xf32, #tpu.memory_space<vmem>>[vector<16xi32>], vector<16xf32>,
      tpu.vector_store_idx %arg14[%get3A_286], %broadcast_in_dim3A_61 {add = true} : memref<10240xf32, #tpu.memory_space<vmem>>[vector<16xi32>], vector<16xf32>,
      %get3A_290 = arith.index_cast %while3A_84 : i32 to index
      %get3A_291 = arith.constant 496 : index
      %get3A_292 = tpu.vector_load %arg10[%get3A_290, %get3A_291] {strides = array<i32>} : memref<5x1024xi32, #tpu.memory_space<vmem>>, vector<16xi32>,
      %get3A_293 = arith.index_cast %while3A_84 : i32 to index
      %get3A_294 = arith.constant 496 : index
      %get3A_295 = tpu.vector_load %arg11[%get3A_293, %get3A_294] {strides = array<i32>} : memref<5x1024xf32, #tpu.memory_space<vmem>>, vector<16xf32>,
      tpu.vector_store_idx %arg13[%get3A_292], %get3A_295 {add = true} : memref<10240xf32, #tpu.memory_space<vmem>>[vector<16xi32>], vector<16xf32>,
      tpu.vector_store_idx %arg14[%get3A_292], %broadcast_in_dim3A_61 {add = true} : memref<10240xf32, #tpu.memory_space<vmem>>[vector<16xi32>], vector<16xf32>,
      %get3A_296 = arith.index_cast %while3A_84 : i32 to index
      %get3A_297 = arith.constant 512 : index
      %get3A_298 = tpu.vector_load %arg10[%get3A_296, %get3A_297] {strides = array<i32>} : memref<5x1024xi32, #tpu.memory_space<vmem>>, vector<16xi32>,
      %get3A_299 = arith.index_cast %while3A_84 : i32 to index
      %get3A_300 = arith.constant 512 : index
      %get3A_301 = tpu.vector_load %arg11[%get3A_299, %get3A_300] {strides = array<i32>} : memref<5x1024xf32, #tpu.memory_space<vmem>>, vector<16xf32>,
      tpu.vector_store_idx %arg13[%get3A_298], %get3A_301 {add = true} : memref<10240xf32, #tpu.memory_space<vmem>>[vector<16xi32>], vector<16xf32>,
      tpu.vector_store_idx %arg14[%get3A_298], %broadcast_in_dim3A_61 {add = true} : memref<10240xf32, #tpu.memory_space<vmem>>[vector<16xi32>], vector<16xf32>,
      %get3A_302 = arith.index_cast %while3A_84 : i32 to index
      %get3A_303 = arith.constant 528 : index
      %get3A_304 = tpu.vector_load %arg10[%get3A_302, %get3A_303] {strides = array<i32>} : memref<5x1024xi32, #tpu.memory_space<vmem>>, vector<16xi32>,
      %get3A_305 = arith.index_cast %while3A_84 : i32 to index
      %get3A_306 = arith.constant 528 : index
      %get3A_307 = tpu.vector_load %arg11[%get3A_305, %get3A_306] {strides = array<i32>} : memref<5x1024xf32, #tpu.memory_space<vmem>>, vector<16xf32>,
      tpu.vector_store_idx %arg13[%get3A_304], %get3A_307 {add = true} : memref<10240xf32, #tpu.memory_space<vmem>>[vector<16xi32>], vector<16xf32>,
      tpu.vector_store_idx %arg14[%get3A_304], %broadcast_in_dim3A_61 {add = true} : memref<10240xf32, #tpu.memory_space<vmem>>[vector<16xi32>], vector<16xf32>,
      %get3A_308 = arith.index_cast %while3A_84 : i32 to index
      %get3A_309 = arith.constant 544 : index
      %get3A_310 = tpu.vector_load %arg10[%get3A_308, %get3A_309] {strides = array<i32>} : memref<5x1024xi32, #tpu.memory_space<vmem>>, vector<16xi32>,
      %get3A_311 = arith.index_cast %while3A_84 : i32 to index
      %get3A_312 = arith.constant 544 : index
      %get3A_313 = tpu.vector_load %arg11[%get3A_311, %get3A_312] {strides = array<i32>} : memref<5x1024xf32, #tpu.memory_space<vmem>>, vector<16xf32>,
      tpu.vector_store_idx %arg13[%get3A_310], %get3A_313 {add = true} : memref<10240xf32, #tpu.memory_space<vmem>>[vector<16xi32>], vector<16xf32>,
      tpu.vector_store_idx %arg14[%get3A_310], %broadcast_in_dim3A_61 {add = true} : memref<10240xf32, #tpu.memory_space<vmem>>[vector<16xi32>], vector<16xf32>,
      %get3A_314 = arith.index_cast %while3A_84 : i32 to index
      %get3A_315 = arith.constant 560 : index
      %get3A_316 = tpu.vector_load %arg10[%get3A_314, %get3A_315] {strides = array<i32>} : memref<5x1024xi32, #tpu.memory_space<vmem>>, vector<16xi32>,
      %get3A_317 = arith.index_cast %while3A_84 : i32 to index
      %get3A_318 = arith.constant 560 : index
      %get3A_319 = tpu.vector_load %arg11[%get3A_317, %get3A_318] {strides = array<i32>} : memref<5x1024xf32, #tpu.memory_space<vmem>>, vector<16xf32>,
      tpu.vector_store_idx %arg13[%get3A_316], %get3A_319 {add = true} : memref<10240xf32, #tpu.memory_space<vmem>>[vector<16xi32>], vector<16xf32>,
      tpu.vector_store_idx %arg14[%get3A_316], %broadcast_in_dim3A_61 {add = true} : memref<10240xf32, #tpu.memory_space<vmem>>[vector<16xi32>], vector<16xf32>,
      %get3A_320 = arith.index_cast %while3A_84 : i32 to index
      %get3A_321 = arith.constant 576 : index
      %get3A_322 = tpu.vector_load %arg10[%get3A_320, %get3A_321] {strides = array<i32>} : memref<5x1024xi32, #tpu.memory_space<vmem>>, vector<16xi32>,
      %get3A_323 = arith.index_cast %while3A_84 : i32 to index
      %get3A_324 = arith.constant 576 : index
      %get3A_325 = tpu.vector_load %arg11[%get3A_323, %get3A_324] {strides = array<i32>} : memref<5x1024xf32, #tpu.memory_space<vmem>>, vector<16xf32>,
      tpu.vector_store_idx %arg13[%get3A_322], %get3A_325 {add = true} : memref<10240xf32, #tpu.memory_space<vmem>>[vector<16xi32>], vector<16xf32>,
      tpu.vector_store_idx %arg14[%get3A_322], %broadcast_in_dim3A_61 {add = true} : memref<10240xf32, #tpu.memory_space<vmem>>[vector<16xi32>], vector<16xf32>,
      %get3A_326 = arith.index_cast %while3A_84 : i32 to index
      %get3A_327 = arith.constant 592 : index
      %get3A_328 = tpu.vector_load %arg10[%get3A_326, %get3A_327] {strides = array<i32>} : memref<5x1024xi32, #tpu.memory_space<vmem>>, vector<16xi32>,
      %get3A_329 = arith.index_cast %while3A_84 : i32 to index
      %get3A_330 = arith.constant 592 : index
      %get3A_331 = tpu.vector_load %arg11[%get3A_329, %get3A_330] {strides = array<i32>} : memref<5x1024xf32, #tpu.memory_space<vmem>>, vector<16xf32>,
      tpu.vector_store_idx %arg13[%get3A_328], %get3A_331 {add = true} : memref<10240xf32, #tpu.memory_space<vmem>>[vector<16xi32>], vector<16xf32>,
      tpu.vector_store_idx %arg14[%get3A_328], %broadcast_in_dim3A_61 {add = true} : memref<10240xf32, #tpu.memory_space<vmem>>[vector<16xi32>], vector<16xf32>,
      %get3A_332 = arith.index_cast %while3A_84 : i32 to index
      %get3A_333 = arith.constant 608 : index
      %get3A_334 = tpu.vector_load %arg10[%get3A_332, %get3A_333] {strides = array<i32>} : memref<5x1024xi32, #tpu.memory_space<vmem>>, vector<16xi32>,
      %get3A_335 = arith.index_cast %while3A_84 : i32 to index
      %get3A_336 = arith.constant 608 : index
      %get3A_337 = tpu.vector_load %arg11[%get3A_335, %get3A_336] {strides = array<i32>} : memref<5x1024xf32, #tpu.memory_space<vmem>>, vector<16xf32>,
      tpu.vector_store_idx %arg13[%get3A_334], %get3A_337 {add = true} : memref<10240xf32, #tpu.memory_space<vmem>>[vector<16xi32>], vector<16xf32>,
      tpu.vector_store_idx %arg14[%get3A_334], %broadcast_in_dim3A_61 {add = true} : memref<10240xf32, #tpu.memory_space<vmem>>[vector<16xi32>], vector<16xf32>,
      %get3A_338 = arith.index_cast %while3A_84 : i32 to index
      %get3A_339 = arith.constant 624 : index
      %get3A_340 = tpu.vector_load %arg10[%get3A_338, %get3A_339] {strides = array<i32>} : memref<5x1024xi32, #tpu.memory_space<vmem>>, vector<16xi32>,
      %get3A_341 = arith.index_cast %while3A_84 : i32 to index
      %get3A_342 = arith.constant 624 : index
      %get3A_343 = tpu.vector_load %arg11[%get3A_341, %get3A_342] {strides = array<i32>} : memref<5x1024xf32, #tpu.memory_space<vmem>>, vector<16xf32>,
      tpu.vector_store_idx %arg13[%get3A_340], %get3A_343 {add = true} : memref<10240xf32, #tpu.memory_space<vmem>>[vector<16xi32>], vector<16xf32>,
      tpu.vector_store_idx %arg14[%get3A_340], %broadcast_in_dim3A_61 {add = true} : memref<10240xf32, #tpu.memory_space<vmem>>[vector<16xi32>], vector<16xf32>,
      %get3A_344 = arith.index_cast %while3A_84 : i32 to index
      %get3A_345 = arith.constant 640 : index
      %get3A_346 = tpu.vector_load %arg10[%get3A_344, %get3A_345] {strides = array<i32>} : memref<5x1024xi32, #tpu.memory_space<vmem>>, vector<16xi32>,
      %get3A_347 = arith.index_cast %while3A_84 : i32 to index
      %get3A_348 = arith.constant 640 : index
      %get3A_349 = tpu.vector_load %arg11[%get3A_347, %get3A_348] {strides = array<i32>} : memref<5x1024xf32, #tpu.memory_space<vmem>>, vector<16xf32>,
      tpu.vector_store_idx %arg13[%get3A_346], %get3A_349 {add = true} : memref<10240xf32, #tpu.memory_space<vmem>>[vector<16xi32>], vector<16xf32>,
      tpu.vector_store_idx %arg14[%get3A_346], %broadcast_in_dim3A_61 {add = true} : memref<10240xf32, #tpu.memory_space<vmem>>[vector<16xi32>], vector<16xf32>,
      %get3A_350 = arith.index_cast %while3A_84 : i32 to index
      %get3A_351 = arith.constant 656 : index
      %get3A_352 = tpu.vector_load %arg10[%get3A_350, %get3A_351] {strides = array<i32>} : memref<5x1024xi32, #tpu.memory_space<vmem>>, vector<16xi32>,
      %get3A_353 = arith.index_cast %while3A_84 : i32 to index
      %get3A_354 = arith.constant 656 : index
      %get3A_355 = tpu.vector_load %arg11[%get3A_353, %get3A_354] {strides = array<i32>} : memref<5x1024xf32, #tpu.memory_space<vmem>>, vector<16xf32>,
      tpu.vector_store_idx %arg13[%get3A_352], %get3A_355 {add = true} : memref<10240xf32, #tpu.memory_space<vmem>>[vector<16xi32>], vector<16xf32>,
      tpu.vector_store_idx %arg14[%get3A_352], %broadcast_in_dim3A_61 {add = true} : memref<10240xf32, #tpu.memory_space<vmem>>[vector<16xi32>], vector<16xf32>,
      %get3A_356 = arith.index_cast %while3A_84 : i32 to index
      %get3A_357 = arith.constant 672 : index
      %get3A_358 = tpu.vector_load %arg10[%get3A_356, %get3A_357] {strides = array<i32>} : memref<5x1024xi32, #tpu.memory_space<vmem>>, vector<16xi32>,
      %get3A_359 = arith.index_cast %while3A_84 : i32 to index
      %get3A_360 = arith.constant 672 : index
      %get3A_361 = tpu.vector_load %arg11[%get3A_359, %get3A_360] {strides = array<i32>} : memref<5x1024xf32, #tpu.memory_space<vmem>>, vector<16xf32>,
      tpu.vector_store_idx %arg13[%get3A_358], %get3A_361 {add = true} : memref<10240xf32, #tpu.memory_space<vmem>>[vector<16xi32>], vector<16xf32>,
      tpu.vector_store_idx %arg14[%get3A_358], %broadcast_in_dim3A_61 {add = true} : memref<10240xf32, #tpu.memory_space<vmem>>[vector<16xi32>], vector<16xf32>,
      %get3A_362 = arith.index_cast %while3A_84 : i32 to index
      %get3A_363 = arith.constant 688 : index
      %get3A_364 = tpu.vector_load %arg10[%get3A_362, %get3A_363] {strides = array<i32>} : memref<5x1024xi32, #tpu.memory_space<vmem>>, vector<16xi32>,
      %get3A_365 = arith.index_cast %while3A_84 : i32 to index
      %get3A_366 = arith.constant 688 : index
      %get3A_367 = tpu.vector_load %arg11[%get3A_365, %get3A_366] {strides = array<i32>} : memref<5x1024xf32, #tpu.memory_space<vmem>>, vector<16xf32>,
      tpu.vector_store_idx %arg13[%get3A_364], %get3A_367 {add = true} : memref<10240xf32, #tpu.memory_space<vmem>>[vector<16xi32>], vector<16xf32>,
      tpu.vector_store_idx %arg14[%get3A_364], %broadcast_in_dim3A_61 {add = true} : memref<10240xf32, #tpu.memory_space<vmem>>[vector<16xi32>], vector<16xf32>,
      %get3A_368 = arith.index_cast %while3A_84 : i32 to index
      %get3A_369 = arith.constant 704 : index
      %get3A_370 = tpu.vector_load %arg10[%get3A_368, %get3A_369] {strides = array<i32>} : memref<5x1024xi32, #tpu.memory_space<vmem>>, vector<16xi32>,
      %get3A_371 = arith.index_cast %while3A_84 : i32 to index
      %get3A_372 = arith.constant 704 : index
      %get3A_373 = tpu.vector_load %arg11[%get3A_371, %get3A_372] {strides = array<i32>} : memref<5x1024xf32, #tpu.memory_space<vmem>>, vector<16xf32>,
      tpu.vector_store_idx %arg13[%get3A_370], %get3A_373 {add = true} : memref<10240xf32, #tpu.memory_space<vmem>>[vector<16xi32>], vector<16xf32>,
      tpu.vector_store_idx %arg14[%get3A_370], %broadcast_in_dim3A_61 {add = true} : memref<10240xf32, #tpu.memory_space<vmem>>[vector<16xi32>], vector<16xf32>,
      %get3A_374 = arith.index_cast %while3A_84 : i32 to index
      %get3A_375 = arith.constant 720 : index
      %get3A_376 = tpu.vector_load %arg10[%get3A_374, %get3A_375] {strides = array<i32>} : memref<5x1024xi32, #tpu.memory_space<vmem>>, vector<16xi32>,
      %get3A_377 = arith.index_cast %while3A_84 : i32 to index
      %get3A_378 = arith.constant 720 : index
      %get3A_379 = tpu.vector_load %arg11[%get3A_377, %get3A_378] {strides = array<i32>} : memref<5x1024xf32, #tpu.memory_space<vmem>>, vector<16xf32>,
      tpu.vector_store_idx %arg13[%get3A_376], %get3A_379 {add = true} : memref<10240xf32, #tpu.memory_space<vmem>>[vector<16xi32>], vector<16xf32>,
      tpu.vector_store_idx %arg14[%get3A_376], %broadcast_in_dim3A_61 {add = true} : memref<10240xf32, #tpu.memory_space<vmem>>[vector<16xi32>], vector<16xf32>,
      %get3A_380 = arith.index_cast %while3A_84 : i32 to index
      %get3A_381 = arith.constant 736 : index
      %get3A_382 = tpu.vector_load %arg10[%get3A_380, %get3A_381] {strides = array<i32>} : memref<5x1024xi32, #tpu.memory_space<vmem>>, vector<16xi32>,
      %get3A_383 = arith.index_cast %while3A_84 : i32 to index
      %get3A_384 = arith.constant 736 : index
      %get3A_385 = tpu.vector_load %arg11[%get3A_383, %get3A_384] {strides = array<i32>} : memref<5x1024xf32, #tpu.memory_space<vmem>>, vector<16xf32>,
      tpu.vector_store_idx %arg13[%get3A_382], %get3A_385 {add = true} : memref<10240xf32, #tpu.memory_space<vmem>>[vector<16xi32>], vector<16xf32>,
      tpu.vector_store_idx %arg14[%get3A_382], %broadcast_in_dim3A_61 {add = true} : memref<10240xf32, #tpu.memory_space<vmem>>[vector<16xi32>], vector<16xf32>,
      %get3A_386 = arith.index_cast %while3A_84 : i32 to index
      %get3A_387 = arith.constant 752 : index
      %get3A_388 = tpu.vector_load %arg10[%get3A_386, %get3A_387] {strides = array<i32>} : memref<5x1024xi32, #tpu.memory_space<vmem>>, vector<16xi32>,
      %get3A_389 = arith.index_cast %while3A_84 : i32 to index
      %get3A_390 = arith.constant 752 : index
      %get3A_391 = tpu.vector_load %arg11[%get3A_389, %get3A_390] {strides = array<i32>} : memref<5x1024xf32, #tpu.memory_space<vmem>>, vector<16xf32>,
      tpu.vector_store_idx %arg13[%get3A_388], %get3A_391 {add = true} : memref<10240xf32, #tpu.memory_space<vmem>>[vector<16xi32>], vector<16xf32>,
      tpu.vector_store_idx %arg14[%get3A_388], %broadcast_in_dim3A_61 {add = true} : memref<10240xf32, #tpu.memory_space<vmem>>[vector<16xi32>], vector<16xf32>,
      %get3A_392 = arith.index_cast %while3A_84 : i32 to index
      %get3A_393 = arith.constant 768 : index
      %get3A_394 = tpu.vector_load %arg10[%get3A_392, %get3A_393] {strides = array<i32>} : memref<5x1024xi32, #tpu.memory_space<vmem>>, vector<16xi32>,
      %get3A_395 = arith.index_cast %while3A_84 : i32 to index
      %get3A_396 = arith.constant 768 : index
      %get3A_397 = tpu.vector_load %arg11[%get3A_395, %get3A_396] {strides = array<i32>} : memref<5x1024xf32, #tpu.memory_space<vmem>>, vector<16xf32>,
      tpu.vector_store_idx %arg13[%get3A_394], %get3A_397 {add = true} : memref<10240xf32, #tpu.memory_space<vmem>>[vector<16xi32>], vector<16xf32>,
      tpu.vector_store_idx %arg14[%get3A_394], %broadcast_in_dim3A_61 {add = true} : memref<10240xf32, #tpu.memory_space<vmem>>[vector<16xi32>], vector<16xf32>,
      %get3A_398 = arith.index_cast %while3A_84 : i32 to index
      %get3A_399 = arith.constant 784 : index
      %get3A_400 = tpu.vector_load %arg10[%get3A_398, %get3A_399] {strides = array<i32>} : memref<5x1024xi32, #tpu.memory_space<vmem>>, vector<16xi32>,
      %get3A_401 = arith.index_cast %while3A_84 : i32 to index
      %get3A_402 = arith.constant 784 : index
      %get3A_403 = tpu.vector_load %arg11[%get3A_401, %get3A_402] {strides = array<i32>} : memref<5x1024xf32, #tpu.memory_space<vmem>>, vector<16xf32>,
      tpu.vector_store_idx %arg13[%get3A_400], %get3A_403 {add = true} : memref<10240xf32, #tpu.memory_space<vmem>>[vector<16xi32>], vector<16xf32>,
      tpu.vector_store_idx %arg14[%get3A_400], %broadcast_in_dim3A_61 {add = true} : memref<10240xf32, #tpu.memory_space<vmem>>[vector<16xi32>], vector<16xf32>,
      %get3A_404 = arith.index_cast %while3A_84 : i32 to index
      %get3A_405 = arith.constant 800 : index
      %get3A_406 = tpu.vector_load %arg10[%get3A_404, %get3A_405] {strides = array<i32>} : memref<5x1024xi32, #tpu.memory_space<vmem>>, vector<16xi32>,
      %get3A_407 = arith.index_cast %while3A_84 : i32 to index
      %get3A_408 = arith.constant 800 : index
      %get3A_409 = tpu.vector_load %arg11[%get3A_407, %get3A_408] {strides = array<i32>} : memref<5x1024xf32, #tpu.memory_space<vmem>>, vector<16xf32>,
      tpu.vector_store_idx %arg13[%get3A_406], %get3A_409 {add = true} : memref<10240xf32, #tpu.memory_space<vmem>>[vector<16xi32>], vector<16xf32>,
      tpu.vector_store_idx %arg14[%get3A_406], %broadcast_in_dim3A_61 {add = true} : memref<10240xf32, #tpu.memory_space<vmem>>[vector<16xi32>], vector<16xf32>,
      %get3A_410 = arith.index_cast %while3A_84 : i32 to index
      %get3A_411 = arith.constant 816 : index
      %get3A_412 = tpu.vector_load %arg10[%get3A_410, %get3A_411] {strides = array<i32>} : memref<5x1024xi32, #tpu.memory_space<vmem>>, vector<16xi32>,
      %get3A_413 = arith.index_cast %while3A_84 : i32 to index
      %get3A_414 = arith.constant 816 : index
      %get3A_415 = tpu.vector_load %arg11[%get3A_413, %get3A_414] {strides = array<i32>} : memref<5x1024xf32, #tpu.memory_space<vmem>>, vector<16xf32>,
      tpu.vector_store_idx %arg13[%get3A_412], %get3A_415 {add = true} : memref<10240xf32, #tpu.memory_space<vmem>>[vector<16xi32>], vector<16xf32>,
      tpu.vector_store_idx %arg14[%get3A_412], %broadcast_in_dim3A_61 {add = true} : memref<10240xf32, #tpu.memory_space<vmem>>[vector<16xi32>], vector<16xf32>,
      %get3A_416 = arith.index_cast %while3A_84 : i32 to index
      %get3A_417 = arith.constant 832 : index
      %get3A_418 = tpu.vector_load %arg10[%get3A_416, %get3A_417] {strides = array<i32>} : memref<5x1024xi32, #tpu.memory_space<vmem>>, vector<16xi32>,
      %get3A_419 = arith.index_cast %while3A_84 : i32 to index
      %get3A_420 = arith.constant 832 : index
      %get3A_421 = tpu.vector_load %arg11[%get3A_419, %get3A_420] {strides = array<i32>} : memref<5x1024xf32, #tpu.memory_space<vmem>>, vector<16xf32>,
      tpu.vector_store_idx %arg13[%get3A_418], %get3A_421 {add = true} : memref<10240xf32, #tpu.memory_space<vmem>>[vector<16xi32>], vector<16xf32>,
      tpu.vector_store_idx %arg14[%get3A_418], %broadcast_in_dim3A_61 {add = true} : memref<10240xf32, #tpu.memory_space<vmem>>[vector<16xi32>], vector<16xf32>,
      %get3A_422 = arith.index_cast %while3A_84 : i32 to index
      %get3A_423 = arith.constant 848 : index
      %get3A_424 = tpu.vector_load %arg10[%get3A_422, %get3A_423] {strides = array<i32>} : memref<5x1024xi32, #tpu.memory_space<vmem>>, vector<16xi32>,
      %get3A_425 = arith.index_cast %while3A_84 : i32 to index
      %get3A_426 = arith.constant 848 : index
      %get3A_427 = tpu.vector_load %arg11[%get3A_425, %get3A_426] {strides = array<i32>} : memref<5x1024xf32, #tpu.memory_space<vmem>>, vector<16xf32>,
      tpu.vector_store_idx %arg13[%get3A_424], %get3A_427 {add = true} : memref<10240xf32, #tpu.memory_space<vmem>>[vector<16xi32>], vector<16xf32>,
      tpu.vector_store_idx %arg14[%get3A_424], %broadcast_in_dim3A_61 {add = true} : memref<10240xf32, #tpu.memory_space<vmem>>[vector<16xi32>], vector<16xf32>,
      %get3A_428 = arith.index_cast %while3A_84 : i32 to index
      %get3A_429 = arith.constant 864 : index
      %get3A_430 = tpu.vector_load %arg10[%get3A_428, %get3A_429] {strides = array<i32>} : memref<5x1024xi32, #tpu.memory_space<vmem>>, vector<16xi32>,
      %get3A_431 = arith.index_cast %while3A_84 : i32 to index
      %get3A_432 = arith.constant 864 : index
      %get3A_433 = tpu.vector_load %arg11[%get3A_431, %get3A_432] {strides = array<i32>} : memref<5x1024xf32, #tpu.memory_space<vmem>>, vector<16xf32>,
      tpu.vector_store_idx %arg13[%get3A_430], %get3A_433 {add = true} : memref<10240xf32, #tpu.memory_space<vmem>>[vector<16xi32>], vector<16xf32>,
      tpu.vector_store_idx %arg14[%get3A_430], %broadcast_in_dim3A_61 {add = true} : memref<10240xf32, #tpu.memory_space<vmem>>[vector<16xi32>], vector<16xf32>,
      %get3A_434 = arith.index_cast %while3A_84 : i32 to index
      %get3A_435 = arith.constant 880 : index
      %get3A_436 = tpu.vector_load %arg10[%get3A_434, %get3A_435] {strides = array<i32>} : memref<5x1024xi32, #tpu.memory_space<vmem>>, vector<16xi32>,
      %get3A_437 = arith.index_cast %while3A_84 : i32 to index
      %get3A_438 = arith.constant 880 : index
      %get3A_439 = tpu.vector_load %arg11[%get3A_437, %get3A_438] {strides = array<i32>} : memref<5x1024xf32, #tpu.memory_space<vmem>>, vector<16xf32>,
      tpu.vector_store_idx %arg13[%get3A_436], %get3A_439 {add = true} : memref<10240xf32, #tpu.memory_space<vmem>>[vector<16xi32>], vector<16xf32>,
      tpu.vector_store_idx %arg14[%get3A_436], %broadcast_in_dim3A_61 {add = true} : memref<10240xf32, #tpu.memory_space<vmem>>[vector<16xi32>], vector<16xf32>,
      %get3A_440 = arith.index_cast %while3A_84 : i32 to index
      %get3A_441 = arith.constant 896 : index
      %get3A_442 = tpu.vector_load %arg10[%get3A_440, %get3A_441] {strides = array<i32>} : memref<5x1024xi32, #tpu.memory_space<vmem>>, vector<16xi32>,
      %get3A_443 = arith.index_cast %while3A_84 : i32 to index
      %get3A_444 = arith.constant 896 : index
      %get3A_445 = tpu.vector_load %arg11[%get3A_443, %get3A_444] {strides = array<i32>} : memref<5x1024xf32, #tpu.memory_space<vmem>>, vector<16xf32>,
      tpu.vector_store_idx %arg13[%get3A_442], %get3A_445 {add = true} : memref<10240xf32, #tpu.memory_space<vmem>>[vector<16xi32>], vector<16xf32>,
      tpu.vector_store_idx %arg14[%get3A_442], %broadcast_in_dim3A_61 {add = true} : memref<10240xf32, #tpu.memory_space<vmem>>[vector<16xi32>], vector<16xf32>,
      %get3A_446 = arith.index_cast %while3A_84 : i32 to index
      %get3A_447 = arith.constant 912 : index
      %get3A_448 = tpu.vector_load %arg10[%get3A_446, %get3A_447] {strides = array<i32>} : memref<5x1024xi32, #tpu.memory_space<vmem>>, vector<16xi32>,
      %get3A_449 = arith.index_cast %while3A_84 : i32 to index
      %get3A_450 = arith.constant 912 : index
      %get3A_451 = tpu.vector_load %arg11[%get3A_449, %get3A_450] {strides = array<i32>} : memref<5x1024xf32, #tpu.memory_space<vmem>>, vector<16xf32>,
      tpu.vector_store_idx %arg13[%get3A_448], %get3A_451 {add = true} : memref<10240xf32, #tpu.memory_space<vmem>>[vector<16xi32>], vector<16xf32>,
      tpu.vector_store_idx %arg14[%get3A_448], %broadcast_in_dim3A_61 {add = true} : memref<10240xf32, #tpu.memory_space<vmem>>[vector<16xi32>], vector<16xf32>,
      %get3A_452 = arith.index_cast %while3A_84 : i32 to index
      %get3A_453 = arith.constant 928 : index
      %get3A_454 = tpu.vector_load %arg10[%get3A_452, %get3A_453] {strides = array<i32>} : memref<5x1024xi32, #tpu.memory_space<vmem>>, vector<16xi32>,
      %get3A_455 = arith.index_cast %while3A_84 : i32 to index
      %get3A_456 = arith.constant 928 : index
      %get3A_457 = tpu.vector_load %arg11[%get3A_455, %get3A_456] {strides = array<i32>} : memref<5x1024xf32, #tpu.memory_space<vmem>>, vector<16xf32>,
      tpu.vector_store_idx %arg13[%get3A_454], %get3A_457 {add = true} : memref<10240xf32, #tpu.memory_space<vmem>>[vector<16xi32>], vector<16xf32>,
      tpu.vector_store_idx %arg14[%get3A_454], %broadcast_in_dim3A_61 {add = true} : memref<10240xf32, #tpu.memory_space<vmem>>[vector<16xi32>], vector<16xf32>,
      %get3A_458 = arith.index_cast %while3A_84 : i32 to index
      %get3A_459 = arith.constant 944 : index
      %get3A_460 = tpu.vector_load %arg10[%get3A_458, %get3A_459] {strides = array<i32>} : memref<5x1024xi32, #tpu.memory_space<vmem>>, vector<16xi32>,
      %get3A_461 = arith.index_cast %while3A_84 : i32 to index
      %get3A_462 = arith.constant 944 : index
      %get3A_463 = tpu.vector_load %arg11[%get3A_461, %get3A_462] {strides = array<i32>} : memref<5x1024xf32, #tpu.memory_space<vmem>>, vector<16xf32>,
      tpu.vector_store_idx %arg13[%get3A_460], %get3A_463 {add = true} : memref<10240xf32, #tpu.memory_space<vmem>>[vector<16xi32>], vector<16xf32>,
      tpu.vector_store_idx %arg14[%get3A_460], %broadcast_in_dim3A_61 {add = true} : memref<10240xf32, #tpu.memory_space<vmem>>[vector<16xi32>], vector<16xf32>,
      %get3A_464 = arith.index_cast %while3A_84 : i32 to index
      %get3A_465 = arith.constant 960 : index
      %get3A_466 = tpu.vector_load %arg10[%get3A_464, %get3A_465] {strides = array<i32>} : memref<5x1024xi32, #tpu.memory_space<vmem>>, vector<16xi32>,
      %get3A_467 = arith.index_cast %while3A_84 : i32 to index
      %get3A_468 = arith.constant 960 : index
      %get3A_469 = tpu.vector_load %arg11[%get3A_467, %get3A_468] {strides = array<i32>} : memref<5x1024xf32, #tpu.memory_space<vmem>>, vector<16xf32>,
      tpu.vector_store_idx %arg13[%get3A_466], %get3A_469 {add = true} : memref<10240xf32, #tpu.memory_space<vmem>>[vector<16xi32>], vector<16xf32>,
      tpu.vector_store_idx %arg14[%get3A_466], %broadcast_in_dim3A_61 {add = true} : memref<10240xf32, #tpu.memory_space<vmem>>[vector<16xi32>], vector<16xf32>,
      %get3A_470 = arith.index_cast %while3A_84 : i32 to index
      %get3A_471 = arith.constant 976 : index
      %get3A_472 = tpu.vector_load %arg10[%get3A_470, %get3A_471] {strides = array<i32>} : memref<5x1024xi32, #tpu.memory_space<vmem>>, vector<16xi32>,
      %get3A_473 = arith.index_cast %while3A_84 : i32 to index
      %get3A_474 = arith.constant 976 : index
      %get3A_475 = tpu.vector_load %arg11[%get3A_473, %get3A_474] {strides = array<i32>} : memref<5x1024xf32, #tpu.memory_space<vmem>>, vector<16xf32>,
      tpu.vector_store_idx %arg13[%get3A_472], %get3A_475 {add = true} : memref<10240xf32, #tpu.memory_space<vmem>>[vector<16xi32>], vector<16xf32>,
      tpu.vector_store_idx %arg14[%get3A_472], %broadcast_in_dim3A_61 {add = true} : memref<10240xf32, #tpu.memory_space<vmem>>[vector<16xi32>], vector<16xf32>,
      %get3A_476 = arith.index_cast %while3A_84 : i32 to index
      %get3A_477 = arith.constant 992 : index
      %get3A_478 = tpu.vector_load %arg10[%get3A_476, %get3A_477] {strides = array<i32>} : memref<5x1024xi32, #tpu.memory_space<vmem>>, vector<16xi32>,
      %get3A_479 = arith.index_cast %while3A_84 : i32 to index
      %get3A_480 = arith.constant 992 : index
      %get3A_481 = tpu.vector_load %arg11[%get3A_479, %get3A_480] {strides = array<i32>} : memref<5x1024xf32, #tpu.memory_space<vmem>>, vector<16xf32>,
      tpu.vector_store_idx %arg13[%get3A_478], %get3A_481 {add = true} : memref<10240xf32, #tpu.memory_space<vmem>>[vector<16xi32>], vector<16xf32>,
      tpu.vector_store_idx %arg14[%get3A_478], %broadcast_in_dim3A_61 {add = true} : memref<10240xf32, #tpu.memory_space<vmem>>[vector<16xi32>], vector<16xf32>,
      %get3A_482 = arith.index_cast %while3A_84 : i32 to index
      %get3A_483 = arith.constant 1008 : index
      %get3A_484 = tpu.vector_load %arg10[%get3A_482, %get3A_483] {strides = array<i32>} : memref<5x1024xi32, #tpu.memory_space<vmem>>, vector<16xi32>,
      %get3A_485 = arith.index_cast %while3A_84 : i32 to index
      %get3A_486 = arith.constant 1008 : index
      %get3A_487 = tpu.vector_load %arg11[%get3A_485, %get3A_486] {strides = array<i32>} : memref<5x1024xf32, #tpu.memory_space<vmem>>, vector<16xf32>,
      tpu.vector_store_idx %arg13[%get3A_484], %get3A_487 {add = true} : memref<10240xf32, #tpu.memory_space<vmem>>[vector<16xi32>], vector<16xf32>,
      tpu.vector_store_idx %arg14[%get3A_484], %broadcast_in_dim3A_61 {add = true} : memref<10240xf32, #tpu.memory_space<vmem>>[vector<16xi32>], vector<16xf32>,
      %dma_wait3A_488 = arith.constant 0 : i32
      %dma_wait3A_489 = arith.constant 0 : i32
      %dma_wait3A_490 = tpu.memref_slice %arg12[%rem3A_85, %dma_wait3A_488, %dma_wait3A_489] : memref<2x1024x32xbf16, #tpu.memory_space<vmem>> -> memref<1x1024x32xbf16, #tpu.memory_space<vmem>>
      %dma_wait3A_491 = tpu.memref_squeeze %dma_wait3A_490 : memref<1x1024x32xbf16, #tpu.memory_space<vmem>> -> memref<1024x32xbf16, #tpu.memory_space<vmem>>
      %dma_wait3A_492 = arith.constant 0 : i32
      %dma_wait3A_493 = tpu.memref_slice %arg10[%while3A_84, %dma_wait3A_492] : memref<5x1024xi32, #tpu.memory_space<vmem>> -> memref<1x1024xi32, #tpu.memory_space<vmem>>
      %dma_wait3A_494 = tpu.memref_squeeze %dma_wait3A_493 : memref<1x1024xi32, #tpu.memory_space<vmem>> -> memref<1024xi32, #tpu.memory_space<vmem>>
      %dma_wait3A_495 = arith.constant 0 : i32
      %dma_wait3A_496 = arith.constant 0 : i32
      %dma_wait3A_497 = tpu.memref_slice %arg17[%dma_wait3A_495, %dma_wait3A_496] : memref<10240x32xbf16, #tpu.memory_space<vmem_shared>> -> memref<10240x32xbf16, #tpu.memory_space<vmem_shared>>
      tpu.wait_indirect_dma semaphore(%arg20 : memref<!tpu.dma_semaphore, #tpu.memory_space<semaphore_mem>>) src(%dma_wait3A_491 : memref<1024x32xbf16, #tpu.memory_space<vmem>>) dst(%dma_wait3A_497 : memref<10240x32xbf16, #tpu.memory_space<vmem_shared>>)
      %add3A_498 = arith.constant 2 : i32
      %add3A_499 = arith.addi %while3A_84, %add3A_498 : i32
      %lt3A_500 = arith.cmpi slt, %add3A_499, %select_n3A : i32
      %convert_element_type3A_501 = arith.extui %lt3A_500 : i1 to i32
      %cond3A_502 = arith.constant 0 : i32
      %cond3A_503 = arith.cmpi ne, %convert_element_type3A_501, %cond3A_502 : i32
      scf.if %cond3A_503 {
        %add3A_504 = arith.constant 2 : i32
        %add3A_505 = arith.addi %while3A_84, %add3A_504 : i32
        %add3A_506 = arith.constant 2 : i32
        %add3A_507 = arith.addi %while3A_84, %add3A_506 : i32
        %rem3A_508 = arith.constant 2 : i32
        %rem3A_509 = arith.remsi %add3A_507, %rem3A_508 : i32
        %dma_start3A_510 = arith.constant 0 : i32
        %dma_start3A_511 = arith.constant 0 : i32
        %dma_start3A_512 = tpu.memref_slice %arg12[%rem3A_509, %dma_start3A_510, %dma_start3A_511] : memref<2x1024x32xbf16, #tpu.memory_space<vmem>> -> memref<1x1024x32xbf16, #tpu.memory_space<vmem>>
        %dma_start3A_513 = tpu.memref_squeeze %dma_start3A_512 : memref<1x1024x32xbf16, #tpu.memory_space<vmem>> -> memref<1024x32xbf16, #tpu.memory_space<vmem>>
        %dma_start3A_514 = arith.constant 0 : i32
        %dma_start3A_515 = tpu.memref_slice %arg9[%add3A_505, %dma_start3A_514] : memref<5x1024xi32, #tpu.memory_space<vmem>> -> memref<1x1024xi32, #tpu.memory_space<vmem>>
        %dma_start3A_516 = tpu.memref_squeeze %dma_start3A_515 : memref<1x1024xi32, #tpu.memory_space<vmem>> -> memref<1024xi32, #tpu.memory_space<vmem>>
        %dma_start3A_517 = arith.constant 0 : i32
        %dma_start3A_518 = arith.constant 0 : i32
        %dma_start3A_519 = tpu.memref_slice %arg2[%dma_start3A_517, %dma_start3A_518] : memref<10240x32xbf16, #tpu.memory_space<hbm>> -> memref<10240x32xbf16, #tpu.memory_space<hbm>>
        tpu.enqueue_indirect_dma source(%dma_start3A_519 : memref<10240x32xbf16, #tpu.memory_space<hbm>>) target(%dma_start3A_513 : memref<1024x32xbf16, #tpu.memory_space<vmem>>) offsets(%dma_start3A_516 : memref<1024xi32, #tpu.memory_space<vmem>>) semaphore(%arg19 : memref<!tpu.dma_semaphore, #tpu.memory_space<semaphore_mem>>)
      } else {
      }
    }
    %while3A_71 = arith.constant 1 : i32
    scf.for %while3A_84 = %while3A_69 to %while3A_65 step %while3A_71  : i32 {
      %rem3A = arith.constant 2 : i32
      %rem3A_85 = arith.remsi %while3A_84, %rem3A : i32
      %dma_wait3A = arith.constant 0 : i32
      %dma_wait3A_86 = arith.constant 0 : i32
      %dma_wait3A_87 = tpu.memref_slice %arg12[%rem3A_85, %dma_wait3A, %dma_wait3A_86] : memref<2x1024x32xbf16, #tpu.memory_space<vmem>> -> memref<1x1024x32xbf16, #tpu.memory_space<vmem>>
      %dma_wait3A_88 = tpu.memref_squeeze %dma_wait3A_87 : memref<1x1024x32xbf16, #tpu.memory_space<vmem>> -> memref<1024x32xbf16, #tpu.memory_space<vmem>>
      %dma_wait3A_89 = arith.constant 0 : i32
      %dma_wait3A_90 = tpu.memref_slice %arg9[%while3A_84, %dma_wait3A_89] : memref<5x1024xi32, #tpu.memory_space<vmem>> -> memref<1x1024xi32, #tpu.memory_space<vmem>>
      %dma_wait3A_91 = tpu.memref_squeeze %dma_wait3A_90 : memref<1x1024xi32, #tpu.memory_space<vmem>> -> memref<1024xi32, #tpu.memory_space<vmem>>
      %dma_wait3A_92 = arith.constant 0 : i32
      %dma_wait3A_93 = arith.constant 0 : i32
      %dma_wait3A_94 = tpu.memref_slice %arg2[%dma_wait3A_92, %dma_wait3A_93] : memref<10240x32xbf16, #tpu.memory_space<hbm>> -> memref<10240x32xbf16, #tpu.memory_space<hbm>>
      tpu.wait_indirect_dma semaphore(%arg19 : memref<!tpu.dma_semaphore, #tpu.memory_space<semaphore_mem>>) src(%dma_wait3A_94 : memref<10240x32xbf16, #tpu.memory_space<hbm>>) dst(%dma_wait3A_88 : memref<1024x32xbf16, #tpu.memory_space<vmem>>)
      %dma_start3A_95 = arith.constant 0 : i32
      %dma_start3A_96 = arith.constant 0 : i32
      %dma_start3A_97 = tpu.memref_slice %arg12[%rem3A_85, %dma_start3A_95, %dma_start3A_96] : memref<2x1024x32xbf16, #tpu.memory_space<vmem>> -> memref<1x1024x32xbf16, #tpu.memory_space<vmem>>
      %dma_start3A_98 = tpu.memref_squeeze %dma_start3A_97 : memref<1x1024x32xbf16, #tpu.memory_space<vmem>> -> memref<1024x32xbf16, #tpu.memory_space<vmem>>
      %dma_start3A_99 = arith.constant 0 : i32
      %dma_start3A_100 = tpu.memref_slice %arg10[%while3A_84, %dma_start3A_99] : memref<5x1024xi32, #tpu.memory_space<vmem>> -> memref<1x1024xi32, #tpu.memory_space<vmem>>
      %dma_start3A_101 = tpu.memref_squeeze %dma_start3A_100 : memref<1x1024xi32, #tpu.memory_space<vmem>> -> memref<1024xi32, #tpu.memory_space<vmem>>
      %dma_start3A_102 = arith.constant 0 : i32
      %dma_start3A_103 = arith.constant 0 : i32
      %dma_start3A_104 = tpu.memref_slice %arg17[%dma_start3A_102, %dma_start3A_103] : memref<10240x32xbf16, #tpu.memory_space<vmem_shared>> -> memref<10240x32xbf16, #tpu.memory_space<vmem_shared>>
      tpu.enqueue_indirect_dma source(%dma_start3A_98 : memref<1024x32xbf16, #tpu.memory_space<vmem>>) target(%dma_start3A_104 : memref<10240x32xbf16, #tpu.memory_space<vmem_shared>>) offsets(%dma_start3A_101 : memref<1024xi32, #tpu.memory_space<vmem>>) semaphore(%arg20 : memref<!tpu.dma_semaphore, #tpu.memory_space<semaphore_mem>>) {add = true}
      %get3A = arith.index_cast %while3A_84 : i32 to index
      %get3A_105 = arith.constant 0 : index
      %get3A_106 = tpu.vector_load %arg10[%get3A, %get3A_105] {strides = array<i32>} : memref<5x1024xi32, #tpu.memory_space<vmem>>, vector<16xi32>,
      %get3A_107 = arith.index_cast %while3A_84 : i32 to index
      %get3A_108 = arith.constant 0 : index
      %get3A_109 = tpu.vector_load %arg11[%get3A_107, %get3A_108] {strides = array<i32>} : memref<5x1024xf32, #tpu.memory_space<vmem>>, vector<16xf32>,
      tpu.vector_store_idx %arg13[%get3A_106], %get3A_109 {add = true} : memref<10240xf32, #tpu.memory_space<vmem>>[vector<16xi32>], vector<16xf32>,
      tpu.vector_store_idx %arg14[%get3A_106], %broadcast_in_dim3A_61 {add = true} : memref<10240xf32, #tpu.memory_space<vmem>>[vector<16xi32>], vector<16xf32>,
      %get3A_110 = arith.index_cast %while3A_84 : i32 to index
      %get3A_111 = arith.constant 16 : index
      %get3A_112 = tpu.vector_load %arg10[%get3A_110, %get3A_111] {strides = array<i32>} : memref<5x1024xi32, #tpu.memory_space<vmem>>, vector<16xi32>,
      %get3A_113 = arith.index_cast %while3A_84 : i32 to index
      %get3A_114 = arith.constant 16 : index
      %get3A_115 = tpu.vector_load %arg11[%get3A_113, %get3A_114] {strides = array<i32>} : memref<5x1024xf32, #tpu.memory_space<vmem>>, vector<16xf32>,
      tpu.vector_store_idx %arg13[%get3A_112], %get3A_115 {add = true} : memref<10240xf32, #tpu.memory_space<vmem>>[vector<16xi32>], vector<16xf32>,
      tpu.vector_store_idx %arg14[%get3A_112], %broadcast_in_dim3A_61 {add = true} : memref<10240xf32, #tpu.memory_space<vmem>>[vector<16xi32>], vector<16xf32>,
      %get3A_116 = arith.index_cast %while3A_84 : i32 to index
      %get3A_117 = arith.constant 32 : index
      %get3A_118 = tpu.vector_load %arg10[%get3A_116, %get3A_117] {strides = array<i32>} : memref<5x1024xi32, #tpu.memory_space<vmem>>, vector<16xi32>,
      %get3A_119 = arith.index_cast %while3A_84 : i32 to index
      %get3A_120 = arith.constant 32 : index
      %get3A_121 = tpu.vector_load %arg11[%get3A_119, %get3A_120] {strides = array<i32>} : memref<5x1024xf32, #tpu.memory_space<vmem>>, vector<16xf32>,
      tpu.vector_store_idx %arg13[%get3A_118], %get3A_121 {add = true} : memref<10240xf32, #tpu.memory_space<vmem>>[vector<16xi32>], vector<16xf32>,
      tpu.vector_store_idx %arg14[%get3A_118], %broadcast_in_dim3A_61 {add = true} : memref<10240xf32, #tpu.memory_space<vmem>>[vector<16xi32>], vector<16xf32>,
      %get3A_122 = arith.index_cast %while3A_84 : i32 to index
      %get3A_123 = arith.constant 48 : index
      %get3A_124 = tpu.vector_load %arg10[%get3A_122, %get3A_123] {strides = array<i32>} : memref<5x1024xi32, #tpu.memory_space<vmem>>, vector<16xi32>,
      %get3A_125 = arith.index_cast %while3A_84 : i32 to index
      %get3A_126 = arith.constant 48 : index
      %get3A_127 = tpu.vector_load %arg11[%get3A_125, %get3A_126] {strides = array<i32>} : memref<5x1024xf32, #tpu.memory_space<vmem>>, vector<16xf32>,
      tpu.vector_store_idx %arg13[%get3A_124], %get3A_127 {add = true} : memref<10240xf32, #tpu.memory_space<vmem>>[vector<16xi32>], vector<16xf32>,
      tpu.vector_store_idx %arg14[%get3A_124], %broadcast_in_dim3A_61 {add = true} : memref<10240xf32, #tpu.memory_space<vmem>>[vector<16xi32>], vector<16xf32>,
      %get3A_128 = arith.index_cast %while3A_84 : i32 to index
      %get3A_129 = arith.constant 64 : index
      %get3A_130 = tpu.vector_load %arg10[%get3A_128, %get3A_129] {strides = array<i32>} : memref<5x1024xi32, #tpu.memory_space<vmem>>, vector<16xi32>,
      %get3A_131 = arith.index_cast %while3A_84 : i32 to index
      %get3A_132 = arith.constant 64 : index
      %get3A_133 = tpu.vector_load %arg11[%get3A_131, %get3A_132] {strides = array<i32>} : memref<5x1024xf32, #tpu.memory_space<vmem>>, vector<16xf32>,
      tpu.vector_store_idx %arg13[%get3A_130], %get3A_133 {add = true} : memref<10240xf32, #tpu.memory_space<vmem>>[vector<16xi32>], vector<16xf32>,
      tpu.vector_store_idx %arg14[%get3A_130], %broadcast_in_dim3A_61 {add = true} : memref<10240xf32, #tpu.memory_space<vmem>>[vector<16xi32>], vector<16xf32>,
      %get3A_134 = arith.index_cast %while3A_84 : i32 to index
      %get3A_135 = arith.constant 80 : index
      %get3A_136 = tpu.vector_load %arg10[%get3A_134, %get3A_135] {strides = array<i32>} : memref<5x1024xi32, #tpu.memory_space<vmem>>, vector<16xi32>,
      %get3A_137 = arith.index_cast %while3A_84 : i32 to index
      %get3A_138 = arith.constant 80 : index
      %get3A_139 = tpu.vector_load %arg11[%get3A_137, %get3A_138] {strides = array<i32>} : memref<5x1024xf32, #tpu.memory_space<vmem>>, vector<16xf32>,
      tpu.vector_store_idx %arg13[%get3A_136], %get3A_139 {add = true} : memref<10240xf32, #tpu.memory_space<vmem>>[vector<16xi32>], vector<16xf32>,
      tpu.vector_store_idx %arg14[%get3A_136], %broadcast_in_dim3A_61 {add = true} : memref<10240xf32, #tpu.memory_space<vmem>>[vector<16xi32>], vector<16xf32>,
      %get3A_140 = arith.index_cast %while3A_84 : i32 to index
      %get3A_141 = arith.constant 96 : index
      %get3A_142 = tpu.vector_load %arg10[%get3A_140, %get3A_141] {strides = array<i32>} : memref<5x1024xi32, #tpu.memory_space<vmem>>, vector<16xi32>,
      %get3A_143 = arith.index_cast %while3A_84 : i32 to index
      %get3A_144 = arith.constant 96 : index
      %get3A_145 = tpu.vector_load %arg11[%get3A_143, %get3A_144] {strides = array<i32>} : memref<5x1024xf32, #tpu.memory_space<vmem>>, vector<16xf32>,
      tpu.vector_store_idx %arg13[%get3A_142], %get3A_145 {add = true} : memref<10240xf32, #tpu.memory_space<vmem>>[vector<16xi32>], vector<16xf32>,
      tpu.vector_store_idx %arg14[%get3A_142], %broadcast_in_dim3A_61 {add = true} : memref<10240xf32, #tpu.memory_space<vmem>>[vector<16xi32>], vector<16xf32>,
      %get3A_146 = arith.index_cast %while3A_84 : i32 to index
      %get3A_147 = arith.constant 112 : index
      %get3A_148 = tpu.vector_load %arg10[%get3A_146, %get3A_147] {strides = array<i32>} : memref<5x1024xi32, #tpu.memory_space<vmem>>, vector<16xi32>,
      %get3A_149 = arith.index_cast %while3A_84 : i32 to index
      %get3A_150 = arith.constant 112 : index
      %get3A_151 = tpu.vector_load %arg11[%get3A_149, %get3A_150] {strides = array<i32>} : memref<5x1024xf32, #tpu.memory_space<vmem>>, vector<16xf32>,
      tpu.vector_store_idx %arg13[%get3A_148], %get3A_151 {add = true} : memref<10240xf32, #tpu.memory_space<vmem>>[vector<16xi32>], vector<16xf32>,
      tpu.vector_store_idx %arg14[%get3A_148], %broadcast_in_dim3A_61 {add = true} : memref<10240xf32, #tpu.memory_space<vmem>>[vector<16xi32>], vector<16xf32>,
      %get3A_152 = arith.index_cast %while3A_84 : i32 to index
      %get3A_153 = arith.constant 128 : index
      %get3A_154 = tpu.vector_load %arg10[%get3A_152, %get3A_153] {strides = array<i32>} : memref<5x1024xi32, #tpu.memory_space<vmem>>, vector<16xi32>,
      %get3A_155 = arith.index_cast %while3A_84 : i32 to index
      %get3A_156 = arith.constant 128 : index
      %get3A_157 = tpu.vector_load %arg11[%get3A_155, %get3A_156] {strides = array<i32>} : memref<5x1024xf32, #tpu.memory_space<vmem>>, vector<16xf32>,
      tpu.vector_store_idx %arg13[%get3A_154], %get3A_157 {add = true} : memref<10240xf32, #tpu.memory_space<vmem>>[vector<16xi32>], vector<16xf32>,
      tpu.vector_store_idx %arg14[%get3A_154], %broadcast_in_dim3A_61 {add = true} : memref<10240xf32, #tpu.memory_space<vmem>>[vector<16xi32>], vector<16xf32>,
      %get3A_158 = arith.index_cast %while3A_84 : i32 to index
      %get3A_159 = arith.constant 144 : index
      %get3A_160 = tpu.vector_load %arg10[%get3A_158, %get3A_159] {strides = array<i32>} : memref<5x1024xi32, #tpu.memory_space<vmem>>, vector<16xi32>,
      %get3A_161 = arith.index_cast %while3A_84 : i32 to index
      %get3A_162 = arith.constant 144 : index
      %get3A_163 = tpu.vector_load %arg11[%get3A_161, %get3A_162] {strides = array<i32>} : memref<5x1024xf32, #tpu.memory_space<vmem>>, vector<16xf32>,
      tpu.vector_store_idx %arg13[%get3A_160], %get3A_163 {add = true} : memref<10240xf32, #tpu.memory_space<vmem>>[vector<16xi32>], vector<16xf32>,
      tpu.vector_store_idx %arg14[%get3A_160], %broadcast_in_dim3A_61 {add = true} : memref<10240xf32, #tpu.memory_space<vmem>>[vector<16xi32>], vector<16xf32>,
      %get3A_164 = arith.index_cast %while3A_84 : i32 to index
      %get3A_165 = arith.constant 160 : index
      %get3A_166 = tpu.vector_load %arg10[%get3A_164, %get3A_165] {strides = array<i32>} : memref<5x1024xi32, #tpu.memory_space<vmem>>, vector<16xi32>,
      %get3A_167 = arith.index_cast %while3A_84 : i32 to index
      %get3A_168 = arith.constant 160 : index
      %get3A_169 = tpu.vector_load %arg11[%get3A_167, %get3A_168] {strides = array<i32>} : memref<5x1024xf32, #tpu.memory_space<vmem>>, vector<16xf32>,
      tpu.vector_store_idx %arg13[%get3A_166], %get3A_169 {add = true} : memref<10240xf32, #tpu.memory_space<vmem>>[vector<16xi32>], vector<16xf32>,
      tpu.vector_store_idx %arg14[%get3A_166], %broadcast_in_dim3A_61 {add = true} : memref<10240xf32, #tpu.memory_space<vmem>>[vector<16xi32>], vector<16xf32>,
      %get3A_170 = arith.index_cast %while3A_84 : i32 to index
      %get3A_171 = arith.constant 176 : index
      %get3A_172 = tpu.vector_load %arg10[%get3A_170, %get3A_171] {strides = array<i32>} : memref<5x1024xi32, #tpu.memory_space<vmem>>, vector<16xi32>,
      %get3A_173 = arith.index_cast %while3A_84 : i32 to index
      %get3A_174 = arith.constant 176 : index
      %get3A_175 = tpu.vector_load %arg11[%get3A_173, %get3A_174] {strides = array<i32>} : memref<5x1024xf32, #tpu.memory_space<vmem>>, vector<16xf32>,
      tpu.vector_store_idx %arg13[%get3A_172], %get3A_175 {add = true} : memref<10240xf32, #tpu.memory_space<vmem>>[vector<16xi32>], vector<16xf32>,
      tpu.vector_store_idx %arg14[%get3A_172], %broadcast_in_dim3A_61 {add = true} : memref<10240xf32, #tpu.memory_space<vmem>>[vector<16xi32>], vector<16xf32>,
      %get3A_176 = arith.index_cast %while3A_84 : i32 to index
      %get3A_177 = arith.constant 192 : index
      %get3A_178 = tpu.vector_load %arg10[%get3A_176, %get3A_177] {strides = array<i32>} : memref<5x1024xi32, #tpu.memory_space<vmem>>, vector<16xi32>,
      %get3A_179 = arith.index_cast %while3A_84 : i32 to index
      %get3A_180 = arith.constant 192 : index
      %get3A_181 = tpu.vector_load %arg11[%get3A_179, %get3A_180] {strides = array<i32>} : memref<5x1024xf32, #tpu.memory_space<vmem>>, vector<16xf32>,
      tpu.vector_store_idx %arg13[%get3A_178], %get3A_181 {add = true} : memref<10240xf32, #tpu.memory_space<vmem>>[vector<16xi32>], vector<16xf32>,
      tpu.vector_store_idx %arg14[%get3A_178], %broadcast_in_dim3A_61 {add = true} : memref<10240xf32, #tpu.memory_space<vmem>>[vector<16xi32>], vector<16xf32>,
      %get3A_182 = arith.index_cast %while3A_84 : i32 to index
      %get3A_183 = arith.constant 208 : index
      %get3A_184 = tpu.vector_load %arg10[%get3A_182, %get3A_183] {strides = array<i32>} : memref<5x1024xi32, #tpu.memory_space<vmem>>, vector<16xi32>,
      %get3A_185 = arith.index_cast %while3A_84 : i32 to index
      %get3A_186 = arith.constant 208 : index
      %get3A_187 = tpu.vector_load %arg11[%get3A_185, %get3A_186] {strides = array<i32>} : memref<5x1024xf32, #tpu.memory_space<vmem>>, vector<16xf32>,
      tpu.vector_store_idx %arg13[%get3A_184], %get3A_187 {add = true} : memref<10240xf32, #tpu.memory_space<vmem>>[vector<16xi32>], vector<16xf32>,
      tpu.vector_store_idx %arg14[%get3A_184], %broadcast_in_dim3A_61 {add = true} : memref<10240xf32, #tpu.memory_space<vmem>>[vector<16xi32>], vector<16xf32>,
      %get3A_188 = arith.index_cast %while3A_84 : i32 to index
      %get3A_189 = arith.constant 224 : index
      %get3A_190 = tpu.vector_load %arg10[%get3A_188, %get3A_189] {strides = array<i32>} : memref<5x1024xi32, #tpu.memory_space<vmem>>, vector<16xi32>,
      %get3A_191 = arith.index_cast %while3A_84 : i32 to index
      %get3A_192 = arith.constant 224 : index
      %get3A_193 = tpu.vector_load %arg11[%get3A_191, %get3A_192] {strides = array<i32>} : memref<5x1024xf32, #tpu.memory_space<vmem>>, vector<16xf32>,
      tpu.vector_store_idx %arg13[%get3A_190], %get3A_193 {add = true} : memref<10240xf32, #tpu.memory_space<vmem>>[vector<16xi32>], vector<16xf32>,
      tpu.vector_store_idx %arg14[%get3A_190], %broadcast_in_dim3A_61 {add = true} : memref<10240xf32, #tpu.memory_space<vmem>>[vector<16xi32>], vector<16xf32>,
      %get3A_194 = arith.index_cast %while3A_84 : i32 to index
      %get3A_195 = arith.constant 240 : index
      %get3A_196 = tpu.vector_load %arg10[%get3A_194, %get3A_195] {strides = array<i32>} : memref<5x1024xi32, #tpu.memory_space<vmem>>, vector<16xi32>,
      %get3A_197 = arith.index_cast %while3A_84 : i32 to index
      %get3A_198 = arith.constant 240 : index
      %get3A_199 = tpu.vector_load %arg11[%get3A_197, %get3A_198] {strides = array<i32>} : memref<5x1024xf32, #tpu.memory_space<vmem>>, vector<16xf32>,
      tpu.vector_store_idx %arg13[%get3A_196], %get3A_199 {add = true} : memref<10240xf32, #tpu.memory_space<vmem>>[vector<16xi32>], vector<16xf32>,
      tpu.vector_store_idx %arg14[%get3A_196], %broadcast_in_dim3A_61 {add = true} : memref<10240xf32, #tpu.memory_space<vmem>>[vector<16xi32>], vector<16xf32>,
      %get3A_200 = arith.index_cast %while3A_84 : i32 to index
      %get3A_201 = arith.constant 256 : index
      %get3A_202 = tpu.vector_load %arg10[%get3A_200, %get3A_201] {strides = array<i32>} : memref<5x1024xi32, #tpu.memory_space<vmem>>, vector<16xi32>,
      %get3A_203 = arith.index_cast %while3A_84 : i32 to index
      %get3A_204 = arith.constant 256 : index
      %get3A_205 = tpu.vector_load %arg11[%get3A_203, %get3A_204] {strides = array<i32>} : memref<5x1024xf32, #tpu.memory_space<vmem>>, vector<16xf32>,
      tpu.vector_store_idx %arg13[%get3A_202], %get3A_205 {add = true} : memref<10240xf32, #tpu.memory_space<vmem>>[vector<16xi32>], vector<16xf32>,
      tpu.vector_store_idx %arg14[%get3A_202], %broadcast_in_dim3A_61 {add = true} : memref<10240xf32, #tpu.memory_space<vmem>>[vector<16xi32>], vector<16xf32>,
      %get3A_206 = arith.index_cast %while3A_84 : i32 to index
      %get3A_207 = arith.constant 272 : index
      %get3A_208 = tpu.vector_load %arg10[%get3A_206, %get3A_207] {strides = array<i32>} : memref<5x1024xi32, #tpu.memory_space<vmem>>, vector<16xi32>,
      %get3A_209 = arith.index_cast %while3A_84 : i32 to index
      %get3A_210 = arith.constant 272 : index
      %get3A_211 = tpu.vector_load %arg11[%get3A_209, %get3A_210] {strides = array<i32>} : memref<5x1024xf32, #tpu.memory_space<vmem>>, vector<16xf32>,
      tpu.vector_store_idx %arg13[%get3A_208], %get3A_211 {add = true} : memref<10240xf32, #tpu.memory_space<vmem>>[vector<16xi32>], vector<16xf32>,
      tpu.vector_store_idx %arg14[%get3A_208], %broadcast_in_dim3A_61 {add = true} : memref<10240xf32, #tpu.memory_space<vmem>>[vector<16xi32>], vector<16xf32>,
      %get3A_212 = arith.index_cast %while3A_84 : i32 to index
      %get3A_213 = arith.constant 288 : index
      %get3A_214 = tpu.vector_load %arg10[%get3A_212, %get3A_213] {strides = array<i32>} : memref<5x1024xi32, #tpu.memory_space<vmem>>, vector<16xi32>,
      %get3A_215 = arith.index_cast %while3A_84 : i32 to index
      %get3A_216 = arith.constant 288 : index
      %get3A_217 = tpu.vector_load %arg11[%get3A_215, %get3A_216] {strides = array<i32>} : memref<5x1024xf32, #tpu.memory_space<vmem>>, vector<16xf32>,
      tpu.vector_store_idx %arg13[%get3A_214], %get3A_217 {add = true} : memref<10240xf32, #tpu.memory_space<vmem>>[vector<16xi32>], vector<16xf32>,
      tpu.vector_store_idx %arg14[%get3A_214], %broadcast_in_dim3A_61 {add = true} : memref<10240xf32, #tpu.memory_space<vmem>>[vector<16xi32>], vector<16xf32>,
      %get3A_218 = arith.index_cast %while3A_84 : i32 to index
      %get3A_219 = arith.constant 304 : index
      %get3A_220 = tpu.vector_load %arg10[%get3A_218, %get3A_219] {strides = array<i32>} : memref<5x1024xi32, #tpu.memory_space<vmem>>, vector<16xi32>,
      %get3A_221 = arith.index_cast %while3A_84 : i32 to index
      %get3A_222 = arith.constant 304 : index
      %get3A_223 = tpu.vector_load %arg11[%get3A_221, %get3A_222] {strides = array<i32>} : memref<5x1024xf32, #tpu.memory_space<vmem>>, vector<16xf32>,
      tpu.vector_store_idx %arg13[%get3A_220], %get3A_223 {add = true} : memref<10240xf32, #tpu.memory_space<vmem>>[vector<16xi32>], vector<16xf32>,
      tpu.vector_store_idx %arg14[%get3A_220], %broadcast_in_dim3A_61 {add = true} : memref<10240xf32, #tpu.memory_space<vmem>>[vector<16xi32>], vector<16xf32>,
      %get3A_224 = arith.index_cast %while3A_84 : i32 to index
      %get3A_225 = arith.constant 320 : index
      %get3A_226 = tpu.vector_load %arg10[%get3A_224, %get3A_225] {strides = array<i32>} : memref<5x1024xi32, #tpu.memory_space<vmem>>, vector<16xi32>,
      %get3A_227 = arith.index_cast %while3A_84 : i32 to index
      %get3A_228 = arith.constant 320 : index
      %get3A_229 = tpu.vector_load %arg11[%get3A_227, %get3A_228] {strides = array<i32>} : memref<5x1024xf32, #tpu.memory_space<vmem>>, vector<16xf32>,
      tpu.vector_store_idx %arg13[%get3A_226], %get3A_229 {add = true} : memref<10240xf32, #tpu.memory_space<vmem>>[vector<16xi32>], vector<16xf32>,
      tpu.vector_store_idx %arg14[%get3A_226], %broadcast_in_dim3A_61 {add = true} : memref<10240xf32, #tpu.memory_space<vmem>>[vector<16xi32>], vector<16xf32>,
      %get3A_230 = arith.index_cast %while3A_84 : i32 to index
      %get3A_231 = arith.constant 336 : index
      %get3A_232 = tpu.vector_load %arg10[%get3A_230, %get3A_231] {strides = array<i32>} : memref<5x1024xi32, #tpu.memory_space<vmem>>, vector<16xi32>,
      %get3A_233 = arith.index_cast %while3A_84 : i32 to index
      %get3A_234 = arith.constant 336 : index
      %get3A_235 = tpu.vector_load %arg11[%get3A_233, %get3A_234] {strides = array<i32>} : memref<5x1024xf32, #tpu.memory_space<vmem>>, vector<16xf32>,
      tpu.vector_store_idx %arg13[%get3A_232], %get3A_235 {add = true} : memref<10240xf32, #tpu.memory_space<vmem>>[vector<16xi32>], vector<16xf32>,
      tpu.vector_store_idx %arg14[%get3A_232], %broadcast_in_dim3A_61 {add = true} : memref<10240xf32, #tpu.memory_space<vmem>>[vector<16xi32>], vector<16xf32>,
      %get3A_236 = arith.index_cast %while3A_84 : i32 to index
      %get3A_237 = arith.constant 352 : index
      %get3A_238 = tpu.vector_load %arg10[%get3A_236, %get3A_237] {strides = array<i32>} : memref<5x1024xi32, #tpu.memory_space<vmem>>, vector<16xi32>,
      %get3A_239 = arith.index_cast %while3A_84 : i32 to index
      %get3A_240 = arith.constant 352 : index
      %get3A_241 = tpu.vector_load %arg11[%get3A_239, %get3A_240] {strides = array<i32>} : memref<5x1024xf32, #tpu.memory_space<vmem>>, vector<16xf32>,
      tpu.vector_store_idx %arg13[%get3A_238], %get3A_241 {add = true} : memref<10240xf32, #tpu.memory_space<vmem>>[vector<16xi32>], vector<16xf32>,
      tpu.vector_store_idx %arg14[%get3A_238], %broadcast_in_dim3A_61 {add = true} : memref<10240xf32, #tpu.memory_space<vmem>>[vector<16xi32>], vector<16xf32>,
      %get3A_242 = arith.index_cast %while3A_84 : i32 to index
      %get3A_243 = arith.constant 368 : index
      %get3A_244 = tpu.vector_load %arg10[%get3A_242, %get3A_243] {strides = array<i32>} : memref<5x1024xi32, #tpu.memory_space<vmem>>, vector<16xi32>,
      %get3A_245 = arith.index_cast %while3A_84 : i32 to index
      %get3A_246 = arith.constant 368 : index
      %get3A_247 = tpu.vector_load %arg11[%get3A_245, %get3A_246] {strides = array<i32>} : memref<5x1024xf32, #tpu.memory_space<vmem>>, vector<16xf32>,
      tpu.vector_store_idx %arg13[%get3A_244], %get3A_247 {add = true} : memref<10240xf32, #tpu.memory_space<vmem>>[vector<16xi32>], vector<16xf32>,
      tpu.vector_store_idx %arg14[%get3A_244], %broadcast_in_dim3A_61 {add = true} : memref<10240xf32, #tpu.memory_space<vmem>>[vector<16xi32>], vector<16xf32>,
      %get3A_248 = arith.index_cast %while3A_84 : i32 to index
      %get3A_249 = arith.constant 384 : index
      %get3A_250 = tpu.vector_load %arg10[%get3A_248, %get3A_249] {strides = array<i32>} : memref<5x1024xi32, #tpu.memory_space<vmem>>, vector<16xi32>,
      %get3A_251 = arith.index_cast %while3A_84 : i32 to index
      %get3A_252 = arith.constant 384 : index
      %get3A_253 = tpu.vector_load %arg11[%get3A_251, %get3A_252] {strides = array<i32>} : memref<5x1024xf32, #tpu.memory_space<vmem>>, vector<16xf32>,
      tpu.vector_store_idx %arg13[%get3A_250], %get3A_253 {add = true} : memref<10240xf32, #tpu.memory_space<vmem>>[vector<16xi32>], vector<16xf32>,
      tpu.vector_store_idx %arg14[%get3A_250], %broadcast_in_dim3A_61 {add = true} : memref<10240xf32, #tpu.memory_space<vmem>>[vector<16xi32>], vector<16xf32>,
      %get3A_254 = arith.index_cast %while3A_84 : i32 to index
      %get3A_255 = arith.constant 400 : index
      %get3A_256 = tpu.vector_load %arg10[%get3A_254, %get3A_255] {strides = array<i32>} : memref<5x1024xi32, #tpu.memory_space<vmem>>, vector<16xi32>,
      %get3A_257 = arith.index_cast %while3A_84 : i32 to index
      %get3A_258 = arith.constant 400 : index
      %get3A_259 = tpu.vector_load %arg11[%get3A_257, %get3A_258] {strides = array<i32>} : memref<5x1024xf32, #tpu.memory_space<vmem>>, vector<16xf32>,
      tpu.vector_store_idx %arg13[%get3A_256], %get3A_259 {add = true} : memref<10240xf32, #tpu.memory_space<vmem>>[vector<16xi32>], vector<16xf32>,
      tpu.vector_store_idx %arg14[%get3A_256], %broadcast_in_dim3A_61 {add = true} : memref<10240xf32, #tpu.memory_space<vmem>>[vector<16xi32>], vector<16xf32>,
      %get3A_260 = arith.index_cast %while3A_84 : i32 to index
      %get3A_261 = arith.constant 416 : index
      %get3A_262 = tpu.vector_load %arg10[%get3A_260, %get3A_261] {strides = array<i32>} : memref<5x1024xi32, #tpu.memory_space<vmem>>, vector<16xi32>,
      %get3A_263 = arith.index_cast %while3A_84 : i32 to index
      %get3A_264 = arith.constant 416 : index
      %get3A_265 = tpu.vector_load %arg11[%get3A_263, %get3A_264] {strides = array<i32>} : memref<5x1024xf32, #tpu.memory_space<vmem>>, vector<16xf32>,
      tpu.vector_store_idx %arg13[%get3A_262], %get3A_265 {add = true} : memref<10240xf32, #tpu.memory_space<vmem>>[vector<16xi32>], vector<16xf32>,
      tpu.vector_store_idx %arg14[%get3A_262], %broadcast_in_dim3A_61 {add = true} : memref<10240xf32, #tpu.memory_space<vmem>>[vector<16xi32>], vector<16xf32>,
      %get3A_266 = arith.index_cast %while3A_84 : i32 to index
      %get3A_267 = arith.constant 432 : index
      %get3A_268 = tpu.vector_load %arg10[%get3A_266, %get3A_267] {strides = array<i32>} : memref<5x1024xi32, #tpu.memory_space<vmem>>, vector<16xi32>,
      %get3A_269 = arith.index_cast %while3A_84 : i32 to index
      %get3A_270 = arith.constant 432 : index
      %get3A_271 = tpu.vector_load %arg11[%get3A_269, %get3A_270] {strides = array<i32>} : memref<5x1024xf32, #tpu.memory_space<vmem>>, vector<16xf32>,
      tpu.vector_store_idx %arg13[%get3A_268], %get3A_271 {add = true} : memref<10240xf32, #tpu.memory_space<vmem>>[vector<16xi32>], vector<16xf32>,
      tpu.vector_store_idx %arg14[%get3A_268], %broadcast_in_dim3A_61 {add = true} : memref<10240xf32, #tpu.memory_space<vmem>>[vector<16xi32>], vector<16xf32>,
      %get3A_272 = arith.index_cast %while3A_84 : i32 to index
      %get3A_273 = arith.constant 448 : index
      %get3A_274 = tpu.vector_load %arg10[%get3A_272, %get3A_273] {strides = array<i32>} : memref<5x1024xi32, #tpu.memory_space<vmem>>, vector<16xi32>,
      %get3A_275 = arith.index_cast %while3A_84 : i32 to index
      %get3A_276 = arith.constant 448 : index
      %get3A_277 = tpu.vector_load %arg11[%get3A_275, %get3A_276] {strides = array<i32>} : memref<5x1024xf32, #tpu.memory_space<vmem>>, vector<16xf32>,
      tpu.vector_store_idx %arg13[%get3A_274], %get3A_277 {add = true} : memref<10240xf32, #tpu.memory_space<vmem>>[vector<16xi32>], vector<16xf32>,
      tpu.vector_store_idx %arg14[%get3A_274], %broadcast_in_dim3A_61 {add = true} : memref<10240xf32, #tpu.memory_space<vmem>>[vector<16xi32>], vector<16xf32>,
      %get3A_278 = arith.index_cast %while3A_84 : i32 to index
      %get3A_279 = arith.constant 464 : index
      %get3A_280 = tpu.vector_load %arg10[%get3A_278, %get3A_279] {strides = array<i32>} : memref<5x1024xi32, #tpu.memory_space<vmem>>, vector<16xi32>,
      %get3A_281 = arith.index_cast %while3A_84 : i32 to index
      %get3A_282 = arith.constant 464 : index
      %get3A_283 = tpu.vector_load %arg11[%get3A_281, %get3A_282] {strides = array<i32>} : memref<5x1024xf32, #tpu.memory_space<vmem>>, vector<16xf32>,
      tpu.vector_store_idx %arg13[%get3A_280], %get3A_283 {add = true} : memref<10240xf32, #tpu.memory_space<vmem>>[vector<16xi32>], vector<16xf32>,
      tpu.vector_store_idx %arg14[%get3A_280], %broadcast_in_dim3A_61 {add = true} : memref<10240xf32, #tpu.memory_space<vmem>>[vector<16xi32>], vector<16xf32>,
      %get3A_284 = arith.index_cast %while3A_84 : i32 to index
      %get3A_285 = arith.constant 480 : index
      %get3A_286 = tpu.vector_load %arg10[%get3A_284, %get3A_285] {strides = array<i32>} : memref<5x1024xi32, #tpu.memory_space<vmem>>, vector<16xi32>,
      %get3A_287 = arith.index_cast %while3A_84 : i32 to index
      %get3A_288 = arith.constant 480 : index
      %get3A_289 = tpu.vector_load %arg11[%get3A_287, %get3A_288] {strides = array<i32>} : memref<5x1024xf32, #tpu.memory_space<vmem>>, vector<16xf32>,
      tpu.vector_store_idx %arg13[%get3A_286], %get3A_289 {add = true} : memref<10240xf32, #tpu.memory_space<vmem>>[vector<16xi32>], vector<16xf32>,
      tpu.vector_store_idx %arg14[%get3A_286], %broadcast_in_dim3A_61 {add = true} : memref<10240xf32, #tpu.memory_space<vmem>>[vector<16xi32>], vector<16xf32>,
      %get3A_290 = arith.index_cast %while3A_84 : i32 to index
      %get3A_291 = arith.constant 496 : index
      %get3A_292 = tpu.vector_load %arg10[%get3A_290, %get3A_291] {strides = array<i32>} : memref<5x1024xi32, #tpu.memory_space<vmem>>, vector<16xi32>,
      %get3A_293 = arith.index_cast %while3A_84 : i32 to index
      %get3A_294 = arith.constant 496 : index
      %get3A_295 = tpu.vector_load %arg11[%get3A_293, %get3A_294] {strides = array<i32>} : memref<5x1024xf32, #tpu.memory_space<vmem>>, vector<16xf32>,
      tpu.vector_store_idx %arg13[%get3A_292], %get3A_295 {add = true} : memref<10240xf32, #tpu.memory_space<vmem>>[vector<16xi32>], vector<16xf32>,
      tpu.vector_store_idx %arg14[%get3A_292], %broadcast_in_dim3A_61 {add = true} : memref<10240xf32, #tpu.memory_space<vmem>>[vector<16xi32>], vector<16xf32>,
      %get3A_296 = arith.index_cast %while3A_84 : i32 to index
      %get3A_297 = arith.constant 512 : index
      %get3A_298 = tpu.vector_load %arg10[%get3A_296, %get3A_297] {strides = array<i32>} : memref<5x1024xi32, #tpu.memory_space<vmem>>, vector<16xi32>,
      %get3A_299 = arith.index_cast %while3A_84 : i32 to index
      %get3A_300 = arith.constant 512 : index
      %get3A_301 = tpu.vector_load %arg11[%get3A_299, %get3A_300] {strides = array<i32>} : memref<5x1024xf32, #tpu.memory_space<vmem>>, vector<16xf32>,
      tpu.vector_store_idx %arg13[%get3A_298], %get3A_301 {add = true} : memref<10240xf32, #tpu.memory_space<vmem>>[vector<16xi32>], vector<16xf32>,
      tpu.vector_store_idx %arg14[%get3A_298], %broadcast_in_dim3A_61 {add = true} : memref<10240xf32, #tpu.memory_space<vmem>>[vector<16xi32>], vector<16xf32>,
      %get3A_302 = arith.index_cast %while3A_84 : i32 to index
      %get3A_303 = arith.constant 528 : index
      %get3A_304 = tpu.vector_load %arg10[%get3A_302, %get3A_303] {strides = array<i32>} : memref<5x1024xi32, #tpu.memory_space<vmem>>, vector<16xi32>,
      %get3A_305 = arith.index_cast %while3A_84 : i32 to index
      %get3A_306 = arith.constant 528 : index
      %get3A_307 = tpu.vector_load %arg11[%get3A_305, %get3A_306] {strides = array<i32>} : memref<5x1024xf32, #tpu.memory_space<vmem>>, vector<16xf32>,
      tpu.vector_store_idx %arg13[%get3A_304], %get3A_307 {add = true} : memref<10240xf32, #tpu.memory_space<vmem>>[vector<16xi32>], vector<16xf32>,
      tpu.vector_store_idx %arg14[%get3A_304], %broadcast_in_dim3A_61 {add = true} : memref<10240xf32, #tpu.memory_space<vmem>>[vector<16xi32>], vector<16xf32>,
      %get3A_308 = arith.index_cast %while3A_84 : i32 to index
      %get3A_309 = arith.constant 544 : index
      %get3A_310 = tpu.vector_load %arg10[%get3A_308, %get3A_309] {strides = array<i32>} : memref<5x1024xi32, #tpu.memory_space<vmem>>, vector<16xi32>,
      %get3A_311 = arith.index_cast %while3A_84 : i32 to index
      %get3A_312 = arith.constant 544 : index
      %get3A_313 = tpu.vector_load %arg11[%get3A_311, %get3A_312] {strides = array<i32>} : memref<5x1024xf32, #tpu.memory_space<vmem>>, vector<16xf32>,
      tpu.vector_store_idx %arg13[%get3A_310], %get3A_313 {add = true} : memref<10240xf32, #tpu.memory_space<vmem>>[vector<16xi32>], vector<16xf32>,
      tpu.vector_store_idx %arg14[%get3A_310], %broadcast_in_dim3A_61 {add = true} : memref<10240xf32, #tpu.memory_space<vmem>>[vector<16xi32>], vector<16xf32>,
      %get3A_314 = arith.index_cast %while3A_84 : i32 to index
      %get3A_315 = arith.constant 560 : index
      %get3A_316 = tpu.vector_load %arg10[%get3A_314, %get3A_315] {strides = array<i32>} : memref<5x1024xi32, #tpu.memory_space<vmem>>, vector<16xi32>,
      %get3A_317 = arith.index_cast %while3A_84 : i32 to index
      %get3A_318 = arith.constant 560 : index
      %get3A_319 = tpu.vector_load %arg11[%get3A_317, %get3A_318] {strides = array<i32>} : memref<5x1024xf32, #tpu.memory_space<vmem>>, vector<16xf32>,
      tpu.vector_store_idx %arg13[%get3A_316], %get3A_319 {add = true} : memref<10240xf32, #tpu.memory_space<vmem>>[vector<16xi32>], vector<16xf32>,
      tpu.vector_store_idx %arg14[%get3A_316], %broadcast_in_dim3A_61 {add = true} : memref<10240xf32, #tpu.memory_space<vmem>>[vector<16xi32>], vector<16xf32>,
      %get3A_320 = arith.index_cast %while3A_84 : i32 to index
      %get3A_321 = arith.constant 576 : index
      %get3A_322 = tpu.vector_load %arg10[%get3A_320, %get3A_321] {strides = array<i32>} : memref<5x1024xi32, #tpu.memory_space<vmem>>, vector<16xi32>,
      %get3A_323 = arith.index_cast %while3A_84 : i32 to index
      %get3A_324 = arith.constant 576 : index
      %get3A_325 = tpu.vector_load %arg11[%get3A_323, %get3A_324] {strides = array<i32>} : memref<5x1024xf32, #tpu.memory_space<vmem>>, vector<16xf32>,
      tpu.vector_store_idx %arg13[%get3A_322], %get3A_325 {add = true} : memref<10240xf32, #tpu.memory_space<vmem>>[vector<16xi32>], vector<16xf32>,
      tpu.vector_store_idx %arg14[%get3A_322], %broadcast_in_dim3A_61 {add = true} : memref<10240xf32, #tpu.memory_space<vmem>>[vector<16xi32>], vector<16xf32>,
      %get3A_326 = arith.index_cast %while3A_84 : i32 to index
      %get3A_327 = arith.constant 592 : index
      %get3A_328 = tpu.vector_load %arg10[%get3A_326, %get3A_327] {strides = array<i32>} : memref<5x1024xi32, #tpu.memory_space<vmem>>, vector<16xi32>,
      %get3A_329 = arith.index_cast %while3A_84 : i32 to index
      %get3A_330 = arith.constant 592 : index
      %get3A_331 = tpu.vector_load %arg11[%get3A_329, %get3A_330] {strides = array<i32>} : memref<5x1024xf32, #tpu.memory_space<vmem>>, vector<16xf32>,
      tpu.vector_store_idx %arg13[%get3A_328], %get3A_331 {add = true} : memref<10240xf32, #tpu.memory_space<vmem>>[vector<16xi32>], vector<16xf32>,
      tpu.vector_store_idx %arg14[%get3A_328], %broadcast_in_dim3A_61 {add = true} : memref<10240xf32, #tpu.memory_space<vmem>>[vector<16xi32>], vector<16xf32>,
      %get3A_332 = arith.index_cast %while3A_84 : i32 to index
      %get3A_333 = arith.constant 608 : index
      %get3A_334 = tpu.vector_load %arg10[%get3A_332, %get3A_333] {strides = array<i32>} : memref<5x1024xi32, #tpu.memory_space<vmem>>, vector<16xi32>,
      %get3A_335 = arith.index_cast %while3A_84 : i32 to index
      %get3A_336 = arith.constant 608 : index
      %get3A_337 = tpu.vector_load %arg11[%get3A_335, %get3A_336] {strides = array<i32>} : memref<5x1024xf32, #tpu.memory_space<vmem>>, vector<16xf32>,
      tpu.vector_store_idx %arg13[%get3A_334], %get3A_337 {add = true} : memref<10240xf32, #tpu.memory_space<vmem>>[vector<16xi32>], vector<16xf32>,
      tpu.vector_store_idx %arg14[%get3A_334], %broadcast_in_dim3A_61 {add = true} : memref<10240xf32, #tpu.memory_space<vmem>>[vector<16xi32>], vector<16xf32>,
      %get3A_338 = arith.index_cast %while3A_84 : i32 to index
      %get3A_339 = arith.constant 624 : index
      %get3A_340 = tpu.vector_load %arg10[%get3A_338, %get3A_339] {strides = array<i32>} : memref<5x1024xi32, #tpu.memory_space<vmem>>, vector<16xi32>,
      %get3A_341 = arith.index_cast %while3A_84 : i32 to index
      %get3A_342 = arith.constant 624 : index
      %get3A_343 = tpu.vector_load %arg11[%get3A_341, %get3A_342] {strides = array<i32>} : memref<5x1024xf32, #tpu.memory_space<vmem>>, vector<16xf32>,
      tpu.vector_store_idx %arg13[%get3A_340], %get3A_343 {add = true} : memref<10240xf32, #tpu.memory_space<vmem>>[vector<16xi32>], vector<16xf32>,
      tpu.vector_store_idx %arg14[%get3A_340], %broadcast_in_dim3A_61 {add = true} : memref<10240xf32, #tpu.memory_space<vmem>>[vector<16xi32>], vector<16xf32>,
      %get3A_344 = arith.index_cast %while3A_84 : i32 to index
      %get3A_345 = arith.constant 640 : index
      %get3A_346 = tpu.vector_load %arg10[%get3A_344, %get3A_345] {strides = array<i32>} : memref<5x1024xi32, #tpu.memory_space<vmem>>, vector<16xi32>,
      %get3A_347 = arith.index_cast %while3A_84 : i32 to index
      %get3A_348 = arith.constant 640 : index
      %get3A_349 = tpu.vector_load %arg11[%get3A_347, %get3A_348] {strides = array<i32>} : memref<5x1024xf32, #tpu.memory_space<vmem>>, vector<16xf32>,
      tpu.vector_store_idx %arg13[%get3A_346], %get3A_349 {add = true} : memref<10240xf32, #tpu.memory_space<vmem>>[vector<16xi32>], vector<16xf32>,
      tpu.vector_store_idx %arg14[%get3A_346], %broadcast_in_dim3A_61 {add = true} : memref<10240xf32, #tpu.memory_space<vmem>>[vector<16xi32>], vector<16xf32>,
      %get3A_350 = arith.index_cast %while3A_84 : i32 to index
      %get3A_351 = arith.constant 656 : index
      %get3A_352 = tpu.vector_load %arg10[%get3A_350, %get3A_351] {strides = array<i32>} : memref<5x1024xi32, #tpu.memory_space<vmem>>, vector<16xi32>,
      %get3A_353 = arith.index_cast %while3A_84 : i32 to index
      %get3A_354 = arith.constant 656 : index
      %get3A_355 = tpu.vector_load %arg11[%get3A_353, %get3A_354] {strides = array<i32>} : memref<5x1024xf32, #tpu.memory_space<vmem>>, vector<16xf32>,
      tpu.vector_store_idx %arg13[%get3A_352], %get3A_355 {add = true} : memref<10240xf32, #tpu.memory_space<vmem>>[vector<16xi32>], vector<16xf32>,
      tpu.vector_store_idx %arg14[%get3A_352], %broadcast_in_dim3A_61 {add = true} : memref<10240xf32, #tpu.memory_space<vmem>>[vector<16xi32>], vector<16xf32>,
      %get3A_356 = arith.index_cast %while3A_84 : i32 to index
      %get3A_357 = arith.constant 672 : index
      %get3A_358 = tpu.vector_load %arg10[%get3A_356, %get3A_357] {strides = array<i32>} : memref<5x1024xi32, #tpu.memory_space<vmem>>, vector<16xi32>,
      %get3A_359 = arith.index_cast %while3A_84 : i32 to index
      %get3A_360 = arith.constant 672 : index
      %get3A_361 = tpu.vector_load %arg11[%get3A_359, %get3A_360] {strides = array<i32>} : memref<5x1024xf32, #tpu.memory_space<vmem>>, vector<16xf32>,
      tpu.vector_store_idx %arg13[%get3A_358], %get3A_361 {add = true} : memref<10240xf32, #tpu.memory_space<vmem>>[vector<16xi32>], vector<16xf32>,
      tpu.vector_store_idx %arg14[%get3A_358], %broadcast_in_dim3A_61 {add = true} : memref<10240xf32, #tpu.memory_space<vmem>>[vector<16xi32>], vector<16xf32>,
      %get3A_362 = arith.index_cast %while3A_84 : i32 to index
      %get3A_363 = arith.constant 688 : index
      %get3A_364 = tpu.vector_load %arg10[%get3A_362, %get3A_363] {strides = array<i32>} : memref<5x1024xi32, #tpu.memory_space<vmem>>, vector<16xi32>,
      %get3A_365 = arith.index_cast %while3A_84 : i32 to index
      %get3A_366 = arith.constant 688 : index
      %get3A_367 = tpu.vector_load %arg11[%get3A_365, %get3A_366] {strides = array<i32>} : memref<5x1024xf32, #tpu.memory_space<vmem>>, vector<16xf32>,
      tpu.vector_store_idx %arg13[%get3A_364], %get3A_367 {add = true} : memref<10240xf32, #tpu.memory_space<vmem>>[vector<16xi32>], vector<16xf32>,
      tpu.vector_store_idx %arg14[%get3A_364], %broadcast_in_dim3A_61 {add = true} : memref<10240xf32, #tpu.memory_space<vmem>>[vector<16xi32>], vector<16xf32>,
      %get3A_368 = arith.index_cast %while3A_84 : i32 to index
      %get3A_369 = arith.constant 704 : index
      %get3A_370 = tpu.vector_load %arg10[%get3A_368, %get3A_369] {strides = array<i32>} : memref<5x1024xi32, #tpu.memory_space<vmem>>, vector<16xi32>,
      %get3A_371 = arith.index_cast %while3A_84 : i32 to index
      %get3A_372 = arith.constant 704 : index
      %get3A_373 = tpu.vector_load %arg11[%get3A_371, %get3A_372] {strides = array<i32>} : memref<5x1024xf32, #tpu.memory_space<vmem>>, vector<16xf32>,
      tpu.vector_store_idx %arg13[%get3A_370], %get3A_373 {add = true} : memref<10240xf32, #tpu.memory_space<vmem>>[vector<16xi32>], vector<16xf32>,
      tpu.vector_store_idx %arg14[%get3A_370], %broadcast_in_dim3A_61 {add = true} : memref<10240xf32, #tpu.memory_space<vmem>>[vector<16xi32>], vector<16xf32>,
      %get3A_374 = arith.index_cast %while3A_84 : i32 to index
      %get3A_375 = arith.constant 720 : index
      %get3A_376 = tpu.vector_load %arg10[%get3A_374, %get3A_375] {strides = array<i32>} : memref<5x1024xi32, #tpu.memory_space<vmem>>, vector<16xi32>,
      %get3A_377 = arith.index_cast %while3A_84 : i32 to index
      %get3A_378 = arith.constant 720 : index
      %get3A_379 = tpu.vector_load %arg11[%get3A_377, %get3A_378] {strides = array<i32>} : memref<5x1024xf32, #tpu.memory_space<vmem>>, vector<16xf32>,
      tpu.vector_store_idx %arg13[%get3A_376], %get3A_379 {add = true} : memref<10240xf32, #tpu.memory_space<vmem>>[vector<16xi32>], vector<16xf32>,
      tpu.vector_store_idx %arg14[%get3A_376], %broadcast_in_dim3A_61 {add = true} : memref<10240xf32, #tpu.memory_space<vmem>>[vector<16xi32>], vector<16xf32>,
      %get3A_380 = arith.index_cast %while3A_84 : i32 to index
      %get3A_381 = arith.constant 736 : index
      %get3A_382 = tpu.vector_load %arg10[%get3A_380, %get3A_381] {strides = array<i32>} : memref<5x1024xi32, #tpu.memory_space<vmem>>, vector<16xi32>,
      %get3A_383 = arith.index_cast %while3A_84 : i32 to index
      %get3A_384 = arith.constant 736 : index
      %get3A_385 = tpu.vector_load %arg11[%get3A_383, %get3A_384] {strides = array<i32>} : memref<5x1024xf32, #tpu.memory_space<vmem>>, vector<16xf32>,
      tpu.vector_store_idx %arg13[%get3A_382], %get3A_385 {add = true} : memref<10240xf32, #tpu.memory_space<vmem>>[vector<16xi32>], vector<16xf32>,
      tpu.vector_store_idx %arg14[%get3A_382], %broadcast_in_dim3A_61 {add = true} : memref<10240xf32, #tpu.memory_space<vmem>>[vector<16xi32>], vector<16xf32>,
      %get3A_386 = arith.index_cast %while3A_84 : i32 to index
      %get3A_387 = arith.constant 752 : index
      %get3A_388 = tpu.vector_load %arg10[%get3A_386, %get3A_387] {strides = array<i32>} : memref<5x1024xi32, #tpu.memory_space<vmem>>, vector<16xi32>,
      %get3A_389 = arith.index_cast %while3A_84 : i32 to index
      %get3A_390 = arith.constant 752 : index
      %get3A_391 = tpu.vector_load %arg11[%get3A_389, %get3A_390] {strides = array<i32>} : memref<5x1024xf32, #tpu.memory_space<vmem>>, vector<16xf32>,
      tpu.vector_store_idx %arg13[%get3A_388], %get3A_391 {add = true} : memref<10240xf32, #tpu.memory_space<vmem>>[vector<16xi32>], vector<16xf32>,
      tpu.vector_store_idx %arg14[%get3A_388], %broadcast_in_dim3A_61 {add = true} : memref<10240xf32, #tpu.memory_space<vmem>>[vector<16xi32>], vector<16xf32>,
      %get3A_392 = arith.index_cast %while3A_84 : i32 to index
      %get3A_393 = arith.constant 768 : index
      %get3A_394 = tpu.vector_load %arg10[%get3A_392, %get3A_393] {strides = array<i32>} : memref<5x1024xi32, #tpu.memory_space<vmem>>, vector<16xi32>,
      %get3A_395 = arith.index_cast %while3A_84 : i32 to index
      %get3A_396 = arith.constant 768 : index
      %get3A_397 = tpu.vector_load %arg11[%get3A_395, %get3A_396] {strides = array<i32>} : memref<5x1024xf32, #tpu.memory_space<vmem>>, vector<16xf32>,
      tpu.vector_store_idx %arg13[%get3A_394], %get3A_397 {add = true} : memref<10240xf32, #tpu.memory_space<vmem>>[vector<16xi32>], vector<16xf32>,
      tpu.vector_store_idx %arg14[%get3A_394], %broadcast_in_dim3A_61 {add = true} : memref<10240xf32, #tpu.memory_space<vmem>>[vector<16xi32>], vector<16xf32>,
      %get3A_398 = arith.index_cast %while3A_84 : i32 to index
      %get3A_399 = arith.constant 784 : index
      %get3A_400 = tpu.vector_load %arg10[%get3A_398, %get3A_399] {strides = array<i32>} : memref<5x1024xi32, #tpu.memory_space<vmem>>, vector<16xi32>,
      %get3A_401 = arith.index_cast %while3A_84 : i32 to index
      %get3A_402 = arith.constant 784 : index
      %get3A_403 = tpu.vector_load %arg11[%get3A_401, %get3A_402] {strides = array<i32>} : memref<5x1024xf32, #tpu.memory_space<vmem>>, vector<16xf32>,
      tpu.vector_store_idx %arg13[%get3A_400], %get3A_403 {add = true} : memref<10240xf32, #tpu.memory_space<vmem>>[vector<16xi32>], vector<16xf32>,
      tpu.vector_store_idx %arg14[%get3A_400], %broadcast_in_dim3A_61 {add = true} : memref<10240xf32, #tpu.memory_space<vmem>>[vector<16xi32>], vector<16xf32>,
      %get3A_404 = arith.index_cast %while3A_84 : i32 to index
      %get3A_405 = arith.constant 800 : index
      %get3A_406 = tpu.vector_load %arg10[%get3A_404, %get3A_405] {strides = array<i32>} : memref<5x1024xi32, #tpu.memory_space<vmem>>, vector<16xi32>,
      %get3A_407 = arith.index_cast %while3A_84 : i32 to index
      %get3A_408 = arith.constant 800 : index
      %get3A_409 = tpu.vector_load %arg11[%get3A_407, %get3A_408] {strides = array<i32>} : memref<5x1024xf32, #tpu.memory_space<vmem>>, vector<16xf32>,
      tpu.vector_store_idx %arg13[%get3A_406], %get3A_409 {add = true} : memref<10240xf32, #tpu.memory_space<vmem>>[vector<16xi32>], vector<16xf32>,
      tpu.vector_store_idx %arg14[%get3A_406], %broadcast_in_dim3A_61 {add = true} : memref<10240xf32, #tpu.memory_space<vmem>>[vector<16xi32>], vector<16xf32>,
      %get3A_410 = arith.index_cast %while3A_84 : i32 to index
      %get3A_411 = arith.constant 816 : index
      %get3A_412 = tpu.vector_load %arg10[%get3A_410, %get3A_411] {strides = array<i32>} : memref<5x1024xi32, #tpu.memory_space<vmem>>, vector<16xi32>,
      %get3A_413 = arith.index_cast %while3A_84 : i32 to index
      %get3A_414 = arith.constant 816 : index
      %get3A_415 = tpu.vector_load %arg11[%get3A_413, %get3A_414] {strides = array<i32>} : memref<5x1024xf32, #tpu.memory_space<vmem>>, vector<16xf32>,
      tpu.vector_store_idx %arg13[%get3A_412], %get3A_415 {add = true} : memref<10240xf32, #tpu.memory_space<vmem>>[vector<16xi32>], vector<16xf32>,
      tpu.vector_store_idx %arg14[%get3A_412], %broadcast_in_dim3A_61 {add = true} : memref<10240xf32, #tpu.memory_space<vmem>>[vector<16xi32>], vector<16xf32>,
      %get3A_416 = arith.index_cast %while3A_84 : i32 to index
      %get3A_417 = arith.constant 832 : index
      %get3A_418 = tpu.vector_load %arg10[%get3A_416, %get3A_417] {strides = array<i32>} : memref<5x1024xi32, #tpu.memory_space<vmem>>, vector<16xi32>,
      %get3A_419 = arith.index_cast %while3A_84 : i32 to index
      %get3A_420 = arith.constant 832 : index
      %get3A_421 = tpu.vector_load %arg11[%get3A_419, %get3A_420] {strides = array<i32>} : memref<5x1024xf32, #tpu.memory_space<vmem>>, vector<16xf32>,
      tpu.vector_store_idx %arg13[%get3A_418], %get3A_421 {add = true} : memref<10240xf32, #tpu.memory_space<vmem>>[vector<16xi32>], vector<16xf32>,
      tpu.vector_store_idx %arg14[%get3A_418], %broadcast_in_dim3A_61 {add = true} : memref<10240xf32, #tpu.memory_space<vmem>>[vector<16xi32>], vector<16xf32>,
      %get3A_422 = arith.index_cast %while3A_84 : i32 to index
      %get3A_423 = arith.constant 848 : index
      %get3A_424 = tpu.vector_load %arg10[%get3A_422, %get3A_423] {strides = array<i32>} : memref<5x1024xi32, #tpu.memory_space<vmem>>, vector<16xi32>,
      %get3A_425 = arith.index_cast %while3A_84 : i32 to index
      %get3A_426 = arith.constant 848 : index
      %get3A_427 = tpu.vector_load %arg11[%get3A_425, %get3A_426] {strides = array<i32>} : memref<5x1024xf32, #tpu.memory_space<vmem>>, vector<16xf32>,
      tpu.vector_store_idx %arg13[%get3A_424], %get3A_427 {add = true} : memref<10240xf32, #tpu.memory_space<vmem>>[vector<16xi32>], vector<16xf32>,
      tpu.vector_store_idx %arg14[%get3A_424], %broadcast_in_dim3A_61 {add = true} : memref<10240xf32, #tpu.memory_space<vmem>>[vector<16xi32>], vector<16xf32>,
      %get3A_428 = arith.index_cast %while3A_84 : i32 to index
      %get3A_429 = arith.constant 864 : index
      %get3A_430 = tpu.vector_load %arg10[%get3A_428, %get3A_429] {strides = array<i32>} : memref<5x1024xi32, #tpu.memory_space<vmem>>, vector<16xi32>,
      %get3A_431 = arith.index_cast %while3A_84 : i32 to index
      %get3A_432 = arith.constant 864 : index
      %get3A_433 = tpu.vector_load %arg11[%get3A_431, %get3A_432] {strides = array<i32>} : memref<5x1024xf32, #tpu.memory_space<vmem>>, vector<16xf32>,
      tpu.vector_store_idx %arg13[%get3A_430], %get3A_433 {add = true} : memref<10240xf32, #tpu.memory_space<vmem>>[vector<16xi32>], vector<16xf32>,
      tpu.vector_store_idx %arg14[%get3A_430], %broadcast_in_dim3A_61 {add = true} : memref<10240xf32, #tpu.memory_space<vmem>>[vector<16xi32>], vector<16xf32>,
      %get3A_434 = arith.index_cast %while3A_84 : i32 to index
      %get3A_435 = arith.constant 880 : index
      %get3A_436 = tpu.vector_load %arg10[%get3A_434, %get3A_435] {strides = array<i32>} : memref<5x1024xi32, #tpu.memory_space<vmem>>, vector<16xi32>,
      %get3A_437 = arith.index_cast %while3A_84 : i32 to index
      %get3A_438 = arith.constant 880 : index
      %get3A_439 = tpu.vector_load %arg11[%get3A_437, %get3A_438] {strides = array<i32>} : memref<5x1024xf32, #tpu.memory_space<vmem>>, vector<16xf32>,
      tpu.vector_store_idx %arg13[%get3A_436], %get3A_439 {add = true} : memref<10240xf32, #tpu.memory_space<vmem>>[vector<16xi32>], vector<16xf32>,
      tpu.vector_store_idx %arg14[%get3A_436], %broadcast_in_dim3A_61 {add = true} : memref<10240xf32, #tpu.memory_space<vmem>>[vector<16xi32>], vector<16xf32>,
      %get3A_440 = arith.index_cast %while3A_84 : i32 to index
      %get3A_441 = arith.constant 896 : index
      %get3A_442 = tpu.vector_load %arg10[%get3A_440, %get3A_441] {strides = array<i32>} : memref<5x1024xi32, #tpu.memory_space<vmem>>, vector<16xi32>,
      %get3A_443 = arith.index_cast %while3A_84 : i32 to index
      %get3A_444 = arith.constant 896 : index
      %get3A_445 = tpu.vector_load %arg11[%get3A_443, %get3A_444] {strides = array<i32>} : memref<5x1024xf32, #tpu.memory_space<vmem>>, vector<16xf32>,
      tpu.vector_store_idx %arg13[%get3A_442], %get3A_445 {add = true} : memref<10240xf32, #tpu.memory_space<vmem>>[vector<16xi32>], vector<16xf32>,
      tpu.vector_store_idx %arg14[%get3A_442], %broadcast_in_dim3A_61 {add = true} : memref<10240xf32, #tpu.memory_space<vmem>>[vector<16xi32>], vector<16xf32>,
      %get3A_446 = arith.index_cast %while3A_84 : i32 to index
      %get3A_447 = arith.constant 912 : index
      %get3A_448 = tpu.vector_load %arg10[%get3A_446, %get3A_447] {strides = array<i32>} : memref<5x1024xi32, #tpu.memory_space<vmem>>, vector<16xi32>,
      %get3A_449 = arith.index_cast %while3A_84 : i32 to index
      %get3A_450 = arith.constant 912 : index
      %get3A_451 = tpu.vector_load %arg11[%get3A_449, %get3A_450] {strides = array<i32>} : memref<5x1024xf32, #tpu.memory_space<vmem>>, vector<16xf32>,
      tpu.vector_store_idx %arg13[%get3A_448], %get3A_451 {add = true} : memref<10240xf32, #tpu.memory_space<vmem>>[vector<16xi32>], vector<16xf32>,
      tpu.vector_store_idx %arg14[%get3A_448], %broadcast_in_dim3A_61 {add = true} : memref<10240xf32, #tpu.memory_space<vmem>>[vector<16xi32>], vector<16xf32>,
      %get3A_452 = arith.index_cast %while3A_84 : i32 to index
      %get3A_453 = arith.constant 928 : index
      %get3A_454 = tpu.vector_load %arg10[%get3A_452, %get3A_453] {strides = array<i32>} : memref<5x1024xi32, #tpu.memory_space<vmem>>, vector<16xi32>,
      %get3A_455 = arith.index_cast %while3A_84 : i32 to index
      %get3A_456 = arith.constant 928 : index
      %get3A_457 = tpu.vector_load %arg11[%get3A_455, %get3A_456] {strides = array<i32>} : memref<5x1024xf32, #tpu.memory_space<vmem>>, vector<16xf32>,
      tpu.vector_store_idx %arg13[%get3A_454], %get3A_457 {add = true} : memref<10240xf32, #tpu.memory_space<vmem>>[vector<16xi32>], vector<16xf32>,
      tpu.vector_store_idx %arg14[%get3A_454], %broadcast_in_dim3A_61 {add = true} : memref<10240xf32, #tpu.memory_space<vmem>>[vector<16xi32>], vector<16xf32>,
      %get3A_458 = arith.index_cast %while3A_84 : i32 to index
      %get3A_459 = arith.constant 944 : index
      %get3A_460 = tpu.vector_load %arg10[%get3A_458, %get3A_459] {strides = array<i32>} : memref<5x1024xi32, #tpu.memory_space<vmem>>, vector<16xi32>,
      %get3A_461 = arith.index_cast %while3A_84 : i32 to index
      %get3A_462 = arith.constant 944 : index
      %get3A_463 = tpu.vector_load %arg11[%get3A_461, %get3A_462] {strides = array<i32>} : memref<5x1024xf32, #tpu.memory_space<vmem>>, vector<16xf32>,
      tpu.vector_store_idx %arg13[%get3A_460], %get3A_463 {add = true} : memref<10240xf32, #tpu.memory_space<vmem>>[vector<16xi32>], vector<16xf32>,
      tpu.vector_store_idx %arg14[%get3A_460], %broadcast_in_dim3A_61 {add = true} : memref<10240xf32, #tpu.memory_space<vmem>>[vector<16xi32>], vector<16xf32>,
      %get3A_464 = arith.index_cast %while3A_84 : i32 to index
      %get3A_465 = arith.constant 960 : index
      %get3A_466 = tpu.vector_load %arg10[%get3A_464, %get3A_465] {strides = array<i32>} : memref<5x1024xi32, #tpu.memory_space<vmem>>, vector<16xi32>,
      %get3A_467 = arith.index_cast %while3A_84 : i32 to index
      %get3A_468 = arith.constant 960 : index
      %get3A_469 = tpu.vector_load %arg11[%get3A_467, %get3A_468] {strides = array<i32>} : memref<5x1024xf32, #tpu.memory_space<vmem>>, vector<16xf32>,
      tpu.vector_store_idx %arg13[%get3A_466], %get3A_469 {add = true} : memref<10240xf32, #tpu.memory_space<vmem>>[vector<16xi32>], vector<16xf32>,
      tpu.vector_store_idx %arg14[%get3A_466], %broadcast_in_dim3A_61 {add = true} : memref<10240xf32, #tpu.memory_space<vmem>>[vector<16xi32>], vector<16xf32>,
      %get3A_470 = arith.index_cast %while3A_84 : i32 to index
      %get3A_471 = arith.constant 976 : index
      %get3A_472 = tpu.vector_load %arg10[%get3A_470, %get3A_471] {strides = array<i32>} : memref<5x1024xi32, #tpu.memory_space<vmem>>, vector<16xi32>,
      %get3A_473 = arith.index_cast %while3A_84 : i32 to index
      %get3A_474 = arith.constant 976 : index
      %get3A_475 = tpu.vector_load %arg11[%get3A_473, %get3A_474] {strides = array<i32>} : memref<5x1024xf32, #tpu.memory_space<vmem>>, vector<16xf32>,
      tpu.vector_store_idx %arg13[%get3A_472], %get3A_475 {add = true} : memref<10240xf32, #tpu.memory_space<vmem>>[vector<16xi32>], vector<16xf32>,
      tpu.vector_store_idx %arg14[%get3A_472], %broadcast_in_dim3A_61 {add = true} : memref<10240xf32, #tpu.memory_space<vmem>>[vector<16xi32>], vector<16xf32>,
      %get3A_476 = arith.index_cast %while3A_84 : i32 to index
      %get3A_477 = arith.constant 992 : index
      %get3A_478 = tpu.vector_load %arg10[%get3A_476, %get3A_477] {strides = array<i32>} : memref<5x1024xi32, #tpu.memory_space<vmem>>, vector<16xi32>,
      %get3A_479 = arith.index_cast %while3A_84 : i32 to index
      %get3A_480 = arith.constant 992 : index
      %get3A_481 = tpu.vector_load %arg11[%get3A_479, %get3A_480] {strides = array<i32>} : memref<5x1024xf32, #tpu.memory_space<vmem>>, vector<16xf32>,
      tpu.vector_store_idx %arg13[%get3A_478], %get3A_481 {add = true} : memref<10240xf32, #tpu.memory_space<vmem>>[vector<16xi32>], vector<16xf32>,
      tpu.vector_store_idx %arg14[%get3A_478], %broadcast_in_dim3A_61 {add = true} : memref<10240xf32, #tpu.memory_space<vmem>>[vector<16xi32>], vector<16xf32>,
      %get3A_482 = arith.index_cast %while3A_84 : i32 to index
      %get3A_483 = arith.constant 1008 : index
      %get3A_484 = tpu.vector_load %arg10[%get3A_482, %get3A_483] {strides = array<i32>} : memref<5x1024xi32, #tpu.memory_space<vmem>>, vector<16xi32>,
      %get3A_485 = arith.index_cast %while3A_84 : i32 to index
      %get3A_486 = arith.constant 1008 : index
      %get3A_487 = tpu.vector_load %arg11[%get3A_485, %get3A_486] {strides = array<i32>} : memref<5x1024xf32, #tpu.memory_space<vmem>>, vector<16xf32>,
      tpu.vector_store_idx %arg13[%get3A_484], %get3A_487 {add = true} : memref<10240xf32, #tpu.memory_space<vmem>>[vector<16xi32>], vector<16xf32>,
      tpu.vector_store_idx %arg14[%get3A_484], %broadcast_in_dim3A_61 {add = true} : memref<10240xf32, #tpu.memory_space<vmem>>[vector<16xi32>], vector<16xf32>,
      %dma_wait3A_488 = arith.constant 0 : i32
      %dma_wait3A_489 = arith.constant 0 : i32
      %dma_wait3A_490 = tpu.memref_slice %arg12[%rem3A_85, %dma_wait3A_488, %dma_wait3A_489] : memref<2x1024x32xbf16, #tpu.memory_space<vmem>> -> memref<1x1024x32xbf16, #tpu.memory_space<vmem>>
      %dma_wait3A_491 = tpu.memref_squeeze %dma_wait3A_490 : memref<1x1024x32xbf16, #tpu.memory_space<vmem>> -> memref<1024x32xbf16, #tpu.memory_space<vmem>>
      %dma_wait3A_492 = arith.constant 0 : i32
      %dma_wait3A_493 = tpu.memref_slice %arg10[%while3A_84, %dma_wait3A_492] : memref<5x1024xi32, #tpu.memory_space<vmem>> -> memref<1x1024xi32, #tpu.memory_space<vmem>>
      %dma_wait3A_494 = tpu.memref_squeeze %dma_wait3A_493 : memref<1x1024xi32, #tpu.memory_space<vmem>> -> memref<1024xi32, #tpu.memory_space<vmem>>
      %dma_wait3A_495 = arith.constant 0 : i32
      %dma_wait3A_496 = arith.constant 0 : i32
      %dma_wait3A_497 = tpu.memref_slice %arg17[%dma_wait3A_495, %dma_wait3A_496] : memref<10240x32xbf16, #tpu.memory_space<vmem_shared>> -> memref<10240x32xbf16, #tpu.memory_space<vmem_shared>>
      tpu.wait_indirect_dma semaphore(%arg20 : memref<!tpu.dma_semaphore, #tpu.memory_space<semaphore_mem>>) src(%dma_wait3A_491 : memref<1024x32xbf16, #tpu.memory_space<vmem>>) dst(%dma_wait3A_497 : memref<10240x32xbf16, #tpu.memory_space<vmem_shared>>)
      %add3A_498 = arith.constant 2 : i32
      %add3A_499 = arith.addi %while3A_84, %add3A_498 : i32
      %lt3A_500 = arith.cmpi slt, %add3A_499, %select_n3A : i32
      %convert_element_type3A_501 = arith.extui %lt3A_500 : i1 to i32
      %cond3A_502 = arith.constant 0 : i32
      %cond3A_503 = arith.cmpi ne, %convert_element_type3A_501, %cond3A_502 : i32
      scf.if %cond3A_503 {
        %add3A_504 = arith.constant 2 : i32
        %add3A_505 = arith.addi %while3A_84, %add3A_504 : i32
        %add3A_506 = arith.constant 2 : i32
        %add3A_507 = arith.addi %while3A_84, %add3A_506 : i32
        %rem3A_508 = arith.constant 2 : i32
        %rem3A_509 = arith.remsi %add3A_507, %rem3A_508 : i32
        %dma_start3A_510 = arith.constant 0 : i32
        %dma_start3A_511 = arith.constant 0 : i32
        %dma_start3A_512 = tpu.memref_slice %arg12[%rem3A_509, %dma_start3A_510, %dma_start3A_511] : memref<2x1024x32xbf16, #tpu.memory_space<vmem>> -> memref<1x1024x32xbf16, #tpu.memory_space<vmem>>
        %dma_start3A_513 = tpu.memref_squeeze %dma_start3A_512 : memref<1x1024x32xbf16, #tpu.memory_space<vmem>> -> memref<1024x32xbf16, #tpu.memory_space<vmem>>
        %dma_start3A_514 = arith.constant 0 : i32
        %dma_start3A_515 = tpu.memref_slice %arg9[%add3A_505, %dma_start3A_514] : memref<5x1024xi32, #tpu.memory_space<vmem>> -> memref<1x1024xi32, #tpu.memory_space<vmem>>
        %dma_start3A_516 = tpu.memref_squeeze %dma_start3A_515 : memref<1x1024xi32, #tpu.memory_space<vmem>> -> memref<1024xi32, #tpu.memory_space<vmem>>
        %dma_start3A_517 = arith.constant 0 : i32
        %dma_start3A_518 = arith.constant 0 : i32
        %dma_start3A_519 = tpu.memref_slice %arg2[%dma_start3A_517, %dma_start3A_518] : memref<10240x32xbf16, #tpu.memory_space<hbm>> -> memref<10240x32xbf16, #tpu.memory_space<hbm>>
        tpu.enqueue_indirect_dma source(%dma_start3A_519 : memref<10240x32xbf16, #tpu.memory_space<hbm>>) target(%dma_start3A_513 : memref<1024x32xbf16, #tpu.memory_space<vmem>>) offsets(%dma_start3A_516 : memref<1024xi32, #tpu.memory_space<vmem>>) semaphore(%arg19 : memref<!tpu.dma_semaphore, #tpu.memory_space<semaphore_mem>>)
      } else {
      }
    }
    %eq3A_72 = arith.constant 15 : i32
    %eq3A_73 = arith.cmpi eq, %arg1, %eq3A_72 : i32
    %convert_element_type3A_74 = arith.extui %eq3A_73 : i1 to i32
    %cond3A_75 = arith.constant 0 : i32
    %cond3A_76 = arith.cmpi ne, %convert_element_type3A_74, %cond3A_75 : i32
    scf.if %cond3A_76 {
      %dma_start3A_84 = arith.constant 4 : i32
      %dma_start3A_85 = arith.constant 0 : i32
      %dma_start3A_86 = arith.constant 0 : i32
      %dma_start3A_87 = arith.constant 0 : i32
      %dma_start3A_88 = tpu.memref_slice %arg12[%dma_start3A_85, %dma_start3A_86, %dma_start3A_87] : memref<2x1024x32xbf16, #tpu.memory_space<vmem>> -> memref<1x128x32xbf16, #tpu.memory_space<vmem>>
      %dma_start3A_89 = tpu.memref_squeeze %dma_start3A_88 : memref<1x128x32xbf16, #tpu.memory_space<vmem>> -> memref<128x32xbf16, #tpu.memory_space<vmem>>
      %dma_start3A_90 = arith.constant 0 : i32
      %dma_start3A_91 = tpu.memref_slice %arg9[%dma_start3A_84, %dma_start3A_90] : memref<5x1024xi32, #tpu.memory_space<vmem>> -> memref<1x128xi32, #tpu.memory_space<vmem>>
      %dma_start3A_92 = tpu.memref_squeeze %dma_start3A_91 : memref<1x128xi32, #tpu.memory_space<vmem>> -> memref<128xi32, #tpu.memory_space<vmem>>
      %dma_start3A_93 = arith.constant 0 : i32
      %dma_start3A_94 = arith.constant 0 : i32
      %dma_start3A_95 = tpu.memref_slice %arg2[%dma_start3A_93, %dma_start3A_94] : memref<10240x32xbf16, #tpu.memory_space<hbm>> -> memref<10240x32xbf16, #tpu.memory_space<hbm>>
      tpu.enqueue_indirect_dma source(%dma_start3A_95 : memref<10240x32xbf16, #tpu.memory_space<hbm>>) target(%dma_start3A_89 : memref<128x32xbf16, #tpu.memory_space<vmem>>) offsets(%dma_start3A_92 : memref<128xi32, #tpu.memory_space<vmem>>) semaphore(%arg19 : memref<!tpu.dma_semaphore, #tpu.memory_space<semaphore_mem>>)
      %dma_wait3A = arith.constant 4 : i32
      %dma_wait3A_96 = arith.constant 0 : i32
      %dma_wait3A_97 = arith.constant 0 : i32
      %dma_wait3A_98 = arith.constant 0 : i32
      %dma_wait3A_99 = tpu.memref_slice %arg12[%dma_wait3A_96, %dma_wait3A_97, %dma_wait3A_98] : memref<2x1024x32xbf16, #tpu.memory_space<vmem>> -> memref<1x128x32xbf16, #tpu.memory_space<vmem>>
      %dma_wait3A_100 = tpu.memref_squeeze %dma_wait3A_99 : memref<1x128x32xbf16, #tpu.memory_space<vmem>> -> memref<128x32xbf16, #tpu.memory_space<vmem>>
      %dma_wait3A_101 = arith.constant 0 : i32
      %dma_wait3A_102 = tpu.memref_slice %arg9[%dma_wait3A, %dma_wait3A_101] : memref<5x1024xi32, #tpu.memory_space<vmem>> -> memref<1x128xi32, #tpu.memory_space<vmem>>
      %dma_wait3A_103 = tpu.memref_squeeze %dma_wait3A_102 : memref<1x128xi32, #tpu.memory_space<vmem>> -> memref<128xi32, #tpu.memory_space<vmem>>
      %dma_wait3A_104 = arith.constant 0 : i32
      %dma_wait3A_105 = arith.constant 0 : i32
      %dma_wait3A_106 = tpu.memref_slice %arg2[%dma_wait3A_104, %dma_wait3A_105] : memref<10240x32xbf16, #tpu.memory_space<hbm>> -> memref<10240x32xbf16, #tpu.memory_space<hbm>>
      tpu.wait_indirect_dma semaphore(%arg19 : memref<!tpu.dma_semaphore, #tpu.memory_space<semaphore_mem>>) src(%dma_wait3A_106 : memref<10240x32xbf16, #tpu.memory_space<hbm>>) dst(%dma_wait3A_100 : memref<128x32xbf16, #tpu.memory_space<vmem>>)
      %run_scoped3A_107 = arith.constant 0 : i32
      %run_scoped3A_108 = arith.constant 4 : i32
      "tpu.region"() ({
        %run_scoped3A_172 = tpu.sem_alloc : memref<!tpu.dma_semaphore, #tpu.memory_space<semaphore_mem>>
        %dma_start3A_173 = arith.constant 0 : i32
        %dma_start3A_174 = arith.constant 0 : i32
        %dma_start3A_175 = tpu.memref_slice %arg12[%run_scoped3A_107, %dma_start3A_173, %dma_start3A_174] : memref<2x1024x32xbf16, #tpu.memory_space<vmem>> -> memref<1x128x32xbf16, #tpu.memory_space<vmem>>
        %dma_start3A_176 = tpu.memref_squeeze %dma_start3A_175 : memref<1x128x32xbf16, #tpu.memory_space<vmem>> -> memref<128x32xbf16, #tpu.memory_space<vmem>>
        %dma_start3A_177 = arith.constant 0 : i32
        %dma_start3A_178 = tpu.memref_slice %arg10[%run_scoped3A_108, %dma_start3A_177] : memref<5x1024xi32, #tpu.memory_space<vmem>> -> memref<1x128xi32, #tpu.memory_space<vmem>>
        %dma_start3A_179 = tpu.memref_squeeze %dma_start3A_178 : memref<1x128xi32, #tpu.memory_space<vmem>> -> memref<128xi32, #tpu.memory_space<vmem>>
        %dma_start3A_180 = arith.constant 0 : i32
        %dma_start3A_181 = arith.constant 0 : i32
        %dma_start3A_182 = tpu.memref_slice %arg17[%dma_start3A_180, %dma_start3A_181] : memref<10240x32xbf16, #tpu.memory_space<vmem_shared>> -> memref<10240x32xbf16, #tpu.memory_space<vmem_shared>>
        tpu.enqueue_indirect_dma source(%dma_start3A_176 : memref<128x32xbf16, #tpu.memory_space<vmem>>) target(%dma_start3A_182 : memref<10240x32xbf16, #tpu.memory_space<vmem_shared>>) offsets(%dma_start3A_179 : memref<128xi32, #tpu.memory_space<vmem>>) semaphore(%run_scoped3A_172 : memref<!tpu.dma_semaphore, #tpu.memory_space<semaphore_mem>>) {add = true}
        %dma_wait3A_183 = arith.constant 0 : i32
        %dma_wait3A_184 = arith.constant 0 : i32
        %dma_wait3A_185 = tpu.memref_slice %arg12[%run_scoped3A_107, %dma_wait3A_183, %dma_wait3A_184] : memref<2x1024x32xbf16, #tpu.memory_space<vmem>> -> memref<1x128x32xbf16, #tpu.memory_space<vmem>>
        %dma_wait3A_186 = tpu.memref_squeeze %dma_wait3A_185 : memref<1x128x32xbf16, #tpu.memory_space<vmem>> -> memref<128x32xbf16, #tpu.memory_space<vmem>>
        %dma_wait3A_187 = arith.constant 0 : i32
        %dma_wait3A_188 = tpu.memref_slice %arg10[%run_scoped3A_108, %dma_wait3A_187] : memref<5x1024xi32, #tpu.memory_space<vmem>> -> memref<1x128xi32, #tpu.memory_space<vmem>>
        %dma_wait3A_189 = tpu.memref_squeeze %dma_wait3A_188 : memref<1x128xi32, #tpu.memory_space<vmem>> -> memref<128xi32, #tpu.memory_space<vmem>>
        %dma_wait3A_190 = arith.constant 0 : i32
        %dma_wait3A_191 = arith.constant 0 : i32
        %dma_wait3A_192 = tpu.memref_slice %arg17[%dma_wait3A_190, %dma_wait3A_191] : memref<10240x32xbf16, #tpu.memory_space<vmem_shared>> -> memref<10240x32xbf16, #tpu.memory_space<vmem_shared>>
        tpu.wait_indirect_dma semaphore(%run_scoped3A_172 : memref<!tpu.dma_semaphore, #tpu.memory_space<semaphore_mem>>) src(%dma_wait3A_186 : memref<128x32xbf16, #tpu.memory_space<vmem>>) dst(%dma_wait3A_192 : memref<10240x32xbf16, #tpu.memory_space<vmem_shared>>)
        tpu.yield
      }) : () -> ()
      %get3A = arith.constant 4 : i32
      %get3A_109 = arith.index_cast %get3A : i32 to index
      %get3A_110 = arith.constant 0 : index
      %get3A_111 = tpu.vector_load %arg10[%get3A_109, %get3A_110] {strides = array<i32>} : memref<5x1024xi32, #tpu.memory_space<vmem>>, vector<16xi32>,
      %get3A_112 = arith.constant 4 : i32
      %get3A_113 = arith.index_cast %get3A_112 : i32 to index
      %get3A_114 = arith.constant 0 : index
      %get3A_115 = tpu.vector_load %arg11[%get3A_113, %get3A_114] {strides = array<i32>} : memref<5x1024xf32, #tpu.memory_space<vmem>>, vector<16xf32>,
      tpu.vector_store_idx %arg13[%get3A_111], %get3A_115 {add = true} : memref<10240xf32, #tpu.memory_space<vmem>>[vector<16xi32>], vector<16xf32>,
      tpu.vector_store_idx %arg14[%get3A_111], %broadcast_in_dim3A_61 {add = true} : memref<10240xf32, #tpu.memory_space<vmem>>[vector<16xi32>], vector<16xf32>,
      %get3A_116 = arith.constant 4 : i32
      %get3A_117 = arith.index_cast %get3A_116 : i32 to index
      %get3A_118 = arith.constant 16 : index
      %get3A_119 = tpu.vector_load %arg10[%get3A_117, %get3A_118] {strides = array<i32>} : memref<5x1024xi32, #tpu.memory_space<vmem>>, vector<16xi32>,
      %get3A_120 = arith.constant 4 : i32
      %get3A_121 = arith.index_cast %get3A_120 : i32 to index
      %get3A_122 = arith.constant 16 : index
      %get3A_123 = tpu.vector_load %arg11[%get3A_121, %get3A_122] {strides = array<i32>} : memref<5x1024xf32, #tpu.memory_space<vmem>>, vector<16xf32>,
      tpu.vector_store_idx %arg13[%get3A_119], %get3A_123 {add = true} : memref<10240xf32, #tpu.memory_space<vmem>>[vector<16xi32>], vector<16xf32>,
      tpu.vector_store_idx %arg14[%get3A_119], %broadcast_in_dim3A_61 {add = true} : memref<10240xf32, #tpu.memory_space<vmem>>[vector<16xi32>], vector<16xf32>,
      %get3A_124 = arith.constant 4 : i32
      %get3A_125 = arith.index_cast %get3A_124 : i32 to index
      %get3A_126 = arith.constant 32 : index
      %get3A_127 = tpu.vector_load %arg10[%get3A_125, %get3A_126] {strides = array<i32>} : memref<5x1024xi32, #tpu.memory_space<vmem>>, vector<16xi32>,
      %get3A_128 = arith.constant 4 : i32
      %get3A_129 = arith.index_cast %get3A_128 : i32 to index
      %get3A_130 = arith.constant 32 : index
      %get3A_131 = tpu.vector_load %arg11[%get3A_129, %get3A_130] {strides = array<i32>} : memref<5x1024xf32, #tpu.memory_space<vmem>>, vector<16xf32>,
      tpu.vector_store_idx %arg13[%get3A_127], %get3A_131 {add = true} : memref<10240xf32, #tpu.memory_space<vmem>>[vector<16xi32>], vector<16xf32>,
      tpu.vector_store_idx %arg14[%get3A_127], %broadcast_in_dim3A_61 {add = true} : memref<10240xf32, #tpu.memory_space<vmem>>[vector<16xi32>], vector<16xf32>,
      %get3A_132 = arith.constant 4 : i32
      %get3A_133 = arith.index_cast %get3A_132 : i32 to index
      %get3A_134 = arith.constant 48 : index
      %get3A_135 = tpu.vector_load %arg10[%get3A_133, %get3A_134] {strides = array<i32>} : memref<5x1024xi32, #tpu.memory_space<vmem>>, vector<16xi32>,
      %get3A_136 = arith.constant 4 : i32
      %get3A_137 = arith.index_cast %get3A_136 : i32 to index
      %get3A_138 = arith.constant 48 : index
      %get3A_139 = tpu.vector_load %arg11[%get3A_137, %get3A_138] {strides = array<i32>} : memref<5x1024xf32, #tpu.memory_space<vmem>>, vector<16xf32>,
      tpu.vector_store_idx %arg13[%get3A_135], %get3A_139 {add = true} : memref<10240xf32, #tpu.memory_space<vmem>>[vector<16xi32>], vector<16xf32>,
      tpu.vector_store_idx %arg14[%get3A_135], %broadcast_in_dim3A_61 {add = true} : memref<10240xf32, #tpu.memory_space<vmem>>[vector<16xi32>], vector<16xf32>,
      %get3A_140 = arith.constant 4 : i32
      %get3A_141 = arith.index_cast %get3A_140 : i32 to index
      %get3A_142 = arith.constant 64 : index
      %get3A_143 = tpu.vector_load %arg10[%get3A_141, %get3A_142] {strides = array<i32>} : memref<5x1024xi32, #tpu.memory_space<vmem>>, vector<16xi32>,
      %get3A_144 = arith.constant 4 : i32
      %get3A_145 = arith.index_cast %get3A_144 : i32 to index
      %get3A_146 = arith.constant 64 : index
      %get3A_147 = tpu.vector_load %arg11[%get3A_145, %get3A_146] {strides = array<i32>} : memref<5x1024xf32, #tpu.memory_space<vmem>>, vector<16xf32>,
      tpu.vector_store_idx %arg13[%get3A_143], %get3A_147 {add = true} : memref<10240xf32, #tpu.memory_space<vmem>>[vector<16xi32>], vector<16xf32>,
      tpu.vector_store_idx %arg14[%get3A_143], %broadcast_in_dim3A_61 {add = true} : memref<10240xf32, #tpu.memory_space<vmem>>[vector<16xi32>], vector<16xf32>,
      %get3A_148 = arith.constant 4 : i32
      %get3A_149 = arith.index_cast %get3A_148 : i32 to index
      %get3A_150 = arith.constant 80 : index
      %get3A_151 = tpu.vector_load %arg10[%get3A_149, %get3A_150] {strides = array<i32>} : memref<5x1024xi32, #tpu.memory_space<vmem>>, vector<16xi32>,
      %get3A_152 = arith.constant 4 : i32
      %get3A_153 = arith.index_cast %get3A_152 : i32 to index
      %get3A_154 = arith.constant 80 : index
      %get3A_155 = tpu.vector_load %arg11[%get3A_153, %get3A_154] {strides = array<i32>} : memref<5x1024xf32, #tpu.memory_space<vmem>>, vector<16xf32>,
      tpu.vector_store_idx %arg13[%get3A_151], %get3A_155 {add = true} : memref<10240xf32, #tpu.memory_space<vmem>>[vector<16xi32>], vector<16xf32>,
      tpu.vector_store_idx %arg14[%get3A_151], %broadcast_in_dim3A_61 {add = true} : memref<10240xf32, #tpu.memory_space<vmem>>[vector<16xi32>], vector<16xf32>,
      %get3A_156 = arith.constant 4 : i32
      %get3A_157 = arith.index_cast %get3A_156 : i32 to index
      %get3A_158 = arith.constant 96 : index
      %get3A_159 = tpu.vector_load %arg10[%get3A_157, %get3A_158] {strides = array<i32>} : memref<5x1024xi32, #tpu.memory_space<vmem>>, vector<16xi32>,
      %get3A_160 = arith.constant 4 : i32
      %get3A_161 = arith.index_cast %get3A_160 : i32 to index
      %get3A_162 = arith.constant 96 : index
      %get3A_163 = tpu.vector_load %arg11[%get3A_161, %get3A_162] {strides = array<i32>} : memref<5x1024xf32, #tpu.memory_space<vmem>>, vector<16xf32>,
      tpu.vector_store_idx %arg13[%get3A_159], %get3A_163 {add = true} : memref<10240xf32, #tpu.memory_space<vmem>>[vector<16xi32>], vector<16xf32>,
      tpu.vector_store_idx %arg14[%get3A_159], %broadcast_in_dim3A_61 {add = true} : memref<10240xf32, #tpu.memory_space<vmem>>[vector<16xi32>], vector<16xf32>,
      %get3A_164 = arith.constant 4 : i32
      %get3A_165 = arith.index_cast %get3A_164 : i32 to index
      %get3A_166 = arith.constant 112 : index
      %get3A_167 = tpu.vector_load %arg10[%get3A_165, %get3A_166] {strides = array<i32>} : memref<5x1024xi32, #tpu.memory_space<vmem>>, vector<16xi32>,
      %get3A_168 = arith.constant 4 : i32
      %get3A_169 = arith.index_cast %get3A_168 : i32 to index
      %get3A_170 = arith.constant 112 : index
      %get3A_171 = tpu.vector_load %arg11[%get3A_169, %get3A_170] {strides = array<i32>} : memref<5x1024xf32, #tpu.memory_space<vmem>>, vector<16xf32>,
      tpu.vector_store_idx %arg13[%get3A_167], %get3A_171 {add = true} : memref<10240xf32, #tpu.memory_space<vmem>>[vector<16xi32>], vector<16xf32>,
      tpu.vector_store_idx %arg14[%get3A_167], %broadcast_in_dim3A_61 {add = true} : memref<10240xf32, #tpu.memory_space<vmem>>[vector<16xi32>], vector<16xf32>,
    } else {
    }
    %run_scoped3A = arith.constant 0 : i32
    "tpu.region"() ({
      %run_scoped3A_84 = tpu.sem_alloc : memref<!tpu.dma_semaphore, #tpu.memory_space<semaphore_mem>>
      %dma_start3A_85 = arith.constant 0 : i32
      %dma_start3A_86 = tpu.memref_slice %arg18[%arg1, %run_scoped3A, %dma_start3A_85] : memref<16x2x10240xf32, #tpu.memory_space<vmem_shared>> -> memref<1x1x10240xf32, #tpu.memory_space<vmem_shared>>
      %dma_start3A_87 = tpu.memref_squeeze %dma_start3A_86 : memref<1x1x10240xf32, #tpu.memory_space<vmem_shared>> -> memref<10240xf32, #tpu.memory_space<vmem_shared>>
      %dma_start3A_88 = arith.constant 0 : i32
      %dma_start3A_89 = tpu.memref_slice %arg18[%arg1, %run_scoped3A, %dma_start3A_88] : memref<16x2x10240xf32, #tpu.memory_space<vmem_shared>> -> memref<1x1x10240xf32, #tpu.memory_space<vmem_shared>>
      %dma_start3A_90 = tpu.memref_squeeze %dma_start3A_89 : memref<1x1x10240xf32, #tpu.memory_space<vmem_shared>> -> memref<10240xf32, #tpu.memory_space<vmem_shared>>
      tpu.enqueue_dma source(%arg13 : memref<10240xf32, #tpu.memory_space<vmem>>) target(%dma_start3A_90 : memref<10240xf32, #tpu.memory_space<vmem_shared>>) target_semaphore(%run_scoped3A_84 : memref<!tpu.dma_semaphore, #tpu.memory_space<semaphore_mem>>)
      %dma_wait3A = arith.constant 0 : i32
      %dma_wait3A_91 = tpu.memref_slice %arg18[%arg1, %run_scoped3A, %dma_wait3A] : memref<16x2x10240xf32, #tpu.memory_space<vmem_shared>> -> memref<1x1x10240xf32, #tpu.memory_space<vmem_shared>>
      %dma_wait3A_92 = tpu.memref_squeeze %dma_wait3A_91 : memref<1x1x10240xf32, #tpu.memory_space<vmem_shared>> -> memref<10240xf32, #tpu.memory_space<vmem_shared>>
      %dma_wait3A_93 = arith.constant 0 : i32
      %dma_wait3A_94 = tpu.memref_slice %arg18[%arg1, %run_scoped3A, %dma_wait3A_93] : memref<16x2x10240xf32, #tpu.memory_space<vmem_shared>> -> memref<1x1x10240xf32, #tpu.memory_space<vmem_shared>>
      %dma_wait3A_95 = tpu.memref_squeeze %dma_wait3A_94 : memref<1x1x10240xf32, #tpu.memory_space<vmem_shared>> -> memref<10240xf32, #tpu.memory_space<vmem_shared>>
      tpu.wait_dma2 semaphore(%run_scoped3A_84 : memref<!tpu.dma_semaphore, #tpu.memory_space<semaphore_mem>>) src(%arg13 : memref<10240xf32, #tpu.memory_space<vmem>>) dst(%dma_wait3A_95 : memref<10240xf32, #tpu.memory_space<vmem_shared>>)
      tpu.yield
    }) : () -> ()
    %run_scoped3A_77 = arith.constant 1 : i32
    "tpu.region"() ({
      %run_scoped3A_84 = tpu.sem_alloc : memref<!tpu.dma_semaphore, #tpu.memory_space<semaphore_mem>>
      %dma_start3A_85 = arith.constant 0 : i32
      %dma_start3A_86 = tpu.memref_slice %arg18[%arg1, %run_scoped3A_77, %dma_start3A_85] : memref<16x2x10240xf32, #tpu.memory_space<vmem_shared>> -> memref<1x1x10240xf32, #tpu.memory_space<vmem_shared>>
      %dma_start3A_87 = tpu.memref_squeeze %dma_start3A_86 : memref<1x1x10240xf32, #tpu.memory_space<vmem_shared>> -> memref<10240xf32, #tpu.memory_space<vmem_shared>>
      %dma_start3A_88 = arith.constant 0 : i32
      %dma_start3A_89 = tpu.memref_slice %arg18[%arg1, %run_scoped3A_77, %dma_start3A_88] : memref<16x2x10240xf32, #tpu.memory_space<vmem_shared>> -> memref<1x1x10240xf32, #tpu.memory_space<vmem_shared>>
      %dma_start3A_90 = tpu.memref_squeeze %dma_start3A_89 : memref<1x1x10240xf32, #tpu.memory_space<vmem_shared>> -> memref<10240xf32, #tpu.memory_space<vmem_shared>>
      tpu.enqueue_dma source(%arg14 : memref<10240xf32, #tpu.memory_space<vmem>>) target(%dma_start3A_90 : memref<10240xf32, #tpu.memory_space<vmem_shared>>) target_semaphore(%run_scoped3A_84 : memref<!tpu.dma_semaphore, #tpu.memory_space<semaphore_mem>>)
      %dma_wait3A = arith.constant 0 : i32
      %dma_wait3A_91 = tpu.memref_slice %arg18[%arg1, %run_scoped3A_77, %dma_wait3A] : memref<16x2x10240xf32, #tpu.memory_space<vmem_shared>> -> memref<1x1x10240xf32, #tpu.memory_space<vmem_shared>>
      %dma_wait3A_92 = tpu.memref_squeeze %dma_wait3A_91 : memref<1x1x10240xf32, #tpu.memory_space<vmem_shared>> -> memref<10240xf32, #tpu.memory_space<vmem_shared>>
      %dma_wait3A_93 = arith.constant 0 : i32
      %dma_wait3A_94 = tpu.memref_slice %arg18[%arg1, %run_scoped3A_77, %dma_wait3A_93] : memref<16x2x10240xf32, #tpu.memory_space<vmem_shared>> -> memref<1x1x10240xf32, #tpu.memory_space<vmem_shared>>
      %dma_wait3A_95 = tpu.memref_squeeze %dma_wait3A_94 : memref<1x1x10240xf32, #tpu.memory_space<vmem_shared>> -> memref<10240xf32, #tpu.memory_space<vmem_shared>>
      tpu.wait_dma2 semaphore(%run_scoped3A_84 : memref<!tpu.dma_semaphore, #tpu.memory_space<semaphore_mem>>) src(%arg14 : memref<10240xf32, #tpu.memory_space<vmem>>) dst(%dma_wait3A_95 : memref<10240xf32, #tpu.memory_space<vmem_shared>>)
      tpu.yield
    }) : () -> ()
    %barrier3A_78 = arith.constant 0 : index
    tpu.barrier barrier_id(%barrier3A_78)
    "tpu.region"() ({
      %run_scoped3A_84 = tpu.sem_alloc : memref<!tpu.dma_semaphore, #tpu.memory_space<semaphore_mem>>
      %dma_start3A_85 = arith.constant 0 : i32
      %dma_start3A_86 = arith.constant 0 : i32
      %dma_start3A_87 = tpu.memref_slice %arg18[%dma_start3A_85, %dma_start3A_86, %mul3A_0] : memref<16x2x10240xf32, #tpu.memory_space<vmem_shared>> -> memref<16x2x640xf32, #tpu.memory_space<vmem_shared>>
      %dma_start3A_88 = arith.constant 0 : i32
      %dma_start3A_89 = arith.constant 0 : i32
      %dma_start3A_90 = tpu.memref_slice %arg18[%dma_start3A_88, %dma_start3A_89, %mul3A_0] : memref<16x2x10240xf32, #tpu.memory_space<vmem_shared>> -> memref<16x2x640xf32, #tpu.memory_space<vmem_shared>>
      tpu.enqueue_dma source(%dma_start3A_90 : memref<16x2x640xf32, #tpu.memory_space<vmem_shared>>) target(%arg15 : memref<16x2x640xf32, #tpu.memory_space<vmem>>) target_semaphore(%run_scoped3A_84 : memref<!tpu.dma_semaphore, #tpu.memory_space<semaphore_mem>>)
      %dma_wait3A = arith.constant 0 : i32
      %dma_wait3A_91 = arith.constant 0 : i32
      %dma_wait3A_92 = tpu.memref_slice %arg18[%dma_wait3A, %dma_wait3A_91, %mul3A_0] : memref<16x2x10240xf32, #tpu.memory_space<vmem_shared>> -> memref<16x2x640xf32, #tpu.memory_space<vmem_shared>>
      %dma_wait3A_93 = arith.constant 0 : i32
      %dma_wait3A_94 = arith.constant 0 : i32
      %dma_wait3A_95 = tpu.memref_slice %arg18[%dma_wait3A_93, %dma_wait3A_94, %mul3A_0] : memref<16x2x10240xf32, #tpu.memory_space<vmem_shared>> -> memref<16x2x640xf32, #tpu.memory_space<vmem_shared>>
      tpu.wait_dma2 semaphore(%run_scoped3A_84 : memref<!tpu.dma_semaphore, #tpu.memory_space<semaphore_mem>>) src(%dma_wait3A_95 : memref<16x2x640xf32, #tpu.memory_space<vmem_shared>>) dst(%arg15 : memref<16x2x640xf32, #tpu.memory_space<vmem>>)
      tpu.yield
    }) : () -> ()
    %scan3A = arith.constant 0 : i32
    %scan3A_79 = arith.constant 0 : i32
    %scan3A_80 = arith.constant 40 : i32
    %scan3A_81 = arith.addi %scan3A_79, %scan3A_80 : i32
    %scan3A_82 = arith.constant 1 : i32
    scf.for %scan3A_84 = %scan3A_79 to %scan3A_81 step %scan3A_82  : i32 {
      %broadcast_in_dim3A_85 = arith.constant 0.000000e+00 : f32
      %broadcast_in_dim3A_86 = vector.broadcast %broadcast_in_dim3A_85 : f32 to vector<16xf32>
      %mul3A_87 = arith.constant 16 : i32
      %mul3A_88 = arith.muli %scan3A_84, %mul3A_87 : i32
      %get3A = arith.constant 0 : i32
      %get3A_89 = arith.constant 0 : i32
      %get3A_90 = arith.index_cast %get3A : i32 to index
      %get3A_91 = arith.index_cast %get3A_89 : i32 to index
      %get3A_92 = arith.index_cast %mul3A_88 : i32 to index
      %get3A_93 = tpu.vector_load %arg15[%get3A_90, %get3A_91, %get3A_92] {strides = array<i32>} : memref<16x2x640xf32, #tpu.memory_space<vmem>>, vector<16xf32>,
      %add3A_94 = arith.addf %broadcast_in_dim3A_86, %get3A_93 : vector<16xf32>
      %mul3A_95 = arith.constant 16 : i32
      %mul3A_96 = arith.muli %scan3A_84, %mul3A_95 : i32
      %get3A_97 = arith.constant 1 : i32
      %get3A_98 = arith.constant 0 : i32
      %get3A_99 = arith.index_cast %get3A_97 : i32 to index
      %get3A_100 = arith.index_cast %get3A_98 : i32 to index
      %get3A_101 = arith.index_cast %mul3A_96 : i32 to index
      %get3A_102 = tpu.vector_load %arg15[%get3A_99, %get3A_100, %get3A_101] {strides = array<i32>} : memref<16x2x640xf32, #tpu.memory_space<vmem>>, vector<16xf32>,
      %add3A_103 = arith.addf %add3A_94, %get3A_102 : vector<16xf32>
      %mul3A_104 = arith.constant 16 : i32
      %mul3A_105 = arith.muli %scan3A_84, %mul3A_104 : i32
      %get3A_106 = arith.constant 2 : i32
      %get3A_107 = arith.constant 0 : i32
      %get3A_108 = arith.index_cast %get3A_106 : i32 to index
      %get3A_109 = arith.index_cast %get3A_107 : i32 to index
      %get3A_110 = arith.index_cast %mul3A_105 : i32 to index
      %get3A_111 = tpu.vector_load %arg15[%get3A_108, %get3A_109, %get3A_110] {strides = array<i32>} : memref<16x2x640xf32, #tpu.memory_space<vmem>>, vector<16xf32>,
      %add3A_112 = arith.addf %add3A_103, %get3A_111 : vector<16xf32>
      %mul3A_113 = arith.constant 16 : i32
      %mul3A_114 = arith.muli %scan3A_84, %mul3A_113 : i32
      %get3A_115 = arith.constant 3 : i32
      %get3A_116 = arith.constant 0 : i32
      %get3A_117 = arith.index_cast %get3A_115 : i32 to index
      %get3A_118 = arith.index_cast %get3A_116 : i32 to index
      %get3A_119 = arith.index_cast %mul3A_114 : i32 to index
      %get3A_120 = tpu.vector_load %arg15[%get3A_117, %get3A_118, %get3A_119] {strides = array<i32>} : memref<16x2x640xf32, #tpu.memory_space<vmem>>, vector<16xf32>,
      %add3A_121 = arith.addf %add3A_112, %get3A_120 : vector<16xf32>
      %mul3A_122 = arith.constant 16 : i32
      %mul3A_123 = arith.muli %scan3A_84, %mul3A_122 : i32
      %get3A_124 = arith.constant 4 : i32
      %get3A_125 = arith.constant 0 : i32
      %get3A_126 = arith.index_cast %get3A_124 : i32 to index
      %get3A_127 = arith.index_cast %get3A_125 : i32 to index
      %get3A_128 = arith.index_cast %mul3A_123 : i32 to index
      %get3A_129 = tpu.vector_load %arg15[%get3A_126, %get3A_127, %get3A_128] {strides = array<i32>} : memref<16x2x640xf32, #tpu.memory_space<vmem>>, vector<16xf32>,
      %add3A_130 = arith.addf %add3A_121, %get3A_129 : vector<16xf32>
      %mul3A_131 = arith.constant 16 : i32
      %mul3A_132 = arith.muli %scan3A_84, %mul3A_131 : i32
      %get3A_133 = arith.constant 5 : i32
      %get3A_134 = arith.constant 0 : i32
      %get3A_135 = arith.index_cast %get3A_133 : i32 to index
      %get3A_136 = arith.index_cast %get3A_134 : i32 to index
      %get3A_137 = arith.index_cast %mul3A_132 : i32 to index
      %get3A_138 = tpu.vector_load %arg15[%get3A_135, %get3A_136, %get3A_137] {strides = array<i32>} : memref<16x2x640xf32, #tpu.memory_space<vmem>>, vector<16xf32>,
      %add3A_139 = arith.addf %add3A_130, %get3A_138 : vector<16xf32>
      %mul3A_140 = arith.constant 16 : i32
      %mul3A_141 = arith.muli %scan3A_84, %mul3A_140 : i32
      %get3A_142 = arith.constant 6 : i32
      %get3A_143 = arith.constant 0 : i32
      %get3A_144 = arith.index_cast %get3A_142 : i32 to index
      %get3A_145 = arith.index_cast %get3A_143 : i32 to index
      %get3A_146 = arith.index_cast %mul3A_141 : i32 to index
      %get3A_147 = tpu.vector_load %arg15[%get3A_144, %get3A_145, %get3A_146] {strides = array<i32>} : memref<16x2x640xf32, #tpu.memory_space<vmem>>, vector<16xf32>,
      %add3A_148 = arith.addf %add3A_139, %get3A_147 : vector<16xf32>
      %mul3A_149 = arith.constant 16 : i32
      %mul3A_150 = arith.muli %scan3A_84, %mul3A_149 : i32
      %get3A_151 = arith.constant 7 : i32
      %get3A_152 = arith.constant 0 : i32
      %get3A_153 = arith.index_cast %get3A_151 : i32 to index
      %get3A_154 = arith.index_cast %get3A_152 : i32 to index
      %get3A_155 = arith.index_cast %mul3A_150 : i32 to index
      %get3A_156 = tpu.vector_load %arg15[%get3A_153, %get3A_154, %get3A_155] {strides = array<i32>} : memref<16x2x640xf32, #tpu.memory_space<vmem>>, vector<16xf32>,
      %add3A_157 = arith.addf %add3A_148, %get3A_156 : vector<16xf32>
      %mul3A_158 = arith.constant 16 : i32
      %mul3A_159 = arith.muli %scan3A_84, %mul3A_158 : i32
      %get3A_160 = arith.constant 8 : i32
      %get3A_161 = arith.constant 0 : i32
      %get3A_162 = arith.index_cast %get3A_160 : i32 to index
      %get3A_163 = arith.index_cast %get3A_161 : i32 to index
      %get3A_164 = arith.index_cast %mul3A_159 : i32 to index
      %get3A_165 = tpu.vector_load %arg15[%get3A_162, %get3A_163, %get3A_164] {strides = array<i32>} : memref<16x2x640xf32, #tpu.memory_space<vmem>>, vector<16xf32>,
      %add3A_166 = arith.addf %add3A_157, %get3A_165 : vector<16xf32>
      %mul3A_167 = arith.constant 16 : i32
      %mul3A_168 = arith.muli %scan3A_84, %mul3A_167 : i32
      %get3A_169 = arith.constant 9 : i32
      %get3A_170 = arith.constant 0 : i32
      %get3A_171 = arith.index_cast %get3A_169 : i32 to index
      %get3A_172 = arith.index_cast %get3A_170 : i32 to index
      %get3A_173 = arith.index_cast %mul3A_168 : i32 to index
      %get3A_174 = tpu.vector_load %arg15[%get3A_171, %get3A_172, %get3A_173] {strides = array<i32>} : memref<16x2x640xf32, #tpu.memory_space<vmem>>, vector<16xf32>,
      %add3A_175 = arith.addf %add3A_166, %get3A_174 : vector<16xf32>
      %mul3A_176 = arith.constant 16 : i32
      %mul3A_177 = arith.muli %scan3A_84, %mul3A_176 : i32
      %get3A_178 = arith.constant 10 : i32
      %get3A_179 = arith.constant 0 : i32
      %get3A_180 = arith.index_cast %get3A_178 : i32 to index
      %get3A_181 = arith.index_cast %get3A_179 : i32 to index
      %get3A_182 = arith.index_cast %mul3A_177 : i32 to index
      %get3A_183 = tpu.vector_load %arg15[%get3A_180, %get3A_181, %get3A_182] {strides = array<i32>} : memref<16x2x640xf32, #tpu.memory_space<vmem>>, vector<16xf32>,
      %add3A_184 = arith.addf %add3A_175, %get3A_183 : vector<16xf32>
      %mul3A_185 = arith.constant 16 : i32
      %mul3A_186 = arith.muli %scan3A_84, %mul3A_185 : i32
      %get3A_187 = arith.constant 11 : i32
      %get3A_188 = arith.constant 0 : i32
      %get3A_189 = arith.index_cast %get3A_187 : i32 to index
      %get3A_190 = arith.index_cast %get3A_188 : i32 to index
      %get3A_191 = arith.index_cast %mul3A_186 : i32 to index
      %get3A_192 = tpu.vector_load %arg15[%get3A_189, %get3A_190, %get3A_191] {strides = array<i32>} : memref<16x2x640xf32, #tpu.memory_space<vmem>>, vector<16xf32>,
      %add3A_193 = arith.addf %add3A_184, %get3A_192 : vector<16xf32>
      %mul3A_194 = arith.constant 16 : i32
      %mul3A_195 = arith.muli %scan3A_84, %mul3A_194 : i32
      %get3A_196 = arith.constant 12 : i32
      %get3A_197 = arith.constant 0 : i32
      %get3A_198 = arith.index_cast %get3A_196 : i32 to index
      %get3A_199 = arith.index_cast %get3A_197 : i32 to index
      %get3A_200 = arith.index_cast %mul3A_195 : i32 to index
      %get3A_201 = tpu.vector_load %arg15[%get3A_198, %get3A_199, %get3A_200] {strides = array<i32>} : memref<16x2x640xf32, #tpu.memory_space<vmem>>, vector<16xf32>,
      %add3A_202 = arith.addf %add3A_193, %get3A_201 : vector<16xf32>
      %mul3A_203 = arith.constant 16 : i32
      %mul3A_204 = arith.muli %scan3A_84, %mul3A_203 : i32
      %get3A_205 = arith.constant 13 : i32
      %get3A_206 = arith.constant 0 : i32
      %get3A_207 = arith.index_cast %get3A_205 : i32 to index
      %get3A_208 = arith.index_cast %get3A_206 : i32 to index
      %get3A_209 = arith.index_cast %mul3A_204 : i32 to index
      %get3A_210 = tpu.vector_load %arg15[%get3A_207, %get3A_208, %get3A_209] {strides = array<i32>} : memref<16x2x640xf32, #tpu.memory_space<vmem>>, vector<16xf32>,
      %add3A_211 = arith.addf %add3A_202, %get3A_210 : vector<16xf32>
      %mul3A_212 = arith.constant 16 : i32
      %mul3A_213 = arith.muli %scan3A_84, %mul3A_212 : i32
      %get3A_214 = arith.constant 14 : i32
      %get3A_215 = arith.constant 0 : i32
      %get3A_216 = arith.index_cast %get3A_214 : i32 to index
      %get3A_217 = arith.index_cast %get3A_215 : i32 to index
      %get3A_218 = arith.index_cast %mul3A_213 : i32 to index
      %get3A_219 = tpu.vector_load %arg15[%get3A_216, %get3A_217, %get3A_218] {strides = array<i32>} : memref<16x2x640xf32, #tpu.memory_space<vmem>>, vector<16xf32>,
      %add3A_220 = arith.addf %add3A_211, %get3A_219 : vector<16xf32>
      %mul3A_221 = arith.constant 16 : i32
      %mul3A_222 = arith.muli %scan3A_84, %mul3A_221 : i32
      %get3A_223 = arith.constant 15 : i32
      %get3A_224 = arith.constant 0 : i32
      %get3A_225 = arith.index_cast %get3A_223 : i32 to index
      %get3A_226 = arith.index_cast %get3A_224 : i32 to index
      %get3A_227 = arith.index_cast %mul3A_222 : i32 to index
      %get3A_228 = tpu.vector_load %arg15[%get3A_225, %get3A_226, %get3A_227] {strides = array<i32>} : memref<16x2x640xf32, #tpu.memory_space<vmem>>, vector<16xf32>,
      %add3A_229 = arith.addf %add3A_220, %get3A_228 : vector<16xf32>
      %mul3A_230 = arith.constant 16 : i32
      %mul3A_231 = arith.muli %scan3A_84, %mul3A_230 : i32
      %swap3A = arith.constant 0 : i32
      %swap3A_232 = arith.index_cast %swap3A : i32 to index
      %swap3A_233 = arith.index_cast %mul3A_231 : i32 to index
      %swap3A_234 = tpu.vector_load %arg16[%swap3A_232, %swap3A_233] {strides = array<i32>} : memref<2x640xf32, #tpu.memory_space<vmem>>, vector<16xf32>,
      tpu.vector_store %arg16[%swap3A_232, %swap3A_233], %add3A_229 {strides = array<i32>} : memref<2x640xf32, #tpu.memory_space<vmem>>, vector<16xf32>,
      %broadcast_in_dim3A_235 = arith.constant 0.000000e+00 : f32
      %broadcast_in_dim3A_236 = vector.broadcast %broadcast_in_dim3A_235 : f32 to vector<16xf32>
      %mul3A_237 = arith.constant 16 : i32
      %mul3A_238 = arith.muli %scan3A_84, %mul3A_237 : i32
      %get3A_239 = arith.constant 0 : i32
      %get3A_240 = arith.constant 1 : i32
      %get3A_241 = arith.index_cast %get3A_239 : i32 to index
      %get3A_242 = arith.index_cast %get3A_240 : i32 to index
      %get3A_243 = arith.index_cast %mul3A_238 : i32 to index
      %get3A_244 = tpu.vector_load %arg15[%get3A_241, %get3A_242, %get3A_243] {strides = array<i32>} : memref<16x2x640xf32, #tpu.memory_space<vmem>>, vector<16xf32>,
      %add3A_245 = arith.addf %broadcast_in_dim3A_236, %get3A_244 : vector<16xf32>
      %mul3A_246 = arith.constant 16 : i32
      %mul3A_247 = arith.muli %scan3A_84, %mul3A_246 : i32
      %get3A_248 = arith.constant 1 : i32
      %get3A_249 = arith.constant 1 : i32
      %get3A_250 = arith.index_cast %get3A_248 : i32 to index
      %get3A_251 = arith.index_cast %get3A_249 : i32 to index
      %get3A_252 = arith.index_cast %mul3A_247 : i32 to index
      %get3A_253 = tpu.vector_load %arg15[%get3A_250, %get3A_251, %get3A_252] {strides = array<i32>} : memref<16x2x640xf32, #tpu.memory_space<vmem>>, vector<16xf32>,
      %add3A_254 = arith.addf %add3A_245, %get3A_253 : vector<16xf32>
      %mul3A_255 = arith.constant 16 : i32
      %mul3A_256 = arith.muli %scan3A_84, %mul3A_255 : i32
      %get3A_257 = arith.constant 2 : i32
      %get3A_258 = arith.constant 1 : i32
      %get3A_259 = arith.index_cast %get3A_257 : i32 to index
      %get3A_260 = arith.index_cast %get3A_258 : i32 to index
      %get3A_261 = arith.index_cast %mul3A_256 : i32 to index
      %get3A_262 = tpu.vector_load %arg15[%get3A_259, %get3A_260, %get3A_261] {strides = array<i32>} : memref<16x2x640xf32, #tpu.memory_space<vmem>>, vector<16xf32>,
      %add3A_263 = arith.addf %add3A_254, %get3A_262 : vector<16xf32>
      %mul3A_264 = arith.constant 16 : i32
      %mul3A_265 = arith.muli %scan3A_84, %mul3A_264 : i32
      %get3A_266 = arith.constant 3 : i32
      %get3A_267 = arith.constant 1 : i32
      %get3A_268 = arith.index_cast %get3A_266 : i32 to index
      %get3A_269 = arith.index_cast %get3A_267 : i32 to index
      %get3A_270 = arith.index_cast %mul3A_265 : i32 to index
      %get3A_271 = tpu.vector_load %arg15[%get3A_268, %get3A_269, %get3A_270] {strides = array<i32>} : memref<16x2x640xf32, #tpu.memory_space<vmem>>, vector<16xf32>,
      %add3A_272 = arith.addf %add3A_263, %get3A_271 : vector<16xf32>
      %mul3A_273 = arith.constant 16 : i32
      %mul3A_274 = arith.muli %scan3A_84, %mul3A_273 : i32
      %get3A_275 = arith.constant 4 : i32
      %get3A_276 = arith.constant 1 : i32
      %get3A_277 = arith.index_cast %get3A_275 : i32 to index
      %get3A_278 = arith.index_cast %get3A_276 : i32 to index
      %get3A_279 = arith.index_cast %mul3A_274 : i32 to index
      %get3A_280 = tpu.vector_load %arg15[%get3A_277, %get3A_278, %get3A_279] {strides = array<i32>} : memref<16x2x640xf32, #tpu.memory_space<vmem>>, vector<16xf32>,
      %add3A_281 = arith.addf %add3A_272, %get3A_280 : vector<16xf32>
      %mul3A_282 = arith.constant 16 : i32
      %mul3A_283 = arith.muli %scan3A_84, %mul3A_282 : i32
      %get3A_284 = arith.constant 5 : i32
      %get3A_285 = arith.constant 1 : i32
      %get3A_286 = arith.index_cast %get3A_284 : i32 to index
      %get3A_287 = arith.index_cast %get3A_285 : i32 to index
      %get3A_288 = arith.index_cast %mul3A_283 : i32 to index
      %get3A_289 = tpu.vector_load %arg15[%get3A_286, %get3A_287, %get3A_288] {strides = array<i32>} : memref<16x2x640xf32, #tpu.memory_space<vmem>>, vector<16xf32>,
      %add3A_290 = arith.addf %add3A_281, %get3A_289 : vector<16xf32>
      %mul3A_291 = arith.constant 16 : i32
      %mul3A_292 = arith.muli %scan3A_84, %mul3A_291 : i32
      %get3A_293 = arith.constant 6 : i32
      %get3A_294 = arith.constant 1 : i32
      %get3A_295 = arith.index_cast %get3A_293 : i32 to index
      %get3A_296 = arith.index_cast %get3A_294 : i32 to index
      %get3A_297 = arith.index_cast %mul3A_292 : i32 to index
      %get3A_298 = tpu.vector_load %arg15[%get3A_295, %get3A_296, %get3A_297] {strides = array<i32>} : memref<16x2x640xf32, #tpu.memory_space<vmem>>, vector<16xf32>,
      %add3A_299 = arith.addf %add3A_290, %get3A_298 : vector<16xf32>
      %mul3A_300 = arith.constant 16 : i32
      %mul3A_301 = arith.muli %scan3A_84, %mul3A_300 : i32
      %get3A_302 = arith.constant 7 : i32
      %get3A_303 = arith.constant 1 : i32
      %get3A_304 = arith.index_cast %get3A_302 : i32 to index
      %get3A_305 = arith.index_cast %get3A_303 : i32 to index
      %get3A_306 = arith.index_cast %mul3A_301 : i32 to index
      %get3A_307 = tpu.vector_load %arg15[%get3A_304, %get3A_305, %get3A_306] {strides = array<i32>} : memref<16x2x640xf32, #tpu.memory_space<vmem>>, vector<16xf32>,
      %add3A_308 = arith.addf %add3A_299, %get3A_307 : vector<16xf32>
      %mul3A_309 = arith.constant 16 : i32
      %mul3A_310 = arith.muli %scan3A_84, %mul3A_309 : i32
      %get3A_311 = arith.constant 8 : i32
      %get3A_312 = arith.constant 1 : i32
      %get3A_313 = arith.index_cast %get3A_311 : i32 to index
      %get3A_314 = arith.index_cast %get3A_312 : i32 to index
      %get3A_315 = arith.index_cast %mul3A_310 : i32 to index
      %get3A_316 = tpu.vector_load %arg15[%get3A_313, %get3A_314, %get3A_315] {strides = array<i32>} : memref<16x2x640xf32, #tpu.memory_space<vmem>>, vector<16xf32>,
      %add3A_317 = arith.addf %add3A_308, %get3A_316 : vector<16xf32>
      %mul3A_318 = arith.constant 16 : i32
      %mul3A_319 = arith.muli %scan3A_84, %mul3A_318 : i32
      %get3A_320 = arith.constant 9 : i32
      %get3A_321 = arith.constant 1 : i32
      %get3A_322 = arith.index_cast %get3A_320 : i32 to index
      %get3A_323 = arith.index_cast %get3A_321 : i32 to index
      %get3A_324 = arith.index_cast %mul3A_319 : i32 to index
      %get3A_325 = tpu.vector_load %arg15[%get3A_322, %get3A_323, %get3A_324] {strides = array<i32>} : memref<16x2x640xf32, #tpu.memory_space<vmem>>, vector<16xf32>,
      %add3A_326 = arith.addf %add3A_317, %get3A_325 : vector<16xf32>
      %mul3A_327 = arith.constant 16 : i32
      %mul3A_328 = arith.muli %scan3A_84, %mul3A_327 : i32
      %get3A_329 = arith.constant 10 : i32
      %get3A_330 = arith.constant 1 : i32
      %get3A_331 = arith.index_cast %get3A_329 : i32 to index
      %get3A_332 = arith.index_cast %get3A_330 : i32 to index
      %get3A_333 = arith.index_cast %mul3A_328 : i32 to index
      %get3A_334 = tpu.vector_load %arg15[%get3A_331, %get3A_332, %get3A_333] {strides = array<i32>} : memref<16x2x640xf32, #tpu.memory_space<vmem>>, vector<16xf32>,
      %add3A_335 = arith.addf %add3A_326, %get3A_334 : vector<16xf32>
      %mul3A_336 = arith.constant 16 : i32
      %mul3A_337 = arith.muli %scan3A_84, %mul3A_336 : i32
      %get3A_338 = arith.constant 11 : i32
      %get3A_339 = arith.constant 1 : i32
      %get3A_340 = arith.index_cast %get3A_338 : i32 to index
      %get3A_341 = arith.index_cast %get3A_339 : i32 to index
      %get3A_342 = arith.index_cast %mul3A_337 : i32 to index
      %get3A_343 = tpu.vector_load %arg15[%get3A_340, %get3A_341, %get3A_342] {strides = array<i32>} : memref<16x2x640xf32, #tpu.memory_space<vmem>>, vector<16xf32>,
      %add3A_344 = arith.addf %add3A_335, %get3A_343 : vector<16xf32>
      %mul3A_345 = arith.constant 16 : i32
      %mul3A_346 = arith.muli %scan3A_84, %mul3A_345 : i32
      %get3A_347 = arith.constant 12 : i32
      %get3A_348 = arith.constant 1 : i32
      %get3A_349 = arith.index_cast %get3A_347 : i32 to index
      %get3A_350 = arith.index_cast %get3A_348 : i32 to index
      %get3A_351 = arith.index_cast %mul3A_346 : i32 to index
      %get3A_352 = tpu.vector_load %arg15[%get3A_349, %get3A_350, %get3A_351] {strides = array<i32>} : memref<16x2x640xf32, #tpu.memory_space<vmem>>, vector<16xf32>,
      %add3A_353 = arith.addf %add3A_344, %get3A_352 : vector<16xf32>
      %mul3A_354 = arith.constant 16 : i32
      %mul3A_355 = arith.muli %scan3A_84, %mul3A_354 : i32
      %get3A_356 = arith.constant 13 : i32
      %get3A_357 = arith.constant 1 : i32
      %get3A_358 = arith.index_cast %get3A_356 : i32 to index
      %get3A_359 = arith.index_cast %get3A_357 : i32 to index
      %get3A_360 = arith.index_cast %mul3A_355 : i32 to index
      %get3A_361 = tpu.vector_load %arg15[%get3A_358, %get3A_359, %get3A_360] {strides = array<i32>} : memref<16x2x640xf32, #tpu.memory_space<vmem>>, vector<16xf32>,
      %add3A_362 = arith.addf %add3A_353, %get3A_361 : vector<16xf32>
      %mul3A_363 = arith.constant 16 : i32
      %mul3A_364 = arith.muli %scan3A_84, %mul3A_363 : i32
      %get3A_365 = arith.constant 14 : i32
      %get3A_366 = arith.constant 1 : i32
      %get3A_367 = arith.index_cast %get3A_365 : i32 to index
      %get3A_368 = arith.index_cast %get3A_366 : i32 to index
      %get3A_369 = arith.index_cast %mul3A_364 : i32 to index
      %get3A_370 = tpu.vector_load %arg15[%get3A_367, %get3A_368, %get3A_369] {strides = array<i32>} : memref<16x2x640xf32, #tpu.memory_space<vmem>>, vector<16xf32>,
      %add3A_371 = arith.addf %add3A_362, %get3A_370 : vector<16xf32>
      %mul3A_372 = arith.constant 16 : i32
      %mul3A_373 = arith.muli %scan3A_84, %mul3A_372 : i32
      %get3A_374 = arith.constant 15 : i32
      %get3A_375 = arith.constant 1 : i32
      %get3A_376 = arith.index_cast %get3A_374 : i32 to index
      %get3A_377 = arith.index_cast %get3A_375 : i32 to index
      %get3A_378 = arith.index_cast %mul3A_373 : i32 to index
      %get3A_379 = tpu.vector_load %arg15[%get3A_376, %get3A_377, %get3A_378] {strides = array<i32>} : memref<16x2x640xf32, #tpu.memory_space<vmem>>, vector<16xf32>,
      %add3A_380 = arith.addf %add3A_371, %get3A_379 : vector<16xf32>
      %mul3A_381 = arith.constant 16 : i32
      %mul3A_382 = arith.muli %scan3A_84, %mul3A_381 : i32
      %swap3A_383 = arith.constant 1 : i32
      %swap3A_384 = arith.index_cast %swap3A_383 : i32 to index
      %swap3A_385 = arith.index_cast %mul3A_382 : i32 to index
      %swap3A_386 = tpu.vector_load %arg16[%swap3A_384, %swap3A_385] {strides = array<i32>} : memref<2x640xf32, #tpu.memory_space<vmem>>, vector<16xf32>,
      tpu.vector_store %arg16[%swap3A_384, %swap3A_385], %add3A_380 {strides = array<i32>} : memref<2x640xf32, #tpu.memory_space<vmem>>, vector<16xf32>,
    }
    %scan3A_83 = arith.constant 40 : i32
    "tpu.region"() ({
      %run_scoped3A_84 = tpu.sem_alloc : memref<!tpu.dma_semaphore, #tpu.memory_space<semaphore_mem>>
      %dma_start3A_85 = arith.constant 0 : i32
      %dma_start3A_86 = tpu.memref_slice %arg8[%arg0, %dma_start3A_85, %mul3A_0] : memref<2x2x10240xf32, #tpu.memory_space<hbm>> -> memref<1x2x640xf32, #tpu.memory_space<hbm>>
      %dma_start3A_87 = tpu.memref_squeeze %dma_start3A_86 : memref<1x2x640xf32, #tpu.memory_space<hbm>> -> memref<2x640xf32, #tpu.memory_space<hbm>>
      %dma_start3A_88 = arith.constant 0 : i32
      %dma_start3A_89 = tpu.memref_slice %arg8[%arg0, %dma_start3A_88, %mul3A_0] : memref<2x2x10240xf32, #tpu.memory_space<hbm>> -> memref<1x2x640xf32, #tpu.memory_space<hbm>>
      %dma_start3A_90 = tpu.memref_squeeze %dma_start3A_89 : memref<1x2x640xf32, #tpu.memory_space<hbm>> -> memref<2x640xf32, #tpu.memory_space<hbm>>
      tpu.enqueue_dma source(%arg16 : memref<2x640xf32, #tpu.memory_space<vmem>>) target(%dma_start3A_90 : memref<2x640xf32, #tpu.memory_space<hbm>>) target_semaphore(%run_scoped3A_84 : memref<!tpu.dma_semaphore, #tpu.memory_space<semaphore_mem>>)
      %dma_wait3A = arith.constant 0 : i32
      %dma_wait3A_91 = tpu.memref_slice %arg8[%arg0, %dma_wait3A, %mul3A_0] : memref<2x2x10240xf32, #tpu.memory_space<hbm>> -> memref<1x2x640xf32, #tpu.memory_space<hbm>>
      %dma_wait3A_92 = tpu.memref_squeeze %dma_wait3A_91 : memref<1x2x640xf32, #tpu.memory_space<hbm>> -> memref<2x640xf32, #tpu.memory_space<hbm>>
      %dma_wait3A_93 = arith.constant 0 : i32
      %dma_wait3A_94 = tpu.memref_slice %arg8[%arg0, %dma_wait3A_93, %mul3A_0] : memref<2x2x10240xf32, #tpu.memory_space<hbm>> -> memref<1x2x640xf32, #tpu.memory_space<hbm>>
      %dma_wait3A_95 = tpu.memref_squeeze %dma_wait3A_94 : memref<1x2x640xf32, #tpu.memory_space<hbm>> -> memref<2x640xf32, #tpu.memory_space<hbm>>
      tpu.wait_dma2 semaphore(%run_scoped3A_84 : memref<!tpu.dma_semaphore, #tpu.memory_space<semaphore_mem>>) src(%arg16 : memref<2x640xf32, #tpu.memory_space<vmem>>) dst(%dma_wait3A_95 : memref<2x640xf32, #tpu.memory_space<hbm>>)
      tpu.yield
    }) : () -> ()
    "tpu.region"() ({
      %run_scoped3A_84 = tpu.sem_alloc : memref<!tpu.dma_semaphore, #tpu.memory_space<semaphore_mem>>
      %dma_start3A_85 = arith.constant 0 : i32
      %dma_start3A_86 = tpu.memref_slice %arg7[%arg0, %mul3A_0, %dma_start3A_85] : memref<2x10240x32xbf16, #tpu.memory_space<hbm>> -> memref<1x640x32xbf16, #tpu.memory_space<hbm>>
      %dma_start3A_87 = tpu.memref_squeeze %dma_start3A_86 : memref<1x640x32xbf16, #tpu.memory_space<hbm>> -> memref<640x32xbf16, #tpu.memory_space<hbm>>
      %dma_start3A_88 = arith.constant 0 : i32
      %dma_start3A_89 = tpu.memref_slice %arg17[%mul3A_0, %dma_start3A_88] : memref<10240x32xbf16, #tpu.memory_space<vmem_shared>> -> memref<640x32xbf16, #tpu.memory_space<vmem_shared>>
      tpu.enqueue_dma source(%dma_start3A_89 : memref<640x32xbf16, #tpu.memory_space<vmem_shared>>) target(%dma_start3A_87 : memref<640x32xbf16, #tpu.memory_space<hbm>>) target_semaphore(%run_scoped3A_84 : memref<!tpu.dma_semaphore, #tpu.memory_space<semaphore_mem>>)
      %dma_wait3A = arith.constant 0 : i32
      %dma_wait3A_90 = tpu.memref_slice %arg7[%arg0, %mul3A_0, %dma_wait3A] : memref<2x10240x32xbf16, #tpu.memory_space<hbm>> -> memref<1x640x32xbf16, #tpu.memory_space<hbm>>
      %dma_wait3A_91 = tpu.memref_squeeze %dma_wait3A_90 : memref<1x640x32xbf16, #tpu.memory_space<hbm>> -> memref<640x32xbf16, #tpu.memory_space<hbm>>
      %dma_wait3A_92 = arith.constant 0 : i32
      %dma_wait3A_93 = tpu.memref_slice %arg17[%mul3A_0, %dma_wait3A_92] : memref<10240x32xbf16, #tpu.memory_space<vmem_shared>> -> memref<640x32xbf16, #tpu.memory_space<vmem_shared>>
      tpu.wait_dma2 semaphore(%run_scoped3A_84 : memref<!tpu.dma_semaphore, #tpu.memory_space<semaphore_mem>>) src(%dma_wait3A_93 : memref<640x32xbf16, #tpu.memory_space<vmem_shared>>) dst(%dma_wait3A_91 : memref<640x32xbf16, #tpu.memory_space<hbm>>)
      tpu.yield
    }) : () -> ()
    return
  }
}

module attributes {stable_mosaic.version = 14 : i64} {
  func.func @_tc_body(%arg0: i32, %arg1: memref<2048x32xbf16, #tpu.memory_space<vmem>>, %arg2: memref<1x2048x32xbf16, #tpu.memory_space<vmem>>, %arg3: memref<1x2048x32xbf16, #tpu.memory_space<vmem>>, %arg4: memref<2x2x2048xf32, #tpu.memory_space<vmem>>, %arg5: memref<128x64xf32, #tpu.memory_space<vmem>>, %arg6: memref<4x64xf32, #tpu.memory_space<vmem>>, %arg7: memref<1x64xf32, #tpu.memory_space<vmem>>, %arg8: memref<64x64xf32, #tpu.memory_space<vmem>>, %arg9: memref<1x64xf32, #tpu.memory_space<vmem>>, %arg10: memref<64x64xf32, #tpu.memory_space<vmem>>, %arg11: memref<1x64xf32, #tpu.memory_space<vmem>>, %arg12: memref<1x64xf32, #tpu.memory_space<vmem>>) attributes {dimension_semantics = [#tpu.dimension_semantics<arbitrary>], iteration_bounds = array<i64: 5>, scalar_prefetch = 0 : i64, scratch_operands = 0 : i64, tpu.core_type = #tpu.core_type<tc>, window_params = [{transform_indices = @transform_0, window_bounds = array<i64: 2048, 32>}, {transform_indices = @transform_1, window_bounds = array<i64: 1, 2048, 32>}, {transform_indices = @transform_2, window_bounds = array<i64: 1, 2048, 32>}, {transform_indices = @transform_3, window_bounds = array<i64: 2, 2, 2048>}, {pipeline_mode = #tpu.pipeline_mode<synchronous>, transform_indices = @transform_4, window_bounds = array<i64: 128, 64>}, {pipeline_mode = #tpu.pipeline_mode<synchronous>, transform_indices = @transform_5, window_bounds = array<i64: 4, 64>}, {pipeline_mode = #tpu.pipeline_mode<synchronous>, transform_indices = @transform_6, window_bounds = array<i64: 1, 64>}, {pipeline_mode = #tpu.pipeline_mode<synchronous>, transform_indices = @transform_7, window_bounds = array<i64: 64, 64>}, {pipeline_mode = #tpu.pipeline_mode<synchronous>, transform_indices = @transform_8, window_bounds = array<i64: 1, 64>}, {pipeline_mode = #tpu.pipeline_mode<synchronous>, transform_indices = @transform_9, window_bounds = array<i64: 64, 64>}, {pipeline_mode = #tpu.pipeline_mode<synchronous>, transform_indices = @transform_10, window_bounds = array<i64: 1, 64>}, {pipeline_mode = #tpu.pipeline_mode<synchronous>, transform_indices = @transform_11, window_bounds = array<i64: 1, 64>}]} {
    %get3A = arith.constant 0 : index
    %get3A_0 = arith.constant 0 : index
    %get3A_1 = vector.load %arg1[%get3A, %get3A_0] : memref<2048x32xbf16, #tpu.memory_space<vmem>>, vector<2048x32xbf16>
    %convert_element_type3A = arith.extf %get3A_1 : vector<2048x32xbf16> to vector<2048x32xf32>
    %get3A_2 = arith.constant 0 : index
    %get3A_3 = arith.constant 0 : index
    %get3A_4 = arith.constant 0 : index
    %get3A_5 = vector.load %arg4[%get3A_2, %get3A_3, %get3A_4] : memref<2x2x2048xf32, #tpu.memory_space<vmem>>, vector<1x1x2048xf32>
    %get3A_6 = vector.shape_cast %get3A_5 : vector<1x1x2048xf32> to vector<2048xf32>
    %get3A_7 = arith.constant 0 : index
    %get3A_8 = arith.constant 1 : index
    %get3A_9 = arith.constant 0 : index
    %get3A_10 = vector.load %arg4[%get3A_7, %get3A_8, %get3A_9] : memref<2x2x2048xf32, #tpu.memory_space<vmem>>, vector<1x1x2048xf32>
    %get3A_11 = vector.shape_cast %get3A_10 : vector<1x1x2048xf32> to vector<2048xf32>
    %get3A_12 = arith.constant 1 : index
    %get3A_13 = arith.constant 0 : index
    %get3A_14 = arith.constant 0 : index
    %get3A_15 = vector.load %arg4[%get3A_12, %get3A_13, %get3A_14] : memref<2x2x2048xf32, #tpu.memory_space<vmem>>, vector<1x1x2048xf32>
    %get3A_16 = vector.shape_cast %get3A_15 : vector<1x1x2048xf32> to vector<2048xf32>
    %get3A_17 = arith.constant 1 : index
    %get3A_18 = arith.constant 1 : index
    %get3A_19 = arith.constant 0 : index
    %get3A_20 = vector.load %arg4[%get3A_17, %get3A_18, %get3A_19] : memref<2x2x2048xf32, #tpu.memory_space<vmem>>, vector<1x1x2048xf32>
    %get3A_21 = vector.shape_cast %get3A_20 : vector<1x1x2048xf32> to vector<2048xf32>
    %get3A_22 = arith.constant 0 : index
    %get3A_23 = arith.constant 0 : index
    %get3A_24 = vector.load %arg5[%get3A_22, %get3A_23] : memref<128x64xf32, #tpu.memory_space<vmem>>, vector<128x64xf32>
    %stack3A = vector.shape_cast %get3A_6 : vector<2048xf32> to vector<2048x1xf32>
    %stack3A_25 = vector.shape_cast %get3A_11 : vector<2048xf32> to vector<2048x1xf32>
    %stack3A_26 = vector.shape_cast %get3A_16 : vector<2048xf32> to vector<2048x1xf32>
    %stack3A_27 = vector.shape_cast %get3A_21 : vector<2048xf32> to vector<2048x1xf32>
    %stack3A_28 = tpu.concatenate %stack3A, %stack3A_25, %stack3A_26, %stack3A_27 in 1 : vector<2048x1xf32>, vector<2048x1xf32>, vector<2048x1xf32>, vector<2048x1xf32> -> vector<2048x4xf32>
    %broadcast_in_dim3A = vector.shape_cast %get3A_11 : vector<2048xf32> to vector<2048x1xf32>
    %mul3A = vector.broadcast %broadcast_in_dim3A : vector<2048x1xf32> to vector<2048x32xf32>
    %mul3A_29 = arith.mulf %convert_element_type3A, %mul3A : vector<2048x32xf32>
    %slice3A = vector.extract_strided_slice %get3A_24 {offsets = [0, 0], sizes = [32, 64], strides = [1, 1]} : vector<128x64xf32> to vector<32x64xf32>
    %dot_general3A = arith.constant dense<0.000000e+00> : vector<2048x64xf32>
    %dot_general3A_30 = tpu.matmul %mul3A_29, %slice3A, %dot_general3A {dimension_numbers = #tpu.dot_dimension_numbers<[1], [0], [0], [1], [0, 0, 1, 1], [], []>, transpose_lhs_hint = false} : vector<2048x32xf32>, vector<32x64xf32>, vector<2048x64xf32> -> vector<2048x64xf32>
    %broadcast_in_dim3A_31 = vector.shape_cast %get3A_21 : vector<2048xf32> to vector<2048x1xf32>
    %mul3A_32 = vector.broadcast %broadcast_in_dim3A_31 : vector<2048x1xf32> to vector<2048x32xf32>
    %mul3A_33 = arith.mulf %convert_element_type3A, %mul3A_32 : vector<2048x32xf32>
    %slice3A_34 = vector.extract_strided_slice %get3A_24 {offsets = [32, 0], sizes = [32, 64], strides = [1, 1]} : vector<128x64xf32> to vector<32x64xf32>
    %dot_general3A_35 = arith.constant dense<0.000000e+00> : vector<2048x64xf32>
    %dot_general3A_36 = tpu.matmul %mul3A_33, %slice3A_34, %dot_general3A_35 {dimension_numbers = #tpu.dot_dimension_numbers<[1], [0], [0], [1], [0, 0, 1, 1], [], []>, transpose_lhs_hint = false} : vector<2048x32xf32>, vector<32x64xf32>, vector<2048x64xf32> -> vector<2048x64xf32>
    %add3A = arith.addf %dot_general3A_30, %dot_general3A_36 : vector<2048x64xf32>
    %get3A_37 = arith.constant 0 : index
    %get3A_38 = arith.constant 0 : index
    %get3A_39 = arith.constant 0 : index
    %get3A_40 = vector.load %arg2[%get3A_37, %get3A_38, %get3A_39] : memref<1x2048x32xbf16, #tpu.memory_space<vmem>>, vector<1x2048x32xbf16>
    %get3A_41 = vector.shape_cast %get3A_40 : vector<1x2048x32xbf16> to vector<2048x32xbf16>
    %convert_element_type3A_42 = arith.extf %get3A_41 : vector<2048x32xbf16> to vector<2048x32xf32>
    %slice3A_43 = vector.extract_strided_slice %get3A_24 {offsets = [64, 0], sizes = [32, 64], strides = [1, 1]} : vector<128x64xf32> to vector<32x64xf32>
    %dot_general3A_44 = arith.constant dense<0.000000e+00> : vector<2048x64xf32>
    %dot_general3A_45 = tpu.matmul %convert_element_type3A_42, %slice3A_43, %dot_general3A_44 {dimension_numbers = #tpu.dot_dimension_numbers<[1], [0], [0], [1], [0, 0, 1, 1], [], []>, transpose_lhs_hint = false} : vector<2048x32xf32>, vector<32x64xf32>, vector<2048x64xf32> -> vector<2048x64xf32>
    %add3A_46 = arith.addf %add3A, %dot_general3A_45 : vector<2048x64xf32>
    %get3A_47 = arith.constant 0 : index
    %get3A_48 = arith.constant 0 : index
    %get3A_49 = arith.constant 0 : index
    %get3A_50 = vector.load %arg3[%get3A_47, %get3A_48, %get3A_49] : memref<1x2048x32xbf16, #tpu.memory_space<vmem>>, vector<1x2048x32xbf16>
    %get3A_51 = vector.shape_cast %get3A_50 : vector<1x2048x32xbf16> to vector<2048x32xbf16>
    %convert_element_type3A_52 = arith.extf %get3A_51 : vector<2048x32xbf16> to vector<2048x32xf32>
    %slice3A_53 = vector.extract_strided_slice %get3A_24 {offsets = [96, 0], sizes = [32, 64], strides = [1, 1]} : vector<128x64xf32> to vector<32x64xf32>
    %dot_general3A_54 = arith.constant dense<0.000000e+00> : vector<2048x64xf32>
    %dot_general3A_55 = tpu.matmul %convert_element_type3A_52, %slice3A_53, %dot_general3A_54 {dimension_numbers = #tpu.dot_dimension_numbers<[1], [0], [0], [1], [0, 0, 1, 1], [], []>, transpose_lhs_hint = false} : vector<2048x32xf32>, vector<32x64xf32>, vector<2048x64xf32> -> vector<2048x64xf32>
    %add3A_56 = arith.addf %add3A_46, %dot_general3A_55 : vector<2048x64xf32>
    %get3A_57 = arith.constant 0 : index
    %get3A_58 = arith.constant 0 : index
    %get3A_59 = vector.load %arg6[%get3A_57, %get3A_58] : memref<4x64xf32, #tpu.memory_space<vmem>>, vector<4x64xf32>
    %dot_general3A_60 = arith.constant dense<0.000000e+00> : vector<2048x64xf32>
    %dot_general3A_61 = tpu.matmul %stack3A_28, %get3A_59, %dot_general3A_60 {dimension_numbers = #tpu.dot_dimension_numbers<[1], [0], [0], [1], [0, 0, 1, 1], [], []>, transpose_lhs_hint = false} : vector<2048x4xf32>, vector<4x64xf32>, vector<2048x64xf32> -> vector<2048x64xf32>
    %add3A_62 = arith.addf %add3A_56, %dot_general3A_61 : vector<2048x64xf32>
    %get3A_63 = arith.constant 0 : index
    %get3A_64 = arith.constant 0 : index
    %get3A_65 = vector.load %arg7[%get3A_63, %get3A_64] : memref<1x64xf32, #tpu.memory_space<vmem>>, vector<1x64xf32>
    %add3A_66 = vector.broadcast %get3A_65 : vector<1x64xf32> to vector<2048x64xf32>
    %add3A_67 = arith.addf %add3A_62, %add3A_66 : vector<2048x64xf32>
    %get3A_68 = arith.constant 0 : index
    %get3A_69 = arith.constant 0 : index
    %get3A_70 = vector.load %arg8[%get3A_68, %get3A_69] : memref<64x64xf32, #tpu.memory_space<vmem>>, vector<64x64xf32>
    %dot_general3A_71 = arith.constant dense<0.000000e+00> : vector<2048x64xf32>
    %dot_general3A_72 = tpu.matmul %add3A_67, %get3A_70, %dot_general3A_71 {dimension_numbers = #tpu.dot_dimension_numbers<[1], [0], [0], [1], [0, 0, 1, 1], [], []>, transpose_lhs_hint = false} : vector<2048x64xf32>, vector<64x64xf32>, vector<2048x64xf32> -> vector<2048x64xf32>
    %get3A_73 = arith.constant 0 : index
    %get3A_74 = arith.constant 0 : index
    %get3A_75 = vector.load %arg9[%get3A_73, %get3A_74] : memref<1x64xf32, #tpu.memory_space<vmem>>, vector<1x64xf32>
    %add3A_76 = vector.broadcast %get3A_75 : vector<1x64xf32> to vector<2048x64xf32>
    %add3A_77 = arith.addf %dot_general3A_72, %add3A_76 : vector<2048x64xf32>
    %logistic3A = arith.negf %add3A_77 : vector<2048x64xf32>
    %logistic3A_78 = math.exp %logistic3A : vector<2048x64xf32>
    %logistic3A_79 = arith.constant 1.000000e+00 : f32
    %logistic3A_80 = vector.broadcast %logistic3A_79 : f32 to vector<2048x64xf32>
    %logistic3A_81 = arith.addf %logistic3A_80, %logistic3A_78 : vector<2048x64xf32>
    %logistic3A_82 = arith.divf %logistic3A_80, %logistic3A_81 : vector<2048x64xf32>
    %get3A_83 = arith.constant 0 : index
    %get3A_84 = arith.constant 0 : index
    %get3A_85 = vector.load %arg10[%get3A_83, %get3A_84] : memref<64x64xf32, #tpu.memory_space<vmem>>, vector<64x64xf32>
    %dot_general3A_86 = arith.constant dense<0.000000e+00> : vector<2048x64xf32>
    %dot_general3A_87 = tpu.matmul %add3A_67, %get3A_85, %dot_general3A_86 {dimension_numbers = #tpu.dot_dimension_numbers<[1], [0], [0], [1], [0, 0, 1, 1], [], []>, transpose_lhs_hint = false} : vector<2048x64xf32>, vector<64x64xf32>, vector<2048x64xf32> -> vector<2048x64xf32>
    %get3A_88 = arith.constant 0 : index
    %get3A_89 = arith.constant 0 : index
    %get3A_90 = vector.load %arg11[%get3A_88, %get3A_89] : memref<1x64xf32, #tpu.memory_space<vmem>>, vector<1x64xf32>
    %add3A_91 = vector.broadcast %get3A_90 : vector<1x64xf32> to vector<2048x64xf32>
    %add3A_92 = arith.addf %dot_general3A_87, %add3A_91 : vector<2048x64xf32>
    %mul3A_93 = arith.constant 2048 : i32
    %mul3A_94 = arith.muli %arg0, %mul3A_93 : i32
    %iota3A = tpu.iota {dimensions = array<i32: 0>} : vector<2048x1xi32>
    %add3A_95 = vector.broadcast %mul3A_94 : i32 to vector<2048x1xi32>
    %add3A_96 = arith.addi %add3A_95, %iota3A : vector<2048x1xi32>
    %lt3A = arith.constant 10000 : i32
    %lt3A_97 = vector.broadcast %lt3A : i32 to vector<2048x1xi32>
    %lt3A_98 = arith.cmpi slt, %add3A_96, %lt3A_97 : vector<2048x1xi32>
    %mul3A_99 = arith.mulf %logistic3A_82, %add3A_92 : vector<2048x64xf32>
    %jit3A = arith.constant 0.000000e+00 : f32
    %broadcast_in_dim3A_100 = vector.shape_cast %lt3A_98 : vector<2048x1xi1> to vector<2048x1xi1>
    %broadcast_in_dim3A_101 = vector.broadcast %broadcast_in_dim3A_100 : vector<2048x1xi1> to vector<2048x64xi1>
    %broadcast_in_dim3A_102 = vector.broadcast %jit3A : f32 to vector<2048x64xf32>
    %select_n3A = arith.select %broadcast_in_dim3A_101, %mul3A_99, %broadcast_in_dim3A_102 : vector<2048x64xi1>, vector<2048x64xf32>
    %reduce_sum3A = arith.constant dense<0.000000e+00> : vector<64xf32>
    %reduce_sum3A_103 = vector.multi_reduction <add>, %select_n3A, %reduce_sum3A [0] : vector<2048x64xf32> to vector<64xf32>
    %broadcast_in_dim3A_104 = vector.shape_cast %reduce_sum3A_103 : vector<64xf32> to vector<1x64xf32>
    %eq3A = arith.constant 0 : i32
    %eq3A_105 = arith.cmpi eq, %arg0, %eq3A : i32
    %convert_element_type3A_106 = arith.extui %eq3A_105 : i1 to i32
    %cond3A = arith.constant 0 : i32
    %cond3A_107 = arith.cmpi ne, %convert_element_type3A_106, %cond3A : i32
    scf.if %cond3A_107 {
      %broadcast_in_dim3A_114 = arith.constant 0.000000e+00 : f32
      %broadcast_in_dim3A_115 = vector.broadcast %broadcast_in_dim3A_114 : f32 to vector<1x64xf32>
      %swap3A_116 = arith.constant 0 : index
      %swap3A_117 = arith.constant 0 : index
      %swap3A_118 = vector.load %arg12[%swap3A_116, %swap3A_117] : memref<1x64xf32, #tpu.memory_space<vmem>>, vector<1x64xf32>
      tpu.vector_store %arg12[%swap3A_116, %swap3A_117], %broadcast_in_dim3A_115 {strides = array<i32>} : memref<1x64xf32, #tpu.memory_space<vmem>>, vector<1x64xf32>,
    } else {
    }
    %get3A_108 = arith.constant 0 : index
    %get3A_109 = arith.constant 0 : index
    %get3A_110 = vector.load %arg12[%get3A_108, %get3A_109] : memref<1x64xf32, #tpu.memory_space<vmem>>, vector<1x64xf32>
    %add3A_111 = arith.addf %get3A_110, %broadcast_in_dim3A_104 : vector<1x64xf32>
    %swap3A = arith.constant 0 : index
    %swap3A_112 = arith.constant 0 : index
    %swap3A_113 = vector.load %arg12[%swap3A, %swap3A_112] : memref<1x64xf32, #tpu.memory_space<vmem>>, vector<1x64xf32>
    tpu.vector_store %arg12[%swap3A, %swap3A_112], %add3A_111 {strides = array<i32>} : memref<1x64xf32, #tpu.memory_space<vmem>>, vector<1x64xf32>,
    return
  }
  func.func @transform_0(%arg0: i32) -> (i32, i32) {
    %c0_i32 = arith.constant 0 : i32
    %c0_i32_0 = arith.constant 0 : i32
    return %arg0, %c0_i32 : i32, i32
  }
  func.func @transform_1(%arg0: i32) -> (i32, i32, i32) {
    %c0_i32 = arith.constant 0 : i32
    %c0_i32_0 = arith.constant 0 : i32
    %c0_i32_1 = arith.constant 0 : i32
    return %c0_i32, %arg0, %c0_i32_0 : i32, i32, i32
  }
  func.func @transform_2(%arg0: i32) -> (i32, i32, i32) {
    %c1_i32 = arith.constant 1 : i32
    %c0_i32 = arith.constant 0 : i32
    %c0_i32_0 = arith.constant 0 : i32
    return %c1_i32, %arg0, %c0_i32 : i32, i32, i32
  }
  func.func @transform_3(%arg0: i32) -> (i32, i32, i32) {
    %c0_i32 = arith.constant 0 : i32
    %c0_i32_0 = arith.constant 0 : i32
    %c0_i32_1 = arith.constant 0 : i32
    return %c0_i32, %c0_i32_0, %arg0 : i32, i32, i32
  }
  func.func @transform_4(%arg0: i32) -> (i32, i32) {
    %c0_i32 = arith.constant 0 : i32
    %c0_i32_0 = arith.constant 0 : i32
    %c0_i32_1 = arith.constant 0 : i32
    return %c0_i32, %c0_i32_0 : i32, i32
  }
  func.func @transform_5(%arg0: i32) -> (i32, i32) {
    %c0_i32 = arith.constant 0 : i32
    %c0_i32_0 = arith.constant 0 : i32
    %c0_i32_1 = arith.constant 0 : i32
    return %c0_i32, %c0_i32_0 : i32, i32
  }
  func.func @transform_6(%arg0: i32) -> (i32, i32) {
    %c0_i32 = arith.constant 0 : i32
    %c0_i32_0 = arith.constant 0 : i32
    %c0_i32_1 = arith.constant 0 : i32
    return %c0_i32, %c0_i32_0 : i32, i32
  }
  func.func @transform_7(%arg0: i32) -> (i32, i32) {
    %c0_i32 = arith.constant 0 : i32
    %c0_i32_0 = arith.constant 0 : i32
    %c0_i32_1 = arith.constant 0 : i32
    return %c0_i32, %c0_i32_0 : i32, i32
  }
  func.func @transform_8(%arg0: i32) -> (i32, i32) {
    %c0_i32 = arith.constant 0 : i32
    %c0_i32_0 = arith.constant 0 : i32
    %c0_i32_1 = arith.constant 0 : i32
    return %c0_i32, %c0_i32_0 : i32, i32
  }
  func.func @transform_9(%arg0: i32) -> (i32, i32) {
    %c0_i32 = arith.constant 0 : i32
    %c0_i32_0 = arith.constant 0 : i32
    %c0_i32_1 = arith.constant 0 : i32
    return %c0_i32, %c0_i32_0 : i32, i32
  }
  func.func @transform_10(%arg0: i32) -> (i32, i32) {
    %c0_i32 = arith.constant 0 : i32
    %c0_i32_0 = arith.constant 0 : i32
    %c0_i32_1 = arith.constant 0 : i32
    return %c0_i32, %c0_i32_0 : i32, i32
  }
  func.func @transform_11(%arg0: i32) -> (i32, i32) {
    %c0_i32 = arith.constant 0 : i32
    %c0_i32_0 = arith.constant 0 : i32
    %c0_i32_1 = arith.constant 0 : i32
    return %c0_i32, %c0_i32_0 : i32, i32
  }
}

</mosaic_0001>

<sc_bundles>
// kernel: kernel.4.cloned.1.call-start
scs
__scs_entry_jumppad:
0x0: {  	(pc) =	sbr.rel $0x88, $3  }
0x1: {  	(tag) =	ssettag $0x0;
	lr =	simm.s32 $0x1  }
0x2: {  	[smem:$0x3F7E] =	sst lr;
	_ =	strace $0xD0000000  }
0x3: {  	_ = 	snop  }
0x4: {  	_ = 	snop  }
0x5: {  	_ = 	snop  }
0x6: {  	_ = 	snop  }
0x7: {  	_ = 	snop  }
__scs_overlays_trampoline_lowered:
0x8: {  	[smem:$0x3F8D] =	sst s0  }
0x9: {  	[smem:$0x3F8E] =	sst s1  }
0xa: {  	[smem:$0x3F8F] =	sst s2  }
0xb: {  	[smem:$0x3F90] =	sst s3  }
0xc: {  	[smem:$0x3F91] =	sst s4  }
0xd: {  	[smem:$0x3F92] =	sst s5  }
0xe: {  	[smem:$0x3F93] =	sst s6  }
0xf: {  	[smem:$0x3F94] =	sst s7  }
0x10: {  	[smem:$0x3F95] =	sst s8  }
0x11: {  	[smem:$0x3F96] =	sst s9;
	s0 =	simm.s32 @!p0 $0x0  }
0x12: {  	s1 =	sld [smem:$0x3F7C];
	s0 =	simm.s32 @p0 $0x1  }
0x13: {  	[smem:$0x3F97] =	sst s0;
	s0 =	simm.s32 @!p1 $0x0  }
0x14: {  	s2 =	sld [smem:$0x3F7B];
	s0 =	simm.s32 @p1 $0x1  }
0x15: {  	[smem:$0x3F98] =	sst s0;
	s0 =	simm.s32 @!p2 $0x0  }
0x16: {  	s3 =	sld [smem:$0x3FDB];
	s0 =	simm.s32 @p2 $0x1  }
0x17: {  	s4 =	simm.s32 $0x1BF5;
	[smem:$0x3F9A] =	sst s0  }
0x18: {  	s0 =	sld [smem:$0x3F7D];
	_ =	swait.ge [sflag:s4], $0x0  }
0x19: {  	s7 =	sld [smem:$0x3F7E]  }
0x1a: {  	s8 =	sadd.s32 $0xFFFFE003, lr  }
0x1b: {  	s9 =	sadd.s32 $0xFFFFFEF7, lr;
	s5 =	simm.s32 $0xFFFFFFFF;
	p2 =	slt.u32 s8, $0xFFFFF086  }
0x1c: {  	p1 =	slt.u32 s9, $0xF7A;
	s5 =	simm.s32 @!p2 $0x0  }
0x1d: {  	s5 =	simm.s32 @p1 $0x1;
	p0 =	seq.s32 s7, s2  }
0x1e: {  	s7 =	smul.u32 @!p0 $0xF7A, s2;
	p2 =	seq.s32 @!p0 s5, $0x0  }
0x1f: {  	s9 =	smul.u32 $0xF7A, s1;
	s8 =	simm.s32 @!p0 $0x1BF5;
	p2 =	por !p2, p0  }
0x20: {  	[sflag:s8] =	ssyncset.s32 @!p0 $0xFFFFF086;
	s6 =	sadd.s32 @!p0 s3, s7;
	s7 =	simm.s32 @!p0 $0x108  }
0x21: {  	s3 =	sadd.s32 s3, s9;
	s6 =	sadd.s32 @!p0 $0x88, s6;
	s7 =	simm.s32 @p2 $0x1082  }
0x22: {  	[simem:s7], [sflag:s8] =	dma.local @!p0 [hbm:s6], $0xF7A  }
0x23: {  	s9 =	sor.u32 $0xD0000000, s2;
	s6 =	simm.s32 $0x108;
	_ =	swait.ge @!p0 [sflag:s8], $0x0  }
0x24: {  	s3 =	sadd.s32 $0x88, s3;
	s6 =	simm.s32 @!p1 $0x1082;
	[sflag:s4] =	ssyncset.s32 $0xFFFFF086  }
0x25: {  	[simem:s6], [sflag:s4] =	dma.local [hbm:s3], $0xF7A  }
0x26: {  	[smem:$0x3F7E] =	sst s1;
	(tag) =	ssettag s2;
	_ =	strace s9  }
0x27: {  	s1 =	sld [smem:$0x3F8E]  }
0x28: {  	s2 =	sld [smem:$0x3F8F]  }
0x29: {  	s4 =	sld [smem:$0x3F91]  }
0x2a: {  	p0 =	seq.s32 s5, $0x0;
	s5 =	sld [smem:$0x3F92]  }
0x2b: {  	s6 =	sld [smem:$0x3F93]  }
0x2c: {  	s7 =	sld [smem:$0x3F94]  }
0x2d: {  	s3 =	simm.s32 $0x108;
	s8 =	sld [smem:$0x3F95]  }
0x2e: {  	s3 =	simm.s32 @!p0 $0x1082;
	s9 =	sld [smem:$0x3F96]  }
0x2f: {  	lr =	sadd.s32 s0, s3;
	s0 =	sld [smem:$0x3F8D]  }
0x30: {  	s3 =	sld [smem:$0x3F90]  }
0x31: {  	[smem:$0x3F99] =	sst s10  }
0x32: {  	s10 =	sld [smem:$0x3F97];
	_ =	sdelay $0x3  }
0x33: {  	p0 =	seq.s32 s10, $0x1;
	s10 =	sld [smem:$0x3F99];
	_ =	sdelay $0x3  }
0x34: {  	[smem:$0x3F99] =	sst s10  }
0x35: {  	s10 =	sld [smem:$0x3F98];
	_ =	sdelay $0x3  }
0x36: {  	p1 =	seq.s32 s10, $0x1;
	s10 =	sld [smem:$0x3F99];
	_ =	sdelay $0x3  }
0x37: {  	[smem:$0x3F99] =	sst s10  }
0x38: {  	s10 =	sld [smem:$0x3F9A]  }
0x39: {  	_ = 	snop;
	(pc) =	sbr.ind lr, $3  }
0x3a: {  	_ = 	snop  }
0x3b: {  	_ = 	snop  }
0x3c: {  	p2 =	seq.s32 s10, $0x1;
	s10 =	sld [smem:$0x3F99]  }
0x3d: {  	_ =	shalt  }
0x3e: {  	_ =	shalt  }
0x3f: {  	_ =	shalt  }
0x40: {  	_ =	shalt  }
0x41: {  	_ =	shalt  }
0x42: {  	_ =	shalt  }
0x43: {  	_ =	shalt  }
0x44: {  	_ =	shalt  }
0x45: {  	_ =	shalt  }
0x46: {  	_ =	shalt  }
0x47: {  	_ =	shalt  }
0x48: {  	_ =	shalt  }
0x49: {  	_ =	shalt  }
0x4a: {  	_ =	shalt  }
0x4b: {  	_ =	shalt  }
0x4c: {  	_ =	shalt  }
0x4d: {  	_ =	shalt  }
0x4e: {  	_ =	shalt  }
0x4f: {  	_ =	shalt  }
0x50: {  	_ =	shalt  }
0x51: {  	_ =	shalt  }
0x52: {  	_ =	shalt  }
0x53: {  	_ =	shalt  }
0x54: {  	_ =	shalt  }
0x55: {  	_ =	shalt  }
0x56: {  	_ =	shalt  }
0x57: {  	_ =	shalt  }
0x58: {  	_ =	shalt  }
0x59: {  	_ =	shalt  }
0x5a: {  	_ =	shalt  }
0x5b: {  	_ =	shalt  }
0x5c: {  	_ =	shalt  }
0x5d: {  	_ =	shalt  }
0x5e: {  	_ =	shalt  }
0x5f: {  	_ =	shalt  }
0x60: {  	_ =	shalt  }
0x61: {  	_ =	shalt  }
0x62: {  	_ =	shalt  }
0x63: {  	_ =	shalt  }
0x64: {  	_ =	shalt  }
0x65: {  	_ =	shalt  }
0x66: {  	_ =	shalt  }
0x67: {  	_ =	shalt  }
0x68: {  	_ =	shalt  }
0x69: {  	_ =	shalt  }
0x6a: {  	_ =	shalt  }
0x6b: {  	_ =	shalt  }
0x6c: {  	_ =	shalt  }
0x6d: {  	_ =	shalt  }
0x6e: {  	_ =	shalt  }
0x6f: {  	_ =	shalt  }
0x70: {  	_ =	shalt  }
0x71: {  	_ =	shalt  }
0x72: {  	_ =	shalt  }
0x73: {  	_ =	shalt  }
0x74: {  	_ =	shalt  }
0x75: {  	_ =	shalt  }
0x76: {  	_ =	shalt  }
0x77: {  	_ =	shalt  }
0x78: {  	_ =	shalt  }
0x79: {  	_ =	shalt  }
0x7a: {  	_ =	shalt  }
0x7b: {  	_ =	shalt  }
0x7c: {  	_ =	shalt  }
0x7d: {  	_ =	shalt  }
0x7e: {  	_ =	shalt  }
0x7f: {  	_ =	shalt  }
0x80: {  	_ =	shalt  }
0x81: {  	_ =	shalt  }
0x82: {  	_ =	shalt  }
0x83: {  	_ =	shalt  }
0x84: {  	_ =	shalt  }
0x85: {  	_ =	shalt  }
0x86: {  	_ =	shalt  }
0x87: {  	_ =	shalt  }
.Lfunc_end0:
.L_simem_size_0:
called_computation_lowered:
.L_overlay_start_0:
0x88: {  	s2 =	sld [smem:$0x3FD9]  }
0x89: {  	s3 =	sld [smem:$0x3FFE];
	_ =	sdelay $0x1  }
0x8a: {  	s1 =	srdreg.scid  }
0x8b: {  	s0 =	sand.u32 $0x1, s1  }
0x8c: {  	s17 =	sshll.u32 s0, $0xA;
	s2 =	sadd.s32 s3, s2  }
0x8d: {  	s2 =	sadd.s32 s2, s17  }
0x8e: {  	[smem:$0x3FA5] =	sst s2  }
0x8f: {  	_ = 	snop  }
0x90: {  	s2 =	sld [smem:$0x3FC8];
	(tm) =	ssettm $0x1  }
0x91: {  	s18 =	sld [smem:$0x3FFB];
	_ =	sdelay $0x3  }
0x92: {  	_ =	strace s18  }
0x93: {  	s3 =	sld [smem:$0x3FFC];
	_ =	sdelay $0x3  }
0x94: {  	_ =	strace s3  }
0x95: {  	s3 =	sld [smem:$0x3FFD];
	_ =	sdelay $0x3  }
0x96: {  	_ =	strace s3  }
0x97: {  	_ =	strace $0x8FFFFFFF  }
0x98: {  	s19 =	sld [smem:$0x3FDB];
	_ =	sdelay $0x1  }
0x99: {  	s4 =	simm.s32 $_scs_section_size  }
0x9a: {  	s5 =	simm.s32 $_size__tile_overlayer_lowered;
	s6 =	simm.s32 $_tile_overlayer_lowered  }
0x9b: {  	s22 =	simm.s32 $0x1BFF;
	s21 =	sshll.u32 s6, $0x1;
	s3 =	sadd.s32 s4, s19  }
0x9c: {  	s7 =	simm.s32 $0x0;
	s20 =	sshll.u32 s5, $0x1;
	s5 =	sadd.s32 s21, s3  }
0x9d: {  	[timem:s7], [sflag:s22] =	dma.local [hbm:s5], s20  }
0x9e: {  	_ =	swait.ge [sflag:s22], s20  }
0x9f: {  	s4 =	ssub.s32 $0x0, s20;
	[sflag:s22] =	ssyncset.done $0x0  }
0xa0: {  	[sflag:s22] =	ssyncadd.s32 s4;
	_ =	sdelay $0x1  }
0xa1: {  	s23 =	simm.s32 $0x1B8B  }
0xa2: {  	_ =	swait.ge [sflag:s23], $0x1  }
0xa3: {  	[sflag:s23] =	ssyncset.done $0x0  }
0xa4: {  	s25 =	simm.s32 $0x1B8E;
	s24 =	sld [smem:$0x3FFE];
	[sflag:s23] =	ssyncadd.s32 $0xFFFFFFFF  }
0xa5: {  	s26 =	simm.s32 $execute0_lowered;
	[smem:$0x3FD2] =	sst s25  }
0xa6: {  	s5 =	sshll.u32 s26, $0x1;
	_ =	strace $0x80000046;
	[dreg:$0x1] =	wrdreg $0xFFFFFFFF  }
0xa7: {  	s28 =	simm.s32 $_size_execute0_lowered;
	s3 =	sadd.s32 s3, s5;
	[dreg:$0x0] =	wrdreg $0x0  }
0xa8: {  	s5 =	sshll.u32 s28, $0x1;
	[dreg:$0x2] =	wrdreg s3  }
0xa9: {  	[dreg:$0x3] =	wrdreg s5  }
0xaa: {  	[dreg:$0x4] =	wrdreg $0xC0  }
0xab: {  	_ =	task [dreg:s7], $0x5FFFF  }
0xac: {  	[dreg:$0x1] =	wrdreg $0xFFFFFFFF  }
0xad: {  	[dreg:$0x0] =	wrdreg $0x60  }
0xae: {  	[dreg:$0x2] =	wrdreg s24  }
0xaf: {  	[dreg:$0x3] =	wrdreg s2  }
0xb0: {  	[dreg:$0x4] =	wrdreg $0x161000  }
0xb1: {  	[dreg:$0x5] =	wrdreg $0x189000  }
0xb2: {  	[dreg:$0x6] =	wrdreg $0x9  }
0xb3: {  	_ =	task.clear_ibuf [dreg:s7], $0x7FFFF;
	_ =	strace $0x90000046  }
0xb4: {  	s29 =	simm.s32 $0x9;
	_ =	strace $0x80000048  }
0xb5: {  	_ =	swait.ge [sflag:s29], $0x1  }
0xb6: {  	[sflag:s29] =	ssyncadd.s32 $0xFFFFFFFF  }
0xb7: {  	_ =	strace $0x90000048  }
0xb8: {  	_ =	sfence  }
0xb9: {  	s30 =	sld [smem:$0x0];
	_ =	sdelay $0x2  }
0xba: {  	s31 =	sshll.u32 s1, $0xD;
	s1 =	sshrl.u32 s1, $0x2  }
0xbb: {  	s3 =	sand.u32 $0x4000, s31;
	s1 =	sadd.s32 s1, s30  }
0xbc: {  	s0 =	sor.u32 s3, s0;
	s1 =	sshll.u32 s1, $0x11  }
0xbd: {  	s0 =	sor.u32 s1, s0  }
0xbe: {  	s0 =	sadd.s32 $0x8F2B, s0  }
0xbf: {  	[sflag:s0] =	ssyncadd.remote.s32 $0x1  }
0xc0: {  	_ =	sfence.sel $0xFFFF  }
0xc1: {  	[dreg:$0x0] =	wrdreg $0xFFFFFFFF;
	(pc) =	sbr.abs _section_cstart, $3  }
0xc2: {  	[dreg:$0x1] =	wrdreg $0xFFFFFFFF  }
0xc3: {  	_ =	task.clear_ibuf [dreg:s7], $0x2FFFF;
	_ =	strace $0x9FFFFFFF  }
0xc4: {  	(tm) =	ssettm $0x7FFFFFFF  }
0xc5: {  	_ =	shalt  }
tec
execute0_lowered:
.L_overlay_start_1:
0x0: {  	(tag) =	ssettag $0x1  }
0x1: {  	s0 =	rddreg [dreg:$0x0]  }
0x2: {  	s1 =	rddreg [dreg:$0x1]  }
0x3: {  	s2 =	rddreg [dreg:$0x2]  }
0x4: {  	s3 =	srdreg.scid;
	s26 =	stileid.u32  }
0x5: {  	s5 =	rddreg [dreg:$0x3];
	s28 =	simm.s32 $0x400;
	s31 =	simm.s32 $0x1  }
0x6: {  	s29 =	simm.s32 $0x2800;
	s30 =	simm.s32 $0x0;
	s10 =	smul.u32 $0x5000, s26  }
0x7: {  	s7 =	sand.u32 $0x1, s3;
	s3 =	simm.s32 $0x0;
	s11 =	smul.u32 $0x280, s26  }
0x8: {  	s4 =	sadd.s32 $0x4200, s0;
	s13 =	sadd.s32 $0x9200, s0;
	s9 =	sadd.s32 $0xE200, s0  }
0x9: {  	s21 =	sshll.u32 s26, $0x6;
	p0 =	slt.u32 s26, $0xE;
	s6 =	smul.u32 $0x50000, s7  }
0xa: {  	s25 =	sadd.s32 $0x2700, s1;
	[smem:$0x7FF] =	sst s3;
	s8 =	smul.u32 $0x5000, s7  }
0xb: {  	s18 =	ssub.s32 $0x2, s7;
	s16 =	smul.u32 $0x13880, s7;
	s7 =	sxor.u32 $0x1, s7  }
0xc: {  	_ =	strace $0x80000047;
	[dreg:$0x5] =	wrdreg s9;
	s19 =	sshrl.u32 s18, $0x1  }
0xd: {  	s12 =	sshrl.u32 s10, $0x1;
	s7 =	smul.u32 $0x13880, s7;
	[dreg:$0x9] =	wrdreg s25  }
0xe: {  	s17 =	sadd.s32 s10, s6;
	s6 =	sadd.s32 $0xE800, s0;
	s8 =	sadd.s32 s11, s8  }
0xf: {  	s15 =	ssub.s32 s18, s19;
	s20 =	sadd.s32 s12, s2;
	s12 =	smul.u32 $0x1400, s26  }
0x10: {  	s18 =	sshrl.u32 s16, $0x3;
	s9 =	sshrl.u32 s17, $0x4;
	s8 =	sshrl.u32 s8, $0x3  }
0x11: {  	[dreg:$0x6] =	wrdreg s20;
	s17 =	sshll.u32 s26, $0xC;
	s19 =	sshrl.u32 s7, $0x3  }
0x12: {  	s22 =	sadd.s32 s13, s18;
	s20 =	smax.u32 s15, $0x1;
	s14 =	sadd.s32 s9, s0  }
0x13: {  	s0 =	sadd.s32 s8, s0;
	s8 =	sor.u32 $0x1C04, s21;
	s9 =	simm.s32 $0x5  }
0x14: {  	s17 =	sadd.s32 $0x3800, s17;
	s23 =	sadd.s32 s13, s19;
	[dreg:$0xe] =	wrdreg s20  }
0x15: {  	s9 =	simm.s32 @!p0 $0x4;
	s17 =	smov.u32 @p0 s12;
	s12 =	sadd.s32 $0x2700, s22  }
0x16: {  	s24 =	sadd.s32 $0x2700, s23;
	s0 =	sadd.s32 $0x18E00, s0;
	[dreg:$0x7] =	wrdreg s12  }
0x17: {  	s19 =	sadd.s32 $0xEE00, s14;
	p0 =	sne.s32 s26, $0xF;
	[dreg:$0x8] =	wrdreg s24  }
0x18: {  	s26 =	simm.s32 $0x3;
	s12 =	sadd.s32 s10, s5;
	[dreg:$0xc] =	wrdreg s0  }
0x19: {  	s5 =	sadd.s32 s11, s5;
	[dreg:$0xd] =	wrdreg s19;
	s21 =	sshrl.u32 s17, $0x3  }
0x1a: {  	s22 =	sadd.s32 s7, s17;
	s23 =	sadd.s32 s16, s17;
	s18 =	sadd.s32 $0x2800, s12  }
0x1b: {  	[dreg:$0xb] =	wrdreg s5;
	s24 =	sshrl.u32 s22, $0x3;
	s25 =	sshrl.u32 s23, $0x3  }
0x1c: {  	s22 =	sshll.u32 s9, $0x10;
	s23 =	simm.s32 $0x4;
	[dreg:$0xa] =	wrdreg s18  }
0x1d: {  	s18 =	sadd.s32 s21, s1;
	s20 =	sadd.s32 s24, s13;
	s21 =	sadd.s32 s25, s13  }
0x1e: {  	v0 =	vimm.f32 $1.000000000e+00;
	s24 =	simm.s32 $0xBC00;
	s25 =	simm.s32 $0xE400;
	s1 =	simm.s32 $0x2  }
.LBB2_1:
0x1f: {  	s0 =	rddreg [dreg:$0x6]  }
0x20: {  	s19 =	rddreg [dreg:$0x5];
	s5 =	sshrl.u32 s0, $0x3  }
0x21: {  	[spmem:s5], [sflag:s8] =	dma.local [hbm:s19], $0x500  }
0x22: {  	_ =	swait.ge [sflag:s23], $0x500  }
0x23: {  	[sflag:s23] =	ssyncset.done $0x0  }
0x24: {  	[sflag:s23] =	ssyncadd.s32 $0xFFFFFB00  }
0x25: {  	[tilespmem:s24], [sflag:$0x4] =	stream.linear.gather [hbm4b:s6+s3], $0x2800, $0x38;
	[tilespmem:$0x1D900] =	vst v63  }
0x26: {  	_ =	swait.ge [sflag:s23], $0x2800  }
0x27: {  	[sflag:s23] =	ssyncset.done $0x0  }
0x28: {  	[sflag:s23] =	ssyncadd.s32 $0xFFFFD800  }
0x29: {  	[tilespmem:s25], [sflag:$0x4] =	stream.linear.gather [hbm4b:s6+s3], $0x2800, $0x38;
	[tilespmem:$0x1D900] =	vst v63  }
0x2a: {  	s11 =	simm.s32 $0x1400;
	p1 =	sne.s32 s9, $0x1;
	_ =	swait.ge [sflag:s23], $0x2800  }
0x2b: {  	s7 =	sadd.s32 $0xFFFFFFFF, s9;
	s10 =	simm.s32 $0x400;
	[sflag:s23] =	ssyncset.done $0x0  }
.Ltmp0:
0x2c: {  	s13 =	simm.s32 $0x2C00;
	[sflag:s23] =	ssyncadd.s32 $0xFFFFD800;
	(pc) =	sbr.rel @!p1 .LBB2_3-.Ltmp0, $4  }
0x2d: {  	[tilespmem:s3], [sflag:$0x3] =	stream.linear.gather [hbm4b:s21+s3], $0x400, $0x38;
	[tilespmem:$0x1D900] =	vst v63  }
0x2e: {  	s14 =	sadd.s32 $0x80, s18;
	s15 =	sadd.s32 $0x80, s20;
	s16 =	sadd.s32 $0x80, s21  }
0x2f: {  	[tilespmem:s11], [sflag:$0x3] =	stream.linear.gather [hbm4b:s20+s3], $0x400, $0x38;
	[tilespmem:$0x1D900] =	vst v63  }
0x30: {  	s17 =	simm.s32 $0x2800;
	s19 =	smov.u32 s18;
	s11 =	simm.s32 $0x1800  }
.LBB2_2:
0x31: {  	[tilespmem:s17], [sflag:$0x3] =	stream.linear.gather [hbm4b:s19+s3], $0x400, $0x38;
	[tilespmem:$0x1D900] =	vst v63  }
0x32: {  	s0 =	smov.u32 s11  }
0x33: {  	s17 =	smov.u32 s13;
	s19 =	smov.u32 s14;
	p2 =	sne.s32 s7, $0x1  }
.Ltmp1:
0x34: {  	s7 =	sadd.s32 $0xFFFFFFFF, s7;
	(pc) =	sbr.rel @p2 .LBB2_2-.Ltmp1, $4  }
0x35: {  	[tilespmem:s10], [sflag:$0x3] =	stream.linear.gather [hbm4b:s16+s3], $0x400, $0x38;
	[tilespmem:$0x1D900] =	vst v63  }
0x36: {  	s11 =	sadd.s32 $0x400, s11;
	s13 =	sadd.s32 $0x400, s13;
	s10 =	sadd.s32 $0x400, s10  }
0x37: {  	[tilespmem:s0], [sflag:$0x3] =	stream.linear.gather [hbm4b:s15+s3], $0x400, $0x38;
	[tilespmem:$0x1D900] =	vst v63  }
0x38: {  	s14 =	sadd.s32 $0x80, s14;
	s16 =	sadd.s32 $0x80, s16;
	s15 =	sadd.s32 $0x80, s15  }
.LBB2_3:
0x39: {  	[tilespmem:s17], [sflag:$0x3] =	stream.linear.gather [hbm4b:s19+s3], $0x400, $0x38;
	[tilespmem:$0x1D900] =	vst v63  }
0x3a: {  	s0 =	simm.s32 @!p0 $0x0;
	s7 =	simm.s32 @!p0 $0x1000;
	s10 =	rddreg [dreg:$0x7]  }
0x3b: {  	[tilespmem:s7], [sflag:$0x3] =	stream.linear.gather @!p0 [hbm4b:s10+s0], $0x80, $0x38;
	[tilespmem:$0x1D900] =	vst v63  }
0x3c: {  	s7 =	simm.s32 @!p0 $0x2400;
	s10 =	rddreg [dreg:$0x8]  }
0x3d: {  	[tilespmem:s7], [sflag:$0x3] =	stream.linear.gather @!p0 [hbm4b:s10+s0], $0x80, $0x38;
	[tilespmem:$0x1D900] =	vst v63  }
0x3e: {  	s7 =	simm.s32 @!p0 $0x3800;
	s10 =	rddreg [dreg:$0x9]  }
0x3f: {  	[tilespmem:s7], [sflag:$0x3] =	stream.linear.gather @!p0 [hbm4b:s10+s0], $0x80, $0x38;
	[tilespmem:$0x1D900] =	vst v63  }
0x40: {  	_ =	swait.ge [sflag:s26], $0x400  }
0x41: {  	[sflag:s26] =	ssyncset.done $0x0  }
0x42: {  	[sflag:s26] =	ssyncadd.s32 $0xFFFFFC00  }
.Ltmp2:
0x43: {  	_ =	swait.ge [sflag:s26], $0x400;
	(pc) =	sbr.rel @!p1 .LBB2_5-.Ltmp2, $4  }
0x44: {  	[sflag:s26] =	ssyncset.done $0x0  }
0x45: {  	[sflag:s26] =	ssyncadd.s32 $0xFFFFFC00  }
0x46: {  	_ =	swait.ge [sflag:s26], $0x400  }
0x47: {  	s7 =	sadd.s32 $0xFFFFFFFF, s9;
	[sflag:s26] =	ssyncset.done $0x0  }
.LBB2_4:
0x48: {  	p1 =	sne.s32 s7, $0x1;
	s7 =	sadd.s32 $0xFFFFFFFF, s7;
	[sflag:s26] =	ssyncadd.s32 $0xFFFFFC00  }
0x49: {  	_ =	swait.ge [sflag:s26], $0x400  }
0x4a: {  	[sflag:s26] =	ssyncset.done $0x0  }
0x4b: {  	[sflag:s26] =	ssyncadd.s32 $0xFFFFFC00  }
.Ltmp3:
0x4c: {  	_ =	swait.ge [sflag:s26], $0x400;
	(pc) =	sbr.rel @p1 .LBB2_4-.Ltmp3, $4  }
0x4d: {  	[sflag:s26] =	ssyncset.done $0x0  }
0x4e: {  	[sflag:s26] =	ssyncadd.s32 $0xFFFFFC00  }
0x4f: {  	_ =	swait.ge [sflag:s26], $0x400  }
0x50: {  	[sflag:s26] =	ssyncset.done $0x0  }
.LBB2_5:
0x51: {  	[sflag:s26] =	ssyncadd.s32 $0xFFFFFC00;
	s0 =	simm.s32 @!p0 $0x3  }
0x52: {  	_ =	swait.ge @!p0 [sflag:s0], $0x80  }
0x53: {  	[sflag:s0] =	ssyncset.done @!p0 $0x0  }
0x54: {  	[sflag:s0] =	ssyncadd.s32 @!p0 $0xFFFFFF80  }
0x55: {  	_ =	swait.ge @!p0 [sflag:s0], $0x80  }
0x56: {  	[sflag:s0] =	ssyncset.done @!p0 $0x0  }
0x57: {  	[sflag:s0] =	ssyncadd.s32 @!p0 $0xFFFFFF80  }
0x58: {  	_ =	swait.ge @!p0 [sflag:s0], $0x80  }
0x59: {  	[sflag:s0] =	ssyncset.done @!p0 $0x0  }
0x5a: {  	s7 =	simm.s32 $0x0;
	s17 =	simm.s32 $0x3C00;
	[sflag:s0] =	ssyncadd.s32 @!p0 $0xFFFFFF80  }
0x5b: {  	s19 =	simm.s32 $0x7C00;
	s10 =	simm.s32 $0x800;
	[bflag:$0x0] =	sbarrier.arrive $0xFFFF  }
0x5c: {  	[tilespmem:s17], [sflag:$0x1] =	stream.indirect.gather [hbm4b:s4+s28], $0x10, s7, s28, $0xb8;
	[tilespmem:$0x1D900] =	vst v63  }
0x5d: {  	s11 =	simm.s32 $0x2;
	s13 =	simm.s32 $0x1400;
	s14 =	simm.s32 $0x2A00  }
0x5e: {  	[tilespmem:s19], [sflag:$0x1] =	stream.indirect.gather [hbm4b:s4+s28], $0x10, s28, s28, $0xb8;
	[tilespmem:$0x1D900] =	vst v63  }
.LBB2_6:
0x5f: {  	_ =	swait.ge [sflag:s31], $0x4000;
	s0 =	sand.u32 $0x10000, s7  }
0x60: {  	[sflag:s31] =	ssyncset.done $0x0;
	s0 =	sshrl.u32 s0, $0x2  }
0x61: {  	[sflag:s31] =	ssyncadd.s32 $0xFFFFC000;
	s15 =	sor.u32 $0x3C00, s0  }
0x62: {  	[spmem:s2] =	stream.indirect.scatter.add.bf16 [tilespmem:s15], [sflag:$0x2], $0x10, s13, s28, $0xb8;
	[tilespmem:$0x1D900] =	vst v63  }
0x63: {  	v1 =	vld [tilespmem:s13+$0x0];
	_ =	sdelay $0x2  }
0x64: {  	v2 =	vld [tilespmem:s14+$0xFFFFFE00];
	_ =	sdelay $0x4  }
0x65: {  	[tilespmem:v1+s24+$0x0] =	vst.idx.add.f32.msk $0xffff, v2  }
0x66: {  	[tilespmem:v1+s25+$0x0] =	vst.idx.add.f32.msk $0xffff, v0  }
0x67: {  	v1 =	vld [tilespmem:s13+$0x10];
	_ =	sdelay $0x2  }
0x68: {  	v2 =	vld [tilespmem:s14+$0xFFFFFE10];
	_ =	sdelay $0x4  }
0x69: {  	[tilespmem:v1+s24+$0x0] =	vst.idx.add.f32.msk $0xffff, v2  }
0x6a: {  	[tilespmem:v1+s25+$0x0] =	vst.idx.add.f32.msk $0xffff, v0  }
0x6b: {  	v1 =	vld [tilespmem:s13+$0x20];
	_ =	sdelay $0x2  }
0x6c: {  	v2 =	vld [tilespmem:s14+$0xFFFFFE20];
	_ =	sdelay $0x4  }
0x6d: {  	[tilespmem:v1+s24+$0x0] =	vst.idx.add.f32.msk $0xffff, v2  }
0x6e: {  	[tilespmem:v1+s25+$0x0] =	vst.idx.add.f32.msk $0xffff, v0  }
0x6f: {  	v1 =	vld [tilespmem:s13+$0x30];
	_ =	sdelay $0x2  }
0x70: {  	v2 =	vld [tilespmem:s14+$0xFFFFFE30];
	_ =	sdelay $0x4  }
0x71: {  	[tilespmem:v1+s24+$0x0] =	vst.idx.add.f32.msk $0xffff, v2  }
0x72: {  	[tilespmem:v1+s25+$0x0] =	vst.idx.add.f32.msk $0xffff, v0  }
0x73: {  	v1 =	vld [tilespmem:s13+$0x40];
	_ =	sdelay $0x2  }
0x74: {  	v2 =	vld [tilespmem:s14+$0xFFFFFE40];
	_ =	sdelay $0x4  }
0x75: {  	[tilespmem:v1+s24+$0x0] =	vst.idx.add.f32.msk $0xffff, v2  }
0x76: {  	[tilespmem:v1+s25+$0x0] =	vst.idx.add.f32.msk $0xffff, v0  }
0x77: {  	v1 =	vld [tilespmem:s13+$0x50];
	_ =	sdelay $0x2  }
0x78: {  	v2 =	vld [tilespmem:s14+$0xFFFFFE50];
	_ =	sdelay $0x4  }
0x79: {  	[tilespmem:v1+s24+$0x0] =	vst.idx.add.f32.msk $0xffff, v2  }
0x7a: {  	[tilespmem:v1+s25+$0x0] =	vst.idx.add.f32.msk $0xffff, v0  }
0x7b: {  	v1 =	vld [tilespmem:s13+$0x60];
	_ =	sdelay $0x2  }
0x7c: {  	v2 =	vld [tilespmem:s14+$0xFFFFFE60];
	_ =	sdelay $0x4  }
0x7d: {  	[tilespmem:v1+s24+$0x0] =	vst.idx.add.f32.msk $0xffff, v2  }
0x7e: {  	[tilespmem:v1+s25+$0x0] =	vst.idx.add.f32.msk $0xffff, v0  }
0x7f: {  	v1 =	vld [tilespmem:s13+$0x70];
	_ =	sdelay $0x2  }
0x80: {  	v2 =	vld [tilespmem:s14+$0xFFFFFE70];
	_ =	sdelay $0x4  }
0x81: {  	[tilespmem:v1+s24+$0x0] =	vst.idx.add.f32.msk $0xffff, v2  }
0x82: {  	[tilespmem:v1+s25+$0x0] =	vst.idx.add.f32.msk $0xffff, v0  }
0x83: {  	v1 =	vld [tilespmem:s13+$0x80];
	_ =	sdelay $0x2  }
0x84: {  	v2 =	vld [tilespmem:s14+$0xFFFFFE80];
	_ =	sdelay $0x4  }
0x85: {  	[tilespmem:v1+s24+$0x0] =	vst.idx.add.f32.msk $0xffff, v2  }
0x86: {  	[tilespmem:v1+s25+$0x0] =	vst.idx.add.f32.msk $0xffff, v0  }
0x87: {  	v1 =	vld [tilespmem:s13+$0x90];
	_ =	sdelay $0x2  }
0x88: {  	v2 =	vld [tilespmem:s14+$0xFFFFFE90];
	_ =	sdelay $0x4  }
0x89: {  	[tilespmem:v1+s24+$0x0] =	vst.idx.add.f32.msk $0xffff, v2  }
0x8a: {  	[tilespmem:v1+s25+$0x0] =	vst.idx.add.f32.msk $0xffff, v0  }
0x8b: {  	v1 =	vld [tilespmem:s13+$0xA0];
	_ =	sdelay $0x2  }
0x8c: {  	v2 =	vld [tilespmem:s14+$0xFFFFFEA0];
	_ =	sdelay $0x4  }
0x8d: {  	[tilespmem:v1+s24+$0x0] =	vst.idx.add.f32.msk $0xffff, v2  }
0x8e: {  	[tilespmem:v1+s25+$0x0] =	vst.idx.add.f32.msk $0xffff, v0  }
0x8f: {  	v1 =	vld [tilespmem:s13+$0xB0];
	_ =	sdelay $0x2  }
0x90: {  	v2 =	vld [tilespmem:s14+$0xFFFFFEB0];
	_ =	sdelay $0x4  }
0x91: {  	[tilespmem:v1+s24+$0x0] =	vst.idx.add.f32.msk $0xffff, v2  }
0x92: {  	[tilespmem:v1+s25+$0x0] =	vst.idx.add.f32.msk $0xffff, v0  }
0x93: {  	v1 =	vld [tilespmem:s13+$0xC0];
	_ =	sdelay $0x2  }
0x94: {  	v2 =	vld [tilespmem:s14+$0xFFFFFEC0];
	_ =	sdelay $0x4  }
0x95: {  	[tilespmem:v1+s24+$0x0] =	vst.idx.add.f32.msk $0xffff, v2  }
0x96: {  	[tilespmem:v1+s25+$0x0] =	vst.idx.add.f32.msk $0xffff, v0  }
0x97: {  	v1 =	vld [tilespmem:s13+$0xD0];
	_ =	sdelay $0x2  }
0x98: {  	v2 =	vld [tilespmem:s14+$0xFFFFFED0];
	_ =	sdelay $0x4  }
0x99: {  	[tilespmem:v1+s24+$0x0] =	vst.idx.add.f32.msk $0xffff, v2  }
0x9a: {  	[tilespmem:v1+s25+$0x0] =	vst.idx.add.f32.msk $0xffff, v0  }
0x9b: {  	v1 =	vld [tilespmem:s13+$0xE0];
	_ =	sdelay $0x2  }
0x9c: {  	v2 =	vld [tilespmem:s14+$0xFFFFFEE0];
	_ =	sdelay $0x4  }
0x9d: {  	[tilespmem:v1+s24+$0x0] =	vst.idx.add.f32.msk $0xffff, v2  }
0x9e: {  	[tilespmem:v1+s25+$0x0] =	vst.idx.add.f32.msk $0xffff, v0  }
0x9f: {  	v1 =	vld [tilespmem:s13+$0xF0];
	_ =	sdelay $0x2  }
0xa0: {  	v2 =	vld [tilespmem:s14+$0xFFFFFEF0];
	_ =	sdelay $0x4  }
0xa1: {  	[tilespmem:v1+s24+$0x0] =	vst.idx.add.f32.msk $0xffff, v2  }
0xa2: {  	[tilespmem:v1+s25+$0x0] =	vst.idx.add.f32.msk $0xffff, v0  }
0xa3: {  	v1 =	vld [tilespmem:s13+$0x100];
	_ =	sdelay $0x2  }
0xa4: {  	v2 =	vld [tilespmem:s14+$0xFFFFFF00];
	_ =	sdelay $0x4  }
0xa5: {  	[tilespmem:v1+s24+$0x0] =	vst.idx.add.f32.msk $0xffff, v2  }
0xa6: {  	[tilespmem:v1+s25+$0x0] =	vst.idx.add.f32.msk $0xffff, v0  }
0xa7: {  	v1 =	vld [tilespmem:s13+$0x110];
	_ =	sdelay $0x2  }
0xa8: {  	v2 =	vld [tilespmem:s14+$0xFFFFFF10];
	_ =	sdelay $0x4  }
0xa9: {  	[tilespmem:v1+s24+$0x0] =	vst.idx.add.f32.msk $0xffff, v2  }
0xaa: {  	[tilespmem:v1+s25+$0x0] =	vst.idx.add.f32.msk $0xffff, v0  }
0xab: {  	v1 =	vld [tilespmem:s13+$0x120];
	_ =	sdelay $0x2  }
0xac: {  	v2 =	vld [tilespmem:s14+$0xFFFFFF20];
	_ =	sdelay $0x4  }
0xad: {  	[tilespmem:v1+s24+$0x0] =	vst.idx.add.f32.msk $0xffff, v2  }
0xae: {  	[tilespmem:v1+s25+$0x0] =	vst.idx.add.f32.msk $0xffff, v0  }
0xaf: {  	v1 =	vld [tilespmem:s13+$0x130];
	_ =	sdelay $0x2  }
0xb0: {  	v2 =	vld [tilespmem:s14+$0xFFFFFF30];
	_ =	sdelay $0x4  }
0xb1: {  	[tilespmem:v1+s24+$0x0] =	vst.idx.add.f32.msk $0xffff, v2  }
0xb2: {  	[tilespmem:v1+s25+$0x0] =	vst.idx.add.f32.msk $0xffff, v0  }
0xb3: {  	v1 =	vld [tilespmem:s13+$0x140];
	_ =	sdelay $0x2  }
0xb4: {  	v2 =	vld [tilespmem:s14+$0xFFFFFF40];
	_ =	sdelay $0x4  }
0xb5: {  	[tilespmem:v1+s24+$0x0] =	vst.idx.add.f32.msk $0xffff, v2  }
0xb6: {  	[tilespmem:v1+s25+$0x0] =	vst.idx.add.f32.msk $0xffff, v0  }
0xb7: {  	v1 =	vld [tilespmem:s13+$0x150];
	_ =	sdelay $0x2  }
0xb8: {  	v2 =	vld [tilespmem:s14+$0xFFFFFF50];
	_ =	sdelay $0x4  }
0xb9: {  	[tilespmem:v1+s24+$0x0] =	vst.idx.add.f32.msk $0xffff, v2  }
0xba: {  	[tilespmem:v1+s25+$0x0] =	vst.idx.add.f32.msk $0xffff, v0  }
0xbb: {  	v1 =	vld [tilespmem:s13+$0x160];
	_ =	sdelay $0x2  }
0xbc: {  	v2 =	vld [tilespmem:s14+$0xFFFFFF60];
	_ =	sdelay $0x4  }
0xbd: {  	[tilespmem:v1+s24+$0x0] =	vst.idx.add.f32.msk $0xffff, v2  }
0xbe: {  	[tilespmem:v1+s25+$0x0] =	vst.idx.add.f32.msk $0xffff, v0  }
0xbf: {  	v1 =	vld [tilespmem:s13+$0x170];
	_ =	sdelay $0x2  }
0xc0: {  	v2 =	vld [tilespmem:s14+$0xFFFFFF70];
	_ =	sdelay $0x4  }
0xc1: {  	[tilespmem:v1+s24+$0x0] =	vst.idx.add.f32.msk $0xffff, v2  }
0xc2: {  	[tilespmem:v1+s25+$0x0] =	vst.idx.add.f32.msk $0xffff, v0  }
0xc3: {  	v1 =	vld [tilespmem:s13+$0x180];
	_ =	sdelay $0x2  }
0xc4: {  	v2 =	vld [tilespmem:s14+$0xFFFFFF80];
	_ =	sdelay $0x4  }
0xc5: {  	[tilespmem:v1+s24+$0x0] =	vst.idx.add.f32.msk $0xffff, v2  }
0xc6: {  	[tilespmem:v1+s25+$0x0] =	vst.idx.add.f32.msk $0xffff, v0  }
0xc7: {  	v1 =	vld [tilespmem:s13+$0x190];
	_ =	sdelay $0x2  }
0xc8: {  	v2 =	vld [tilespmem:s14+$0xFFFFFF90];
	_ =	sdelay $0x4  }
0xc9: {  	[tilespmem:v1+s24+$0x0] =	vst.idx.add.f32.msk $0xffff, v2  }
0xca: {  	[tilespmem:v1+s25+$0x0] =	vst.idx.add.f32.msk $0xffff, v0  }
0xcb: {  	v1 =	vld [tilespmem:s13+$0x1A0];
	_ =	sdelay $0x2  }
0xcc: {  	v2 =	vld [tilespmem:s14+$0xFFFFFFA0];
	_ =	sdelay $0x4  }
0xcd: {  	[tilespmem:v1+s24+$0x0] =	vst.idx.add.f32.msk $0xffff, v2  }
0xce: {  	[tilespmem:v1+s25+$0x0] =	vst.idx.add.f32.msk $0xffff, v0  }
0xcf: {  	v1 =	vld [tilespmem:s13+$0x1B0];
	_ =	sdelay $0x2  }
0xd0: {  	v2 =	vld [tilespmem:s14+$0xFFFFFFB0];
	_ =	sdelay $0x4  }
0xd1: {  	[tilespmem:v1+s24+$0x0] =	vst.idx.add.f32.msk $0xffff, v2  }
0xd2: {  	[tilespmem:v1+s25+$0x0] =	vst.idx.add.f32.msk $0xffff, v0  }
0xd3: {  	v1 =	vld [tilespmem:s13+$0x1C0];
	_ =	sdelay $0x2  }
0xd4: {  	v2 =	vld [tilespmem:s14+$0xFFFFFFC0];
	_ =	sdelay $0x4  }
0xd5: {  	[tilespmem:v1+s24+$0x0] =	vst.idx.add.f32.msk $0xffff, v2  }
0xd6: {  	[tilespmem:v1+s25+$0x0] =	vst.idx.add.f32.msk $0xffff, v0  }
0xd7: {  	v1 =	vld [tilespmem:s13+$0x1D0];
	_ =	sdelay $0x2  }
0xd8: {  	v2 =	vld [tilespmem:s14+$0xFFFFFFD0];
	_ =	sdelay $0x4  }
0xd9: {  	[tilespmem:v1+s24+$0x0] =	vst.idx.add.f32.msk $0xffff, v2  }
0xda: {  	[tilespmem:v1+s25+$0x0] =	vst.idx.add.f32.msk $0xffff, v0  }
0xdb: {  	v1 =	vld [tilespmem:s13+$0x1E0];
	_ =	sdelay $0x2  }
0xdc: {  	v2 =	vld [tilespmem:s14+$0xFFFFFFE0];
	_ =	sdelay $0x4  }
0xdd: {  	[tilespmem:v1+s24+$0x0] =	vst.idx.add.f32.msk $0xffff, v2  }
0xde: {  	[tilespmem:v1+s25+$0x0] =	vst.idx.add.f32.msk $0xffff, v0  }
0xdf: {  	v1 =	vld [tilespmem:s13+$0x1F0];
	_ =	sdelay $0x2  }
0xe0: {  	v2 =	vld [tilespmem:s14+$0xFFFFFFF0];
	_ =	sdelay $0x4  }
0xe1: {  	[tilespmem:v1+s24+$0x0] =	vst.idx.add.f32.msk $0xffff, v2  }
0xe2: {  	[tilespmem:v1+s25+$0x0] =	vst.idx.add.f32.msk $0xffff, v0  }
0xe3: {  	v1 =	vld [tilespmem:s13+$0x200];
	_ =	sdelay $0x2  }
0xe4: {  	v2 =	vld [tilespmem:s14+$0x0];
	_ =	sdelay $0x4  }
0xe5: {  	[tilespmem:v1+s24+$0x0] =	vst.idx.add.f32.msk $0xffff, v2  }
0xe6: {  	[tilespmem:v1+s25+$0x0] =	vst.idx.add.f32.msk $0xffff, v0  }
0xe7: {  	v1 =	vld [tilespmem:s13+$0x210];
	_ =	sdelay $0x2  }
0xe8: {  	v2 =	vld [tilespmem:s14+$0x10];
	_ =	sdelay $0x4  }
0xe9: {  	[tilespmem:v1+s24+$0x0] =	vst.idx.add.f32.msk $0xffff, v2  }
0xea: {  	[tilespmem:v1+s25+$0x0] =	vst.idx.add.f32.msk $0xffff, v0  }
0xeb: {  	v1 =	vld [tilespmem:s13+$0x220];
	_ =	sdelay $0x2  }
0xec: {  	v2 =	vld [tilespmem:s14+$0x20];
	_ =	sdelay $0x4  }
0xed: {  	[tilespmem:v1+s24+$0x0] =	vst.idx.add.f32.msk $0xffff, v2  }
0xee: {  	[tilespmem:v1+s25+$0x0] =	vst.idx.add.f32.msk $0xffff, v0  }
0xef: {  	v1 =	vld [tilespmem:s13+$0x230];
	_ =	sdelay $0x2  }
0xf0: {  	v2 =	vld [tilespmem:s14+$0x30];
	_ =	sdelay $0x4  }
0xf1: {  	[tilespmem:v1+s24+$0x0] =	vst.idx.add.f32.msk $0xffff, v2  }
0xf2: {  	[tilespmem:v1+s25+$0x0] =	vst.idx.add.f32.msk $0xffff, v0  }
0xf3: {  	v1 =	vld [tilespmem:s13+$0x240];
	_ =	sdelay $0x2  }
0xf4: {  	v2 =	vld [tilespmem:s14+$0x40];
	_ =	sdelay $0x4  }
0xf5: {  	[tilespmem:v1+s24+$0x0] =	vst.idx.add.f32.msk $0xffff, v2  }
0xf6: {  	[tilespmem:v1+s25+$0x0] =	vst.idx.add.f32.msk $0xffff, v0  }
0xf7: {  	v1 =	vld [tilespmem:s13+$0x250];
	_ =	sdelay $0x2  }
0xf8: {  	v2 =	vld [tilespmem:s14+$0x50];
	_ =	sdelay $0x4  }
0xf9: {  	[tilespmem:v1+s24+$0x0] =	vst.idx.add.f32.msk $0xffff, v2  }
0xfa: {  	[tilespmem:v1+s25+$0x0] =	vst.idx.add.f32.msk $0xffff, v0  }
0xfb: {  	v1 =	vld [tilespmem:s13+$0x260];
	_ =	sdelay $0x2  }
0xfc: {  	v2 =	vld [tilespmem:s14+$0x60];
	_ =	sdelay $0x4  }
0xfd: {  	[tilespmem:v1+s24+$0x0] =	vst.idx.add.f32.msk $0xffff, v2  }
0xfe: {  	[tilespmem:v1+s25+$0x0] =	vst.idx.add.f32.msk $0xffff, v0  }
0xff: {  	v1 =	vld [tilespmem:s13+$0x270];
	_ =	sdelay $0x2  }
0x100: {  	v2 =	vld [tilespmem:s14+$0x70];
	_ =	sdelay $0x4  }
0x101: {  	[tilespmem:v1+s24+$0x0] =	vst.idx.add.f32.msk $0xffff, v2  }
0x102: {  	[tilespmem:v1+s25+$0x0] =	vst.idx.add.f32.msk $0xffff, v0  }
0x103: {  	v1 =	vld [tilespmem:s13+$0x280];
	_ =	sdelay $0x2  }
0x104: {  	v2 =	vld [tilespmem:s14+$0x80];
	_ =	sdelay $0x4  }
0x105: {  	[tilespmem:v1+s24+$0x0] =	vst.idx.add.f32.msk $0xffff, v2  }
0x106: {  	[tilespmem:v1+s25+$0x0] =	vst.idx.add.f32.msk $0xffff, v0  }
0x107: {  	v1 =	vld [tilespmem:s13+$0x290];
	_ =	sdelay $0x2  }
0x108: {  	v2 =	vld [tilespmem:s14+$0x90];
	_ =	sdelay $0x4  }
0x109: {  	[tilespmem:v1+s24+$0x0] =	vst.idx.add.f32.msk $0xffff, v2  }
0x10a: {  	[tilespmem:v1+s25+$0x0] =	vst.idx.add.f32.msk $0xffff, v0  }
0x10b: {  	v1 =	vld [tilespmem:s13+$0x2A0];
	_ =	sdelay $0x2  }
0x10c: {  	v2 =	vld [tilespmem:s14+$0xA0];
	_ =	sdelay $0x4  }
0x10d: {  	[tilespmem:v1+s24+$0x0] =	vst.idx.add.f32.msk $0xffff, v2  }
0x10e: {  	[tilespmem:v1+s25+$0x0] =	vst.idx.add.f32.msk $0xffff, v0  }
0x10f: {  	v1 =	vld [tilespmem:s13+$0x2B0];
	_ =	sdelay $0x2  }
0x110: {  	v2 =	vld [tilespmem:s14+$0xB0];
	_ =	sdelay $0x4  }
0x111: {  	[tilespmem:v1+s24+$0x0] =	vst.idx.add.f32.msk $0xffff, v2  }
0x112: {  	[tilespmem:v1+s25+$0x0] =	vst.idx.add.f32.msk $0xffff, v0  }
0x113: {  	v1 =	vld [tilespmem:s13+$0x2C0];
	_ =	sdelay $0x2  }
0x114: {  	v2 =	vld [tilespmem:s14+$0xC0];
	_ =	sdelay $0x4  }
0x115: {  	[tilespmem:v1+s24+$0x0] =	vst.idx.add.f32.msk $0xffff, v2  }
0x116: {  	[tilespmem:v1+s25+$0x0] =	vst.idx.add.f32.msk $0xffff, v0  }
0x117: {  	v1 =	vld [tilespmem:s13+$0x2D0];
	_ =	sdelay $0x2  }
0x118: {  	v2 =	vld [tilespmem:s14+$0xD0];
	_ =	sdelay $0x4  }
0x119: {  	[tilespmem:v1+s24+$0x0] =	vst.idx.add.f32.msk $0xffff, v2  }
0x11a: {  	[tilespmem:v1+s25+$0x0] =	vst.idx.add.f32.msk $0xffff, v0  }
0x11b: {  	v1 =	vld [tilespmem:s13+$0x2E0];
	_ =	sdelay $0x2  }
0x11c: {  	v2 =	vld [tilespmem:s14+$0xE0];
	_ =	sdelay $0x4  }
0x11d: {  	[tilespmem:v1+s24+$0x0] =	vst.idx.add.f32.msk $0xffff, v2  }
0x11e: {  	[tilespmem:v1+s25+$0x0] =	vst.idx.add.f32.msk $0xffff, v0  }
0x11f: {  	v1 =	vld [tilespmem:s13+$0x2F0];
	_ =	sdelay $0x2  }
0x120: {  	v2 =	vld [tilespmem:s14+$0xF0];
	_ =	sdelay $0x4  }
0x121: {  	[tilespmem:v1+s24+$0x0] =	vst.idx.add.f32.msk $0xffff, v2  }
0x122: {  	[tilespmem:v1+s25+$0x0] =	vst.idx.add.f32.msk $0xffff, v0  }
0x123: {  	v1 =	vld [tilespmem:s13+$0x300];
	_ =	sdelay $0x2  }
0x124: {  	v2 =	vld [tilespmem:s14+$0x100];
	_ =	sdelay $0x4  }
0x125: {  	[tilespmem:v1+s24+$0x0] =	vst.idx.add.f32.msk $0xffff, v2  }
0x126: {  	[tilespmem:v1+s25+$0x0] =	vst.idx.add.f32.msk $0xffff, v0  }
0x127: {  	v1 =	vld [tilespmem:s13+$0x310];
	_ =	sdelay $0x2  }
0x128: {  	v2 =	vld [tilespmem:s14+$0x110];
	_ =	sdelay $0x4  }
0x129: {  	[tilespmem:v1+s24+$0x0] =	vst.idx.add.f32.msk $0xffff, v2  }
0x12a: {  	[tilespmem:v1+s25+$0x0] =	vst.idx.add.f32.msk $0xffff, v0  }
0x12b: {  	v1 =	vld [tilespmem:s13+$0x320];
	_ =	sdelay $0x2  }
0x12c: {  	v2 =	vld [tilespmem:s14+$0x120];
	_ =	sdelay $0x4  }
0x12d: {  	[tilespmem:v1+s24+$0x0] =	vst.idx.add.f32.msk $0xffff, v2  }
0x12e: {  	[tilespmem:v1+s25+$0x0] =	vst.idx.add.f32.msk $0xffff, v0  }
0x12f: {  	v1 =	vld [tilespmem:s13+$0x330];
	_ =	sdelay $0x2  }
0x130: {  	v2 =	vld [tilespmem:s14+$0x130];
	_ =	sdelay $0x4  }
0x131: {  	[tilespmem:v1+s24+$0x0] =	vst.idx.add.f32.msk $0xffff, v2  }
0x132: {  	[tilespmem:v1+s25+$0x0] =	vst.idx.add.f32.msk $0xffff, v0  }
0x133: {  	v1 =	vld [tilespmem:s13+$0x340];
	_ =	sdelay $0x2  }
0x134: {  	v2 =	vld [tilespmem:s14+$0x140];
	_ =	sdelay $0x4  }
0x135: {  	[tilespmem:v1+s24+$0x0] =	vst.idx.add.f32.msk $0xffff, v2  }
0x136: {  	[tilespmem:v1+s25+$0x0] =	vst.idx.add.f32.msk $0xffff, v0  }
0x137: {  	v1 =	vld [tilespmem:s13+$0x350];
	_ =	sdelay $0x2  }
0x138: {  	v2 =	vld [tilespmem:s14+$0x150];
	_ =	sdelay $0x4  }
0x139: {  	[tilespmem:v1+s24+$0x0] =	vst.idx.add.f32.msk $0xffff, v2  }
0x13a: {  	[tilespmem:v1+s25+$0x0] =	vst.idx.add.f32.msk $0xffff, v0  }
0x13b: {  	v1 =	vld [tilespmem:s13+$0x360];
	_ =	sdelay $0x2  }
0x13c: {  	v2 =	vld [tilespmem:s14+$0x160];
	_ =	sdelay $0x4  }
0x13d: {  	[tilespmem:v1+s24+$0x0] =	vst.idx.add.f32.msk $0xffff, v2  }
0x13e: {  	[tilespmem:v1+s25+$0x0] =	vst.idx.add.f32.msk $0xffff, v0  }
0x13f: {  	v1 =	vld [tilespmem:s13+$0x370];
	_ =	sdelay $0x2  }
0x140: {  	v2 =	vld [tilespmem:s14+$0x170];
	_ =	sdelay $0x4  }
0x141: {  	[tilespmem:v1+s24+$0x0] =	vst.idx.add.f32.msk $0xffff, v2  }
0x142: {  	[tilespmem:v1+s25+$0x0] =	vst.idx.add.f32.msk $0xffff, v0  }
0x143: {  	v1 =	vld [tilespmem:s13+$0x380];
	_ =	sdelay $0x2  }
0x144: {  	v2 =	vld [tilespmem:s14+$0x180];
	_ =	sdelay $0x4  }
0x145: {  	[tilespmem:v1+s24+$0x0] =	vst.idx.add.f32.msk $0xffff, v2  }
0x146: {  	[tilespmem:v1+s25+$0x0] =	vst.idx.add.f32.msk $0xffff, v0  }
0x147: {  	v1 =	vld [tilespmem:s13+$0x390];
	_ =	sdelay $0x2  }
0x148: {  	v2 =	vld [tilespmem:s14+$0x190];
	_ =	sdelay $0x4  }
0x149: {  	[tilespmem:v1+s24+$0x0] =	vst.idx.add.f32.msk $0xffff, v2  }
0x14a: {  	[tilespmem:v1+s25+$0x0] =	vst.idx.add.f32.msk $0xffff, v0  }
0x14b: {  	v1 =	vld [tilespmem:s13+$0x3A0];
	_ =	sdelay $0x2  }
0x14c: {  	v2 =	vld [tilespmem:s14+$0x1A0];
	_ =	sdelay $0x4  }
0x14d: {  	[tilespmem:v1+s24+$0x0] =	vst.idx.add.f32.msk $0xffff, v2  }
0x14e: {  	[tilespmem:v1+s25+$0x0] =	vst.idx.add.f32.msk $0xffff, v0  }
0x14f: {  	v1 =	vld [tilespmem:s13+$0x3B0];
	_ =	sdelay $0x2  }
0x150: {  	v2 =	vld [tilespmem:s14+$0x1B0];
	_ =	sdelay $0x4  }
0x151: {  	[tilespmem:v1+s24+$0x0] =	vst.idx.add.f32.msk $0xffff, v2  }
0x152: {  	[tilespmem:v1+s25+$0x0] =	vst.idx.add.f32.msk $0xffff, v0  }
0x153: {  	v1 =	vld [tilespmem:s13+$0x3C0];
	_ =	sdelay $0x2  }
0x154: {  	v2 =	vld [tilespmem:s14+$0x1C0];
	_ =	sdelay $0x4  }
0x155: {  	[tilespmem:v1+s24+$0x0] =	vst.idx.add.f32.msk $0xffff, v2  }
0x156: {  	[tilespmem:v1+s25+$0x0] =	vst.idx.add.f32.msk $0xffff, v0  }
0x157: {  	v1 =	vld [tilespmem:s13+$0x3D0];
	_ =	sdelay $0x2  }
0x158: {  	v2 =	vld [tilespmem:s14+$0x1D0];
	_ =	sdelay $0x4  }
0x159: {  	[tilespmem:v1+s24+$0x0] =	vst.idx.add.f32.msk $0xffff, v2  }
0x15a: {  	[tilespmem:v1+s25+$0x0] =	vst.idx.add.f32.msk $0xffff, v0  }
0x15b: {  	v1 =	vld [tilespmem:s13+$0x3E0];
	_ =	sdelay $0x2  }
0x15c: {  	v2 =	vld [tilespmem:s14+$0x1E0];
	_ =	sdelay $0x4  }
0x15d: {  	[tilespmem:v1+s24+$0x0] =	vst.idx.add.f32.msk $0xffff, v2  }
0x15e: {  	[tilespmem:v1+s25+$0x0] =	vst.idx.add.f32.msk $0xffff, v0  }
0x15f: {  	v1 =	vld [tilespmem:s13+$0x3F0];
	_ =	sdelay $0x2  }
0x160: {  	v2 =	vld [tilespmem:s14+$0x1F0];
	_ =	sdelay $0x4  }
0x161: {  	[tilespmem:v1+s24+$0x0] =	vst.idx.add.f32.msk $0xffff, v2  }
0x162: {  	[tilespmem:v1+s25+$0x0] =	vst.idx.add.f32.msk $0xffff, v0  }
0x163: {  	_ =	swait.ge [sflag:s1], $0x4000  }
0x164: {  	p1 =	sge.u32 s11, s9;
	[sflag:s1] =	ssyncset.done $0x0  }
0x165: {  	s7 =	sadd.s32 $0x10000, s7;
	s0 =	simm.s32 @!p1 $0x400;
	[sflag:s1] =	ssyncadd.s32 $0xFFFFC000  }
0x166: {  	[tilespmem:s15], [sflag:$0x1] =	stream.indirect.gather @!p1 [hbm4b:s4+s0], $0x10, s10, s0, $0xb8;
	[tilespmem:$0x1D900] =	vst v63  }
0x167: {  	p1 =	sne.s32 s22, s7  }
.Ltmp4:
0x168: {  	_ = 	snop;
	(pc) =	sbr.rel @p1 .LBB2_6-.Ltmp4, $3  }
0x169: {  	_ =	sdelay $0x1  }
0x16a: {  	s11 =	sadd.s32 $0x1, s11  }
0x16b: {  	s13 =	sadd.s32 $0x400, s13;
	s14 =	sadd.s32 $0x400, s14;
	s10 =	sadd.s32 $0x400, s10  }
0x16c: {  	s0 =	simm.s32 @!p0 $0x80;
	s7 =	simm.s32 @!p0 $0x1000;
	s10 =	simm.s32 @!p0 $0x3C00  }
0x16d: {  	[tilespmem:s10], [sflag:$0x1] =	stream.indirect.gather @!p0 [hbm4b:s4+s0], $0x10, s7, s0, $0xb8;
	[tilespmem:$0x1D900] =	vst v63  }
0x16e: {  	s7 =	simm.s32 @!p0 $0x1  }
0x16f: {  	_ =	swait.ge @!p0 [sflag:s7], $0x800  }
0x170: {  	[sflag:s7] =	ssyncset.done @!p0 $0x0  }
0x171: {  	[sflag:s7] =	ssyncadd.s32 @!p0 $0xFFFFF800;
	s7 =	simm.s32 @!p0 $0x2400  }
0x172: {  	[spmem:s2] =	stream.indirect.scatter.add.bf16 @!p0 [tilespmem:s10], [sflag:$0x4], $0x10, s7, s0, $0xb8;
	[tilespmem:$0x1D900] =	vst v63  }
0x173: {  	s0 =	simm.s32 @!p0 $0x4  }
0x174: {  	_ =	swait.ge @!p0 [sflag:s0], $0x800  }
0x175: {  	[sflag:s0] =	ssyncset.done @!p0 $0x0  }
0x176: {  	[sflag:s0] =	ssyncadd.s32 @!p0 $0xFFFFF800  }
0x177: {  	v1 =	vld @!p0 [tilespmem:$0x2400];
	_ =	sdelay $0x2  }
0x178: {  	v2 =	vld @!p0 [tilespmem:$0x3800];
	_ =	sdelay $0x3  }
0x179: {  	s0 =	simm.s32 @!p0 $0xBC00  }
0x17a: {  	s7 =	simm.s32 @!p0 $0xE400;
	[tilespmem:v1+s0+$0x0] =	vst.idx.add.f32.msk @!p0 $0xffff, v2;
	v2 =	vimm.f32 @!p0 $1.000000000e+00  }
0x17b: {  	[tilespmem:v1+s7+$0x0] =	vst.idx.add.f32.msk @!p0 $0xffff, v2  }
0x17c: {  	v1 =	vld @!p0 [tilespmem:$0x2410];
	_ =	sdelay $0x2  }
0x17d: {  	v3 =	vld @!p0 [tilespmem:$0x3810];
	_ =	sdelay $0x4  }
0x17e: {  	[tilespmem:v1+s0+$0x0] =	vst.idx.add.f32.msk @!p0 $0xffff, v3  }
0x17f: {  	[tilespmem:v1+s7+$0x0] =	vst.idx.add.f32.msk @!p0 $0xffff, v2  }
0x180: {  	v1 =	vld @!p0 [tilespmem:$0x2420];
	_ =	sdelay $0x2  }
0x181: {  	v3 =	vld @!p0 [tilespmem:$0x3820];
	_ =	sdelay $0x4  }
0x182: {  	[tilespmem:v1+s0+$0x0] =	vst.idx.add.f32.msk @!p0 $0xffff, v3  }
0x183: {  	[tilespmem:v1+s7+$0x0] =	vst.idx.add.f32.msk @!p0 $0xffff, v2  }
0x184: {  	v1 =	vld @!p0 [tilespmem:$0x2430];
	_ =	sdelay $0x2  }
0x185: {  	v3 =	vld @!p0 [tilespmem:$0x3830];
	_ =	sdelay $0x4  }
0x186: {  	[tilespmem:v1+s0+$0x0] =	vst.idx.add.f32.msk @!p0 $0xffff, v3  }
0x187: {  	[tilespmem:v1+s7+$0x0] =	vst.idx.add.f32.msk @!p0 $0xffff, v2  }
0x188: {  	v1 =	vld @!p0 [tilespmem:$0x2440];
	_ =	sdelay $0x2  }
0x189: {  	v3 =	vld @!p0 [tilespmem:$0x3840];
	_ =	sdelay $0x4  }
0x18a: {  	[tilespmem:v1+s0+$0x0] =	vst.idx.add.f32.msk @!p0 $0xffff, v3  }
0x18b: {  	[tilespmem:v1+s7+$0x0] =	vst.idx.add.f32.msk @!p0 $0xffff, v2  }
0x18c: {  	v1 =	vld @!p0 [tilespmem:$0x2450];
	_ =	sdelay $0x2  }
0x18d: {  	v3 =	vld @!p0 [tilespmem:$0x3850];
	_ =	sdelay $0x4  }
0x18e: {  	[tilespmem:v1+s0+$0x0] =	vst.idx.add.f32.msk @!p0 $0xffff, v3  }
0x18f: {  	[tilespmem:v1+s7+$0x0] =	vst.idx.add.f32.msk @!p0 $0xffff, v2  }
0x190: {  	v1 =	vld @!p0 [tilespmem:$0x2460];
	_ =	sdelay $0x2  }
0x191: {  	v3 =	vld @!p0 [tilespmem:$0x3860];
	_ =	sdelay $0x4  }
0x192: {  	[tilespmem:v1+s0+$0x0] =	vst.idx.add.f32.msk @!p0 $0xffff, v3  }
0x193: {  	[tilespmem:v1+s7+$0x0] =	vst.idx.add.f32.msk @!p0 $0xffff, v2  }
0x194: {  	v1 =	vld @!p0 [tilespmem:$0x2470];
	_ =	sdelay $0x2  }
0x195: {  	v3 =	vld @!p0 [tilespmem:$0x3870];
	_ =	sdelay $0x4  }
0x196: {  	[tilespmem:v1+s0+$0x0] =	vst.idx.add.f32.msk @!p0 $0xffff, v3  }
0x197: {  	[tilespmem:v1+s7+$0x0] =	vst.idx.add.f32.msk @!p0 $0xffff, v2  }
0x198: {  	[spmem:s12] =	stream.linear.scatter [tilespmem:s24], [sflag:$0x4], $0x2800, $0x38;
	[tilespmem:$0x1D900] =	vst v63  }
0x199: {  	_ =	swait.ge [sflag:s23], $0x2800  }
0x19a: {  	[sflag:s23] =	ssyncset.done $0x0  }
0x19b: {  	s16 =	rddreg [dreg:$0xa];
	[sflag:s23] =	ssyncadd.s32 $0xFFFFD800  }
0x19c: {  	[spmem:s16] =	stream.linear.scatter [tilespmem:s25], [sflag:$0x4], $0x2800, $0x38;
	[tilespmem:$0x1D900] =	vst v63  }
0x19d: {  	_ =	swait.ge [sflag:s23], $0x2800  }
0x19e: {  	[sflag:s23] =	ssyncset.done $0x0  }
0x19f: {  	[sflag:s23] =	ssyncadd.s32 $0xFFFFD800  }
0x1a0: {  	[bflag:$0x0] =	sbarrier.arrive $0xFFFF  }
0x1a1: {  	s13 =	simm.s32 $0x280;
	s19 =	simm.s32 $0x10C00;
	s17 =	rddreg [dreg:$0xb]  }
0x1a2: {  	[tilespmem:s19], [sflag:$0x4] =	stream.strided.gather [spmem:s17], $0x5000, s29, s13, $0x38;
	[tilespmem:$0x1D900] =	vst v63  }
0x1a3: {  	_ =	swait.ge [sflag:s23], $0x5000  }
0x1a4: {  	[sflag:s23] =	ssyncset.done $0x0  }
0x1a5: {  	s7 =	simm.s32 $0x0;
	[sflag:s23] =	ssyncadd.s32 $0xFFFFB000  }
0x1a6: {  	v1 =	vld [tilespmem:s7+$0x10E80]  }
0x1a7: {  	v2 =	vld [tilespmem:s7+$0x10C00]  }
0x1a8: {  	v3 =	vld [tilespmem:s7+$0x11380]  }
0x1a9: {  	v4 =	vld [tilespmem:s7+$0x11100]  }
0x1aa: {  	v5 =	vld [tilespmem:s7+$0x11880]  }
0x1ab: {  	v6 =	vld [tilespmem:s7+$0x11600];
	v1 =	vadd.f32 $0.0e+00, v1  }
0x1ac: {  	v7 =	vld [tilespmem:s7+$0x11D80];
	v2 =	vadd.f32 $0.0e+00, v2  }
0x1ad: {  	v8 =	vld [tilespmem:s7+$0x11B00];
	v1 =	vadd.f32 v3, v1  }
0x1ae: {  	v3 =	vld [tilespmem:s7+$0x12280];
	v2 =	vadd.f32 v4, v2  }
0x1af: {  	v4 =	vld [tilespmem:s7+$0x12000];
	v1 =	vadd.f32 v5, v1  }
0x1b0: {  	v5 =	vld [tilespmem:s7+$0x12780];
	v2 =	vadd.f32 v6, v2  }
0x1b1: {  	v6 =	vld [tilespmem:s7+$0x12500];
	v1 =	vadd.f32 v7, v1  }
0x1b2: {  	v7 =	vld [tilespmem:s7+$0x12C80];
	v2 =	vadd.f32 v8, v2  }
0x1b3: {  	v8 =	vld [tilespmem:s7+$0x12A00];
	v1 =	vadd.f32 v3, v1  }
0x1b4: {  	v3 =	vld [tilespmem:s7+$0x13180];
	v2 =	vadd.f32 v4, v2  }
0x1b5: {  	v4 =	vld [tilespmem:s7+$0x12F00];
	v1 =	vadd.f32 v5, v1  }
0x1b6: {  	v5 =	vld [tilespmem:s7+$0x13680];
	v2 =	vadd.f32 v6, v2  }
0x1b7: {  	v6 =	vld [tilespmem:s7+$0x13400];
	v1 =	vadd.f32 v7, v1  }
0x1b8: {  	v7 =	vld [tilespmem:s7+$0x13B80];
	v2 =	vadd.f32 v8, v2  }
0x1b9: {  	v8 =	vld [tilespmem:s7+$0x13900];
	v1 =	vadd.f32 v3, v1  }
0x1ba: {  	v3 =	vld [tilespmem:s7+$0x14080];
	v2 =	vadd.f32 v4, v2  }
0x1bb: {  	v4 =	vld [tilespmem:s7+$0x13E00];
	v1 =	vadd.f32 v5, v1  }
0x1bc: {  	v5 =	vld [tilespmem:s7+$0x14580];
	v2 =	vadd.f32 v6, v2  }
0x1bd: {  	v6 =	vld [tilespmem:s7+$0x14300];
	v1 =	vadd.f32 v7, v1  }
0x1be: {  	v7 =	vld [tilespmem:s7+$0x14A80];
	v2 =	vadd.f32 v8, v2  }
0x1bf: {  	v8 =	vld [tilespmem:s7+$0x14800];
	v3 =	vadd.f32 v3, v1  }
0x1c0: {  	v9 =	vld [tilespmem:s7+$0x14F80];
	v2 =	vadd.f32 v4, v2  }
0x1c1: {  	v1 =	vld [tilespmem:s7+$0x14D00];
	v4 =	vadd.f32 v5, v3  }
0x1c2: {  	v3 =	vld [tilespmem:s7+$0x15480];
	v5 =	vadd.f32 v6, v2  }
0x1c3: {  	v2 =	vld [tilespmem:s7+$0x15200];
	v7 =	vadd.f32 v7, v4  }
0x1c4: {  	v4 =	vld [tilespmem:s7+$0x15980];
	v6 =	vadd.f32 v8, v5  }
0x1c5: {  	s11 =	simm.s32 $0x80;
	s10 =	simm.s32 $0x10;
	v5 =	vld [tilespmem:s7+$0x15700];
	v7 =	vadd.f32 v9, v7  }
.LBB2_8:
0x1c6: {  	p1 =	sne.s32 s11, $0x9C0;
	v8 =	vld [tilespmem:s10+$0x10E80];
	v1 =	vadd.f32 v1, v6  }
0x1c7: {  	v6 =	vld [tilespmem:s10+$0x10C00];
	v3 =	vadd.f32 v3, v7  }
0x1c8: {  	v7 =	vld [tilespmem:s10+$0x11380];
	v1 =	vadd.f32 v2, v1  }
0x1c9: {  	v2 =	vld [tilespmem:s10+$0x11100];
	v3 =	vadd.f32 v4, v3  }
0x1ca: {  	v4 =	vld [tilespmem:s10+$0x11880];
	v1 =	vadd.f32 v5, v1  }
0x1cb: {  	v5 =	vld [tilespmem:s10+$0x11600];
	v8 =	vadd.f32 $0.0e+00, v8;
	[tilespmem:s7+$0x15E80] =	vst v3  }
0x1cc: {  	v3 =	vadd.f32 $0.0e+00, v6;
	v6 =	vld [tilespmem:s10+$0x11D80];
	[tilespmem:s7+$0x15C00] =	vst v1;
	s7 =	smov.u32 s10  }
0x1cd: {  	v1 =	vld [tilespmem:s7+$0x11B00];
	v7 =	vadd.f32 v7, v8  }
0x1ce: {  	v2 =	vadd.f32 v2, v3;
	v3 =	vld [tilespmem:s7+$0x12280]  }
0x1cf: {  	v8 =	vld [tilespmem:s7+$0x12000];
	v4 =	vadd.f32 v4, v7  }
0x1d0: {  	v2 =	vadd.f32 v5, v2;
	v5 =	vld [tilespmem:s7+$0x12780]  }
0x1d1: {  	v7 =	vld [tilespmem:s7+$0x12500];
	v4 =	vadd.f32 v6, v4  }
0x1d2: {  	v1 =	vadd.f32 v1, v2;
	v2 =	vld [tilespmem:s7+$0x12C80]  }
0x1d3: {  	v6 =	vld [tilespmem:s7+$0x12A00];
	v3 =	vadd.f32 v3, v4  }
0x1d4: {  	v1 =	vadd.f32 v8, v1;
	v4 =	vld [tilespmem:s7+$0x13180]  }
0x1d5: {  	v8 =	vld [tilespmem:s7+$0x12F00];
	v3 =	vadd.f32 v5, v3  }
0x1d6: {  	v1 =	vadd.f32 v7, v1;
	v5 =	vld [tilespmem:s7+$0x13680]  }
0x1d7: {  	v7 =	vld [tilespmem:s7+$0x13400];
	v2 =	vadd.f32 v2, v3  }
0x1d8: {  	v1 =	vadd.f32 v6, v1;
	v3 =	vld [tilespmem:s7+$0x13B80]  }
0x1d9: {  	v6 =	vld [tilespmem:s7+$0x13900];
	v2 =	vadd.f32 v4, v2  }
0x1da: {  	v1 =	vadd.f32 v8, v1;
	v4 =	vld [tilespmem:s7+$0x14080]  }
0x1db: {  	v8 =	vld [tilespmem:s7+$0x13E00];
	v2 =	vadd.f32 v5, v2  }
0x1dc: {  	v1 =	vadd.f32 v7, v1;
	v5 =	vld [tilespmem:s7+$0x14580]  }
0x1dd: {  	v7 =	vld [tilespmem:s7+$0x14300];
	v2 =	vadd.f32 v3, v2  }
0x1de: {  	v1 =	vadd.f32 v6, v1;
	v6 =	vld [tilespmem:s7+$0x14A80]  }
0x1df: {  	v9 =	vld [tilespmem:s7+$0x14800];
	v2 =	vadd.f32 v4, v2  }
0x1e0: {  	v3 =	vadd.f32 v8, v1;
	v8 =	vld [tilespmem:s7+$0x14F80]  }
.Ltmp5:
0x1e1: {  	v1 =	vld [tilespmem:s7+$0x14D00];
	v4 =	vadd.f32 v5, v2;
	(pc) =	sbr.rel @p1 .LBB2_8-.Ltmp5, $4  }
0x1e2: {  	v5 =	vadd.f32 v7, v3;
	v3 =	vld [tilespmem:s7+$0x15480]  }
0x1e3: {  	v2 =	vld [tilespmem:s7+$0x15200];
	v7 =	vadd.f32 v6, v4  }
0x1e4: {  	v6 =	vadd.f32 v9, v5;
	v4 =	vld [tilespmem:s7+$0x15980]  }
0x1e5: {  	s10 =	sshra.s32 s11, $0x2;
	s11 =	sadd.s32 $0x40, s11;
	v5 =	vld [tilespmem:s7+$0x15700];
	v7 =	vadd.f32 v8, v7  }
0x1e6: {  	v8 =	vld [tilespmem:s10+$0x10E80];
	v1 =	vadd.f32 v1, v6  }
0x1e7: {  	v9 =	vld [tilespmem:s10+$0x10C00];
	v3 =	vadd.f32 v3, v7  }
0x1e8: {  	v38 =	vld [tilespmem:s10+$0x11380];
	v1 =	vadd.f32 v2, v1  }
0x1e9: {  	v39 =	vld [tilespmem:s10+$0x11100];
	v2 =	vadd.f32 v4, v3  }
0x1ea: {  	v3 =	vld [tilespmem:s10+$0x11880];
	v1 =	vadd.f32 v5, v1  }
0x1eb: {  	v40 =	vld [tilespmem:s10+$0x11600];
	[tilespmem:s7+$0x15E80] =	vst v2;
	v2 =	vadd.f32 $0.0e+00, v8  }
0x1ec: {  	v42 =	vadd.f32 $0.0e+00, v9;
	v41 =	vld [tilespmem:s10+$0x11D80];
	[tilespmem:s7+$0x15C00] =	vst v1  }
0x1ed: {  	v1 =	vld [tilespmem:s10+$0x11B00];
	v2 =	vadd.f32 v38, v2  }
0x1ee: {  	v43 =	vadd.f32 v39, v42;
	v44 =	vld [tilespmem:s10+$0x12280]  }
0x1ef: {  	v45 =	vld [tilespmem:s10+$0x12000];
	v2 =	vadd.f32 v3, v2  }
0x1f0: {  	v46 =	vld [tilespmem:s10+$0x12780];
	v3 =	vadd.f32 v40, v43  }
0x1f1: {  	v47 =	vld [tilespmem:s10+$0x12500];
	v2 =	vadd.f32 v41, v2  }
0x1f2: {  	v1 =	vadd.f32 v1, v3;
	v3 =	vld [tilespmem:s10+$0x12C80]  }
0x1f3: {  	v48 =	vld [tilespmem:s10+$0x12A00];
	v2 =	vadd.f32 v44, v2  }
0x1f4: {  	v49 =	vld [tilespmem:s10+$0x13180];
	v1 =	vadd.f32 v45, v1  }
0x1f5: {  	v50 =	vld [tilespmem:s10+$0x12F00];
	v2 =	vadd.f32 v46, v2  }
0x1f6: {  	v51 =	vld [tilespmem:s10+$0x13680];
	v1 =	vadd.f32 v47, v1  }
0x1f7: {  	v52 =	vld [tilespmem:s10+$0x13400];
	v2 =	vadd.f32 v3, v2  }
0x1f8: {  	v3 =	vld [tilespmem:s10+$0x13B80];
	v1 =	vadd.f32 v48, v1  }
0x1f9: {  	v53 =	vld [tilespmem:s10+$0x13900];
	v2 =	vadd.f32 v49, v2  }
0x1fa: {  	v54 =	vld [tilespmem:s10+$0x14080];
	v1 =	vadd.f32 v50, v1  }
0x1fb: {  	v55 =	vld [tilespmem:s10+$0x13E00];
	v2 =	vadd.f32 v51, v2  }
0x1fc: {  	v56 =	vld [tilespmem:s10+$0x14580];
	v1 =	vadd.f32 v52, v1  }
0x1fd: {  	v57 =	vld [tilespmem:s10+$0x14300];
	v2 =	vadd.f32 v3, v2  }
0x1fe: {  	v3 =	vld [tilespmem:s10+$0x14A80];
	v1 =	vadd.f32 v53, v1  }
0x1ff: {  	v58 =	vld [tilespmem:s10+$0x14800];
	v2 =	vadd.f32 v54, v2  }
0x200: {  	v59 =	vld [tilespmem:s10+$0x14F80];
	v1 =	vadd.f32 v55, v1  }
0x201: {  	v60 =	vld [tilespmem:s10+$0x14D00];
	v2 =	vadd.f32 v56, v2  }
0x202: {  	v61 =	vld [tilespmem:s10+$0x15480];
	v1 =	vadd.f32 v57, v1  }
0x203: {  	v62 =	vld [tilespmem:s10+$0x15200];
	v2 =	vadd.f32 v3, v2  }
0x204: {  	v3 =	vld [tilespmem:s10+$0x15980];
	v1 =	vadd.f32 v58, v1  }
0x205: {  	v63 =	vld [tilespmem:s10+$0x15700];
	v2 =	vadd.f32 v59, v2  }
0x206: {  	v1 =	vadd.f32 v60, v1  }
0x207: {  	v2 =	vadd.f32 v61, v2  }
0x208: {  	v1 =	vadd.f32 v62, v1  }
0x209: {  	v2 =	vadd.f32 v3, v2  }
0x20a: {  	v1 =	vadd.f32 v63, v1  }
0x20b: {  	[tilespmem:s10+$0x15E80] =	vst v2  }
0x20c: {  	s0 =	rddreg [dreg:$0xc];
	s16 =	simm.s32 $0x15C00;
	[tilespmem:s10+$0x15C00] =	vst v1  }
0x20d: {  	[hbm4b:s0+s13] =	stream.strided.scatter [tilespmem:s16], [sflag:$0x4], $0x500, s29, s13, $0x38;
	[tilespmem:$0x1D900] =	vst v63  }
0x20e: {  	_ =	swait.ge [sflag:s23], $0x500  }
0x20f: {  	[sflag:s23] =	ssyncset.done $0x0  }
0x210: {  	s17 =	rddreg [dreg:$0xd];
	[sflag:s23] =	ssyncadd.s32 $0xFFFFFB00  }
0x211: {  	[hbm:s17], [sflag:s8] =	dma.local [spmem:s5], $0x500  }
0x212: {  	_ =	swait.ge [sflag:s23], $0x500  }
0x213: {  	s30 =	sadd.s32 $0x1, s30;
	s19 =	rddreg [dreg:$0xe]  }
0x214: {  	p1 =	sne.s32 s30, s19  }
.Ltmp6:
0x215: {  	_ = 	snop;
	(pc) =	sbr.rel @p1 .LBB2_1-.Ltmp6, $3  }
0x216: {  	_ =	sdelay $0x1  }
0x217: {  	[sflag:s23] =	ssyncset.done $0x0  }
0x218: {  	[sflag:s23] =	ssyncadd.s32 $0xFFFFFB00  }
0x219: {  	_ =	sfence.sel $0x180000  }
0x21a: {  	[bflag:$0x0] =	sbarrier.arrive $0xFFFF  }
0x21b: {  	_ =	strace $0x90000047  }
0x21c: {  	s0 =	stileid.u32;
	[bflag:$0x2] =	sbarrier.arrive $0xFFFF  }
0x21d: {  	p0 =	sne.s32 s0, $0x0;
	s0 =	rddreg [dreg:$0x4]  }
0x21e: {  	s0 =	sadd.s32 @!p0 $0x100000, s0  }
0x21f: {  	[sflag:s0] =	ssyncadd.tile.s32 @!p0 $0x1;
	_ =	shalt  }
.Lfunc_end2:
_tile_overlayer_lowered:
.L_overlay_start_2:
0x220: {  	(tag) =	ssettag $0x2  }
0x221: {  	s0 =	rddreg [dreg:$0x0];
	s2 =	stileid.u32  }
0x222: {  	s1 =	rddreg [dreg:$0x1];
	p0 =	sne.s32 s2, $0x0  }
0x223: {  	s3 =	rddreg [dreg:$0x2];
	[bflag:$0x3] =	sbarrier.arrive $0xFFFF;
	s2 =	simm.s32 @!p0 $0x1C04  }
0x224: {  	[timem:s3], [sflag:s2] =	dma.local @!p0 [hbm:s0], s1  }
0x225: {  	s0 =	simm.s32 @!p0 $0x4  }
0x226: {  	_ =	swait.ge @!p0 [sflag:s0], s1  }
0x227: {  	s1 =	ssub.s32 @!p0 $0x0, s1;
	[sflag:s0] =	ssyncset.done @!p0 $0x0  }
0x228: {  	[sflag:s0] =	ssyncadd.s32 @!p0 s1  }
0x229: {  	[bflag:$0x3] =	sbarrier.arrive $0xFFFF  }
0x22a: {  	_ =	shalt  }

</sc_bundles>
